<compile_context>
chip_gen: v7x
topology: tpu7x:2x2x1
jax: 0.10.2.dev20260603
libtpu: 0.0.44.dev20260713+nightly
codegen_flags: <defaults>
</compile_context>

<pallas_src>
import jax
import jax.numpy as jnp
from jax.experimental import pallas as pl
from jax.experimental.pallas import tpu as pltpu
from jax.experimental.pallas import tpu_sc as plsc

_LANES = 16
_CHUNK_ROWS = 16
_PAIR = 2


def _sc_add(x2, pos_table):
    (bm, d) = x2.shape
    (m, _) = pos_table.shape
    b = bm // m
    n_pairs = b // _PAIR
    m_chunks = m // _CHUNK_ROWS

    mesh = plsc.VectorSubcoreMesh(
        core_axis_name="core", subcore_axis_name="subcore"
    )

    @pl.kernel(out_type=jax.ShapeDtypeStruct((bm, d), x2.dtype), mesh=mesh)
    def k(x_hbm, pos_hbm, o_hbm):
        def body(*refs):
            xs = refs[:_PAIR]
            pos_v = refs[_PAIR]
            os_ = refs[_PAIR + 1:]

            @plsc.parallel_loop(0, d, step=_LANES, unroll=2)
            def _(c):
                for r in range(_CHUNK_ROWS):
                    slc = (pl.ds(r, 1), pl.ds(c, _LANES))
                    p = pos_v.at[*slc][...]
                    for xi, oi in zip(xs, os_):
                        oi.at[*slc][...] = xi.at[*slc][...] + p

        blk = (_CHUNK_ROWS, d)
        x_specs = [
            pl.BlockSpec(
                block_shape=blk,
                index_map=lambda i, j, bb=bb: ((j * _PAIR + bb) * m_chunks + i, 0),
            )
            for bb in range(_PAIR)
        ]
        pos_spec = pl.BlockSpec(block_shape=blk, index_map=lambda i, j: (i, 0))
        pltpu.emit_pipeline(
            body,
            grid=(m_chunks, n_pairs),
            in_specs=x_specs + [pos_spec],
            out_specs=list(x_specs),
            core_axis_name=("core", "subcore"),
            dimension_semantics=(pltpu.PARALLEL, pltpu.ARBITRARY),
        )(*([x_hbm] * _PAIR), pos_hbm, *([o_hbm] * _PAIR))

    return k(x2, pos_table)


def kernel(x, pos_table):
    b, m, d = x.shape
    out2 = _sc_add(x.reshape(b * m, d), pos_table)
    return out2.reshape(b, m, d)

# --- scband reference (transcript-rebuilt; emitter-appended) ---
"""Pipeline reference for scband-token-and-position-embedding-64115271794801 (READ-ONLY COPY).

The authoritative reference and input builder live on the scoring server;
editing this copy changes nothing except your own understanding.
"""

import jax, jax.numpy as jnp
import numpy as np

MAXLEN = 8192
EMBED_DIM = 768
BATCH = 4

def setup_inputs(seed: int = 0) -> dict:
    key = jax.random.key(seed)
    k1, k2 = jax.random.split(key)
    x = jax.random.normal(k1, (BATCH, MAXLEN, EMBED_DIM), dtype=jnp.float32)
    pos_table = jax.random.normal(k2, (MAXLEN, EMBED_DIM), dtype=jnp.float32) * 0.02
    return {"x": x, "pos_table": pos_table}

def reference(x, pos_table):
    # positions = range(0, maxlen); embedding lookup; broadcast add over batch
    positions = jnp.arange(MAXLEN, dtype=jnp.int32)
    pos = jnp.take(pos_table, positions, axis=0)  # [maxlen, embed_dim]
    return x + pos[None, :, :]

if __name__ == "__main__":
    import jax
    _d = setup_inputs()
    print(jax.jit(kernel)(*tuple(_d.values())))

</pallas_src>

<mosaic_0001>
#map = affine_map<(d0, d1) -> (0, 0)>
module attributes {stable_mosaic.version = 14 : i64} {
  func.func @k(%arg0: i32, %arg1: i32, %arg2: memref<32768x768xf32, #tpu.memory_space<hbm>>, %arg3: memref<8192x768xf32, #tpu.memory_space<hbm>>, %arg4: memref<32768x768xf32, #tpu.memory_space<hbm>>) attributes {dimension_semantics = [#tpu.dimension_semantics<core_parallel>, #tpu.dimension_semantics<subcore_parallel>], iteration_bounds = array<i64: 2, 16>, scalar_prefetch = 0 : i64, scratch_operands = 0 : i64, tpu.core_type = #tpu.core_type<sc_vector_subcore>, window_params = [{transform_indices = #map}, {transform_indices = #map}, {transform_indices = #map}]} {
    %mul3A = arith.constant 1 : i32
    %mul3A_0 = arith.muli %arg1, %mul3A : i32
    %add3A = arith.constant 0 : i32
    %add3A_1 = arith.addi %add3A, %mul3A_0 : i32
    %mul3A_2 = arith.constant 16 : i32
    %mul3A_3 = arith.muli %arg0, %mul3A_2 : i32
    %add3A_4 = arith.addi %add3A_1, %mul3A_3 : i32
    %mul3A_5 = arith.constant 16 : i32
    %mul3A_6 = arith.muli %add3A_4, %mul3A_5 : i32
    "tpu.region"() ({
      %run_scoped3A = memref.alloca() : memref<2x16x768xf32, #tpu.memory_space<vmem>>
      %run_scoped3A_7 = tpu.sem_alloc : memref<2x!tpu.dma_semaphore, #tpu.memory_space<semaphore_mem>>
      %run_scoped3A_8 = memref.alloca() : memref<2x16x768xf32, #tpu.memory_space<vmem>>
      %run_scoped3A_9 = tpu.sem_alloc : memref<2x!tpu.dma_semaphore, #tpu.memory_space<semaphore_mem>>
      %run_scoped3A_10 = memref.alloca() : memref<2x16x768xf32, #tpu.memory_space<vmem>>
      %run_scoped3A_11 = tpu.sem_alloc : memref<2x!tpu.dma_semaphore, #tpu.memory_space<semaphore_mem>>
      %run_scoped3A_12 = memref.alloca() : memref<2x16x768xf32, #tpu.memory_space<vmem>>
      %run_scoped3A_13 = tpu.sem_alloc : memref<2x!tpu.dma_semaphore, #tpu.memory_space<semaphore_mem>>
      %run_scoped3A_14 = memref.alloca() : memref<2x16x768xf32, #tpu.memory_space<vmem>>
      %run_scoped3A_15 = tpu.sem_alloc : memref<2x!tpu.dma_semaphore, #tpu.memory_space<semaphore_mem>>
      %add3A_16 = arith.constant 0 : i32
      %add3A_17 = arith.addi %add3A_16, %mul3A_6 : i32
      %select_n3A = arith.constant true
      %select_n3A_18 = arith.constant 0 : i32
      %select_n3A_19 = arith.constant -1 : i32
      %select_n3A_20 = arith.select %select_n3A, %select_n3A_19, %select_n3A_18 : i32
      %eq3A = arith.constant -1 : i32
      %eq3A_21 = arith.cmpi eq, %select_n3A_20, %eq3A : i32
      %select_n3A_22 = arith.constant 1 : i32
      %select_n3A_23 = arith.select %eq3A_21, %select_n3A_22, %select_n3A_20 : i32
      %select_n3A_24 = arith.constant 0 : i32
      %select_n3A_25 = arith.constant -1 : i32
      %select_n3A_26 = arith.select %eq3A_21, %select_n3A_25, %select_n3A_24 : i32
      %eq3A_27 = arith.constant -1 : i32
      %eq3A_28 = arith.cmpi eq, %select_n3A_26, %eq3A_27 : i32
      %select_n3A_29 = arith.constant 15 : i32
      %select_n3A_30 = arith.select %eq3A_28, %select_n3A_29, %select_n3A_26 : i32
      %add3A_31 = arith.addi %select_n3A_30, %mul3A_6 : i32
      %add3A_32 = arith.constant 0 : i32
      %add3A_33 = arith.addi %select_n3A_23, %add3A_32 : i32
      %select_n3A_34 = arith.constant true
      %select_n3A_35 = arith.constant 0 : i32
      %select_n3A_36 = arith.constant 1 : i32
      %select_n3A_37 = arith.select %select_n3A_34, %select_n3A_36, %select_n3A_35 : i32
      %eq3A_38 = arith.constant 2 : i32
      %eq3A_39 = arith.cmpi eq, %select_n3A_37, %eq3A_38 : i32
      %select_n3A_40 = arith.constant 0 : i32
      %select_n3A_41 = arith.select %eq3A_39, %select_n3A_40, %select_n3A_37 : i32
      %select_n3A_42 = arith.constant 0 : i32
      %select_n3A_43 = arith.constant 1 : i32
      %select_n3A_44 = arith.select %eq3A_39, %select_n3A_43, %select_n3A_42 : i32
      %eq3A_45 = arith.constant 16 : i32
      %eq3A_46 = arith.cmpi eq, %select_n3A_44, %eq3A_45 : i32
      %select_n3A_47 = arith.constant 0 : i32
      %select_n3A_48 = arith.select %eq3A_46, %select_n3A_47, %select_n3A_44 : i32
      %add3A_49 = arith.addi %select_n3A_48, %mul3A_6 : i32
      %add3A_50 = arith.constant 0 : i32
      %add3A_51 = arith.addi %select_n3A_41, %add3A_50 : i32
      %add3A_52 = arith.constant 1 : i32
      %add3A_53 = arith.addi %select_n3A_41, %add3A_52 : i32
      %select_n3A_54 = arith.constant true
      %select_n3A_55 = arith.select %select_n3A_54, %add3A_53, %select_n3A_41 : i32
      %eq3A_56 = arith.constant 2 : i32
      %eq3A_57 = arith.cmpi eq, %select_n3A_55, %eq3A_56 : i32
      %select_n3A_58 = arith.constant 0 : i32
      %select_n3A_59 = arith.select %eq3A_57, %select_n3A_58, %select_n3A_55 : i32
      %add3A_60 = arith.constant 1 : i32
      %add3A_61 = arith.addi %select_n3A_48, %add3A_60 : i32
      %select_n3A_62 = arith.select %eq3A_57, %add3A_61, %select_n3A_48 : i32
      %eq3A_63 = arith.constant 16 : i32
      %eq3A_64 = arith.cmpi eq, %select_n3A_62, %eq3A_63 : i32
      %select_n3A_65 = arith.constant 0 : i32
      %select_n3A_66 = arith.select %eq3A_64, %select_n3A_65, %select_n3A_62 : i32
      %add3A_67 = arith.addi %select_n3A_66, %mul3A_6 : i32
      %add3A_68 = arith.constant 0 : i32
      %add3A_69 = arith.addi %select_n3A_59, %add3A_68 : i32
      "tpu.trace_start"() <{level = 10 : i32, message = "ep_initialize_0"}> : () -> ()
      %rem3A = arith.constant 0 : i32
      %rem3A_70 = arith.constant 2 : i32
      %rem3A_71 = arith.remui %rem3A, %rem3A_70 : i32
      %add3A_72 = arith.constant 0 : i32
      %add3A_73 = arith.addi %add3A_72, %add3A_17 : i32
      %mul3A_74 = arith.constant 16 : i32
      %mul3A_75 = arith.muli %mul3A_74, %add3A_73 : i32
      %dma_start3A = arith.constant 0 : i32
      %dma_start3A_76 = arith.constant 0 : i32
      %dma_start3A_77 = tpu.memref_slice %run_scoped3A[%rem3A_71, %dma_start3A, %dma_start3A_76] : memref<2x16x768xf32, #tpu.memory_space<vmem>> -> memref<1x16x768xf32, #tpu.memory_space<vmem>>
      %dma_start3A_78 = tpu.memref_squeeze %dma_start3A_77 : memref<1x16x768xf32, #tpu.memory_space<vmem>> -> memref<16x768xf32, #tpu.memory_space<vmem>>
      %dma_start3A_79 = arith.constant 0 : i32
      %dma_start3A_80 = tpu.memref_slice %arg2[%mul3A_75, %dma_start3A_79] : memref<32768x768xf32, #tpu.memory_space<hbm>> -> memref<16x768xf32, #tpu.memory_space<hbm>>
      %dma_start3A_81 = tpu.memref_slice %run_scoped3A_7[%rem3A_71] : memref<2x!tpu.dma_semaphore, #tpu.memory_space<semaphore_mem>> -> memref<1x!tpu.dma_semaphore, #tpu.memory_space<semaphore_mem>>
      %dma_start3A_82 = tpu.memref_squeeze %dma_start3A_81 : memref<1x!tpu.dma_semaphore, #tpu.memory_space<semaphore_mem>> -> memref<!tpu.dma_semaphore, #tpu.memory_space<semaphore_mem>>
      %dma_start3A_83 = arith.constant 0 : i32
      %dma_start3A_84 = arith.constant 0 : i32
      %dma_start3A_85 = tpu.memref_slice %run_scoped3A[%rem3A_71, %dma_start3A_83, %dma_start3A_84] : memref<2x16x768xf32, #tpu.memory_space<vmem>> -> memref<1x16x768xf32, #tpu.memory_space<vmem>>
      %dma_start3A_86 = tpu.memref_squeeze %dma_start3A_85 : memref<1x16x768xf32, #tpu.memory_space<vmem>> -> memref<16x768xf32, #tpu.memory_space<vmem>>
      %dma_start3A_87 = arith.constant 0 : i32
      %dma_start3A_88 = tpu.memref_slice %arg2[%mul3A_75, %dma_start3A_87] : memref<32768x768xf32, #tpu.memory_space<hbm>> -> memref<16x768xf32, #tpu.memory_space<hbm>>
      tpu.enqueue_dma source(%dma_start3A_88 : memref<16x768xf32, #tpu.memory_space<hbm>>) target(%dma_start3A_86 : memref<16x768xf32, #tpu.memory_space<vmem>>) target_semaphore(%dma_start3A_82 : memref<!tpu.dma_semaphore, #tpu.memory_space<semaphore_mem>>)
      %add3A_89 = arith.constant 0 : i32
      %add3A_90 = arith.constant 1 : i32
      %add3A_91 = arith.addi %add3A_89, %add3A_90 : i32
      %select_n3A_92 = arith.constant true
      %select_n3A_93 = arith.constant 0 : i32
      %select_n3A_94 = arith.select %select_n3A_92, %add3A_91, %select_n3A_93 : i32
      %rem3A_95 = arith.constant 0 : i32
      %rem3A_96 = arith.constant 2 : i32
      %rem3A_97 = arith.remui %rem3A_95, %rem3A_96 : i32
      %add3A_98 = arith.constant 512 : i32
      %add3A_99 = arith.addi %add3A_98, %add3A_17 : i32
      %mul3A_100 = arith.constant 16 : i32
      %mul3A_101 = arith.muli %mul3A_100, %add3A_99 : i32
      %dma_start3A_102 = arith.constant 0 : i32
      %dma_start3A_103 = arith.constant 0 : i32
      %dma_start3A_104 = tpu.memref_slice %run_scoped3A_8[%rem3A_97, %dma_start3A_102, %dma_start3A_103] : memref<2x16x768xf32, #tpu.memory_space<vmem>> -> memref<1x16x768xf32, #tpu.memory_space<vmem>>
      %dma_start3A_105 = tpu.memref_squeeze %dma_start3A_104 : memref<1x16x768xf32, #tpu.memory_space<vmem>> -> memref<16x768xf32, #tpu.memory_space<vmem>>
      %dma_start3A_106 = arith.constant 0 : i32
      %dma_start3A_107 = tpu.memref_slice %arg2[%mul3A_101, %dma_start3A_106] : memref<32768x768xf32, #tpu.memory_space<hbm>> -> memref<16x768xf32, #tpu.memory_space<hbm>>
      %dma_start3A_108 = tpu.memref_slice %run_scoped3A_9[%rem3A_97] : memref<2x!tpu.dma_semaphore, #tpu.memory_space<semaphore_mem>> -> memref<1x!tpu.dma_semaphore, #tpu.memory_space<semaphore_mem>>
      %dma_start3A_109 = tpu.memref_squeeze %dma_start3A_108 : memref<1x!tpu.dma_semaphore, #tpu.memory_space<semaphore_mem>> -> memref<!tpu.dma_semaphore, #tpu.memory_space<semaphore_mem>>
      %dma_start3A_110 = arith.constant 0 : i32
      %dma_start3A_111 = arith.constant 0 : i32
      %dma_start3A_112 = tpu.memref_slice %run_scoped3A_8[%rem3A_97, %dma_start3A_110, %dma_start3A_111] : memref<2x16x768xf32, #tpu.memory_space<vmem>> -> memref<1x16x768xf32, #tpu.memory_space<vmem>>
      %dma_start3A_113 = tpu.memref_squeeze %dma_start3A_112 : memref<1x16x768xf32, #tpu.memory_space<vmem>> -> memref<16x768xf32, #tpu.memory_space<vmem>>
      %dma_start3A_114 = arith.constant 0 : i32
      %dma_start3A_115 = tpu.memref_slice %arg2[%mul3A_101, %dma_start3A_114] : memref<32768x768xf32, #tpu.memory_space<hbm>> -> memref<16x768xf32, #tpu.memory_space<hbm>>
      tpu.enqueue_dma source(%dma_start3A_115 : memref<16x768xf32, #tpu.memory_space<hbm>>) target(%dma_start3A_113 : memref<16x768xf32, #tpu.memory_space<vmem>>) target_semaphore(%dma_start3A_109 : memref<!tpu.dma_semaphore, #tpu.memory_space<semaphore_mem>>)
      %add3A_116 = arith.constant 0 : i32
      %add3A_117 = arith.constant 1 : i32
      %add3A_118 = arith.addi %add3A_116, %add3A_117 : i32
      %select_n3A_119 = arith.constant true
      %select_n3A_120 = arith.constant 0 : i32
      %select_n3A_121 = arith.select %select_n3A_119, %add3A_118, %select_n3A_120 : i32
      %rem3A_122 = arith.constant 0 : i32
      %rem3A_123 = arith.constant 2 : i32
      %rem3A_124 = arith.remui %rem3A_122, %rem3A_123 : i32
      %mul3A_125 = arith.constant 16 : i32
      %mul3A_126 = arith.muli %mul3A_125, %add3A_17 : i32
      %dma_start3A_127 = arith.constant 0 : i32
      %dma_start3A_128 = arith.constant 0 : i32
      %dma_start3A_129 = tpu.memref_slice %run_scoped3A_10[%rem3A_124, %dma_start3A_127, %dma_start3A_128] : memref<2x16x768xf32, #tpu.memory_space<vmem>> -> memref<1x16x768xf32, #tpu.memory_space<vmem>>
      %dma_start3A_130 = tpu.memref_squeeze %dma_start3A_129 : memref<1x16x768xf32, #tpu.memory_space<vmem>> -> memref<16x768xf32, #tpu.memory_space<vmem>>
      %dma_start3A_131 = arith.constant 0 : i32
      %dma_start3A_132 = tpu.memref_slice %arg3[%mul3A_126, %dma_start3A_131] : memref<8192x768xf32, #tpu.memory_space<hbm>> -> memref<16x768xf32, #tpu.memory_space<hbm>>
      %dma_start3A_133 = tpu.memref_slice %run_scoped3A_11[%rem3A_124] : memref<2x!tpu.dma_semaphore, #tpu.memory_space<semaphore_mem>> -> memref<1x!tpu.dma_semaphore, #tpu.memory_space<semaphore_mem>>
      %dma_start3A_134 = tpu.memref_squeeze %dma_start3A_133 : memref<1x!tpu.dma_semaphore, #tpu.memory_space<semaphore_mem>> -> memref<!tpu.dma_semaphore, #tpu.memory_space<semaphore_mem>>
      %dma_start3A_135 = arith.constant 0 : i32
      %dma_start3A_136 = arith.constant 0 : i32
      %dma_start3A_137 = tpu.memref_slice %run_scoped3A_10[%rem3A_124, %dma_start3A_135, %dma_start3A_136] : memref<2x16x768xf32, #tpu.memory_space<vmem>> -> memref<1x16x768xf32, #tpu.memory_space<vmem>>
      %dma_start3A_138 = tpu.memref_squeeze %dma_start3A_137 : memref<1x16x768xf32, #tpu.memory_space<vmem>> -> memref<16x768xf32, #tpu.memory_space<vmem>>
      %dma_start3A_139 = arith.constant 0 : i32
      %dma_start3A_140 = tpu.memref_slice %arg3[%mul3A_126, %dma_start3A_139] : memref<8192x768xf32, #tpu.memory_space<hbm>> -> memref<16x768xf32, #tpu.memory_space<hbm>>
      tpu.enqueue_dma source(%dma_start3A_140 : memref<16x768xf32, #tpu.memory_space<hbm>>) target(%dma_start3A_138 : memref<16x768xf32, #tpu.memory_space<vmem>>) target_semaphore(%dma_start3A_134 : memref<!tpu.dma_semaphore, #tpu.memory_space<semaphore_mem>>)
      %add3A_141 = arith.constant 0 : i32
      %add3A_142 = arith.constant 1 : i32
      %add3A_143 = arith.addi %add3A_141, %add3A_142 : i32
      %select_n3A_144 = arith.constant true
      %select_n3A_145 = arith.constant 0 : i32
      %select_n3A_146 = arith.select %select_n3A_144, %add3A_143, %select_n3A_145 : i32
      "tpu.trace_stop"() : () -> ()
      %scan3A = arith.constant 0 : i32
      %scan3A_147 = arith.constant 0 : i32
      %scan3A_148 = arith.constant 0 : i32
      %scan3A_149 = arith.constant 0 : i32
      %scan3A_150 = arith.constant 0 : i32
      %scan3A_151 = arith.constant 0 : i32
      %scan3A_152 = arith.constant 0 : i32
      %scan3A_153 = arith.constant 0 : i32
      %scan3A_154 = arith.constant 0 : i32
      %scan3A_155 = arith.constant 0 : i32
      %scan3A_156 = arith.constant 32 : i32
      %scan3A_157 = arith.addi %scan3A_155, %scan3A_156 : i32
      %scan3A_158 = arith.constant 1 : i32
      %scan3A_159:12 = scf.for %scan3A_281 = %scan3A_155 to %scan3A_157 step %scan3A_158 iter_args(%scan3A_282 = %select_n3A_94, %scan3A_283 = %scan3A, %scan3A_284 = %select_n3A_121, %scan3A_285 = %scan3A_147, %scan3A_286 = %select_n3A_146, %scan3A_287 = %scan3A_148, %scan3A_288 = %scan3A_149, %scan3A_289 = %scan3A_150, %scan3A_290 = %scan3A_151, %scan3A_291 = %scan3A_152, %scan3A_292 = %scan3A_153, %scan3A_293 = %scan3A_154) -> (i32, i32, i32, i32, i32, i32, i32, i32, i32, i32, i32, i32)  : i32 {
        %eq3A_294 = arith.constant 0 : i32
        %eq3A_295 = arith.cmpi eq, %scan3A_281, %eq3A_294 : i32
        %eq3A_296 = arith.constant 31 : i32
        %eq3A_297 = arith.cmpi eq, %scan3A_281, %eq3A_296 : i32
        %add3A_298 = arith.addi %scan3A_292, %mul3A_6 : i32
        %add3A_299 = arith.constant 0 : i32
        %add3A_300 = arith.addi %scan3A_293, %add3A_299 : i32
        %sub3A_301 = arith.constant 1 : i32
        %sub3A_302 = arith.subi %scan3A_293, %sub3A_301 : i32
        %select_n3A_303 = arith.constant true
        %select_n3A_304 = arith.select %select_n3A_303, %sub3A_302, %scan3A_293 : i32
        %eq3A_305 = arith.constant -1 : i32
        %eq3A_306 = arith.cmpi eq, %select_n3A_304, %eq3A_305 : i32
        %select_n3A_307 = arith.constant 1 : i32
        %select_n3A_308 = arith.select %eq3A_306, %select_n3A_307, %select_n3A_304 : i32
        %sub3A_309 = arith.constant 1 : i32
        %sub3A_310 = arith.subi %scan3A_292, %sub3A_309 : i32
        %select_n3A_311 = arith.select %eq3A_306, %sub3A_310, %scan3A_292 : i32
        %eq3A_312 = arith.constant -1 : i32
        %eq3A_313 = arith.cmpi eq, %select_n3A_311, %eq3A_312 : i32
        %select_n3A_314 = arith.constant 15 : i32
        %select_n3A_315 = arith.select %eq3A_313, %select_n3A_314, %select_n3A_311 : i32
        %add3A_316 = arith.addi %select_n3A_315, %mul3A_6 : i32
        %add3A_317 = arith.constant 0 : i32
        %add3A_318 = arith.addi %select_n3A_308, %add3A_317 : i32
        %add3A_319 = arith.constant 1 : i32
        %add3A_320 = arith.addi %scan3A_293, %add3A_319 : i32
        %select_n3A_321 = arith.constant true
        %select_n3A_322 = arith.select %select_n3A_321, %add3A_320, %scan3A_293 : i32
        %eq3A_323 = arith.constant 2 : i32
        %eq3A_324 = arith.cmpi eq, %select_n3A_322, %eq3A_323 : i32
        %select_n3A_325 = arith.constant 0 : i32
        %select_n3A_326 = arith.select %eq3A_324, %select_n3A_325, %select_n3A_322 : i32
        %add3A_327 = arith.constant 1 : i32
        %add3A_328 = arith.addi %scan3A_292, %add3A_327 : i32
        %select_n3A_329 = arith.select %eq3A_324, %add3A_328, %scan3A_292 : i32
        %eq3A_330 = arith.constant 16 : i32
        %eq3A_331 = arith.cmpi eq, %select_n3A_329, %eq3A_330 : i32
        %select_n3A_332 = arith.constant 0 : i32
        %select_n3A_333 = arith.select %eq3A_331, %select_n3A_332, %select_n3A_329 : i32
        %add3A_334 = arith.addi %select_n3A_333, %mul3A_6 : i32
        %add3A_335 = arith.constant 0 : i32
        %add3A_336 = arith.addi %select_n3A_326, %add3A_335 : i32
        %add3A_337 = arith.constant 1 : i32
        %add3A_338 = arith.addi %select_n3A_326, %add3A_337 : i32
        %select_n3A_339 = arith.constant true
        %select_n3A_340 = arith.select %select_n3A_339, %add3A_338, %select_n3A_326 : i32
        %eq3A_341 = arith.constant 2 : i32
        %eq3A_342 = arith.cmpi eq, %select_n3A_340, %eq3A_341 : i32
        %select_n3A_343 = arith.constant 0 : i32
        %select_n3A_344 = arith.select %eq3A_342, %select_n3A_343, %select_n3A_340 : i32
        %add3A_345 = arith.constant 1 : i32
        %add3A_346 = arith.addi %select_n3A_333, %add3A_345 : i32
        %select_n3A_347 = arith.select %eq3A_342, %add3A_346, %select_n3A_333 : i32
        %eq3A_348 = arith.constant 16 : i32
        %eq3A_349 = arith.cmpi eq, %select_n3A_347, %eq3A_348 : i32
        %select_n3A_350 = arith.constant 0 : i32
        %select_n3A_351 = arith.select %eq3A_349, %select_n3A_350, %select_n3A_347 : i32
        %add3A_352 = arith.addi %select_n3A_351, %mul3A_6 : i32
        %add3A_353 = arith.constant 0 : i32
        %add3A_354 = arith.addi %select_n3A_344, %add3A_353 : i32
        %mul3A_355 = arith.constant 2 : i32
        %mul3A_356 = arith.muli %add3A_300, %mul3A_355 : i32
        %add3A_357 = arith.constant 0 : i32
        %add3A_358 = arith.addi %mul3A_356, %add3A_357 : i32
        %mul3A_359 = arith.constant 512 : i32
        %mul3A_360 = arith.muli %add3A_358, %mul3A_359 : i32
        %add3A_361 = arith.addi %mul3A_360, %add3A_298 : i32
        %mul3A_362 = arith.constant 2 : i32
        %mul3A_363 = arith.muli %add3A_336, %mul3A_362 : i32
        %add3A_364 = arith.constant 0 : i32
        %add3A_365 = arith.addi %mul3A_363, %add3A_364 : i32
        %mul3A_366 = arith.constant 512 : i32
        %mul3A_367 = arith.muli %add3A_365, %mul3A_366 : i32
        %add3A_368 = arith.addi %mul3A_367, %add3A_334 : i32
        %ne3A = arith.cmpi ne, %add3A_361, %add3A_368 : i32
        %or3A = arith.constant false
        %or3A_369 = arith.ori %or3A, %ne3A : i1
        %or3A_370 = arith.constant false
        %or3A_371 = arith.ori %or3A_369, %or3A_370 : i1
        %ge3A = arith.constant 31 : i32
        %ge3A_372 = arith.cmpi sge, %scan3A_281, %ge3A : i32
        %not3A = arith.constant true
        %not3A_373 = arith.xori %ge3A_372, %not3A : i1
        %and3A = arith.andi %or3A_371, %not3A_373 : i1
        %convert_element_type3A = arith.extui %and3A : i1 to i32
        %cond3A = arith.constant 0 : i32
        %cond3A_374 = arith.cmpi ne, %convert_element_type3A, %cond3A : i32
        scf.if %cond3A_374 {
          "tpu.trace_start"() <{level = 10 : i32, message = "ep_copy_in"}> : () -> ()
          %rem3A_905 = arith.constant 2 : i32
          %rem3A_906 = arith.remui %scan3A_282, %rem3A_905 : i32
          %mul3A_907 = arith.constant 2 : i32
          %mul3A_908 = arith.muli %add3A_336, %mul3A_907 : i32
          %add3A_909 = arith.constant 0 : i32
          %add3A_910 = arith.addi %mul3A_908, %add3A_909 : i32
          %mul3A_911 = arith.constant 512 : i32
          %mul3A_912 = arith.muli %add3A_910, %mul3A_911 : i32
          %add3A_913 = arith.addi %mul3A_912, %add3A_334 : i32
          %mul3A_914 = arith.constant 16 : i32
          %mul3A_915 = arith.muli %mul3A_914, %add3A_913 : i32
          %dma_start3A_916 = arith.constant 0 : i32
          %dma_start3A_917 = arith.constant 0 : i32
          %dma_start3A_918 = tpu.memref_slice %run_scoped3A[%rem3A_906, %dma_start3A_916, %dma_start3A_917] : memref<2x16x768xf32, #tpu.memory_space<vmem>> -> memref<1x16x768xf32, #tpu.memory_space<vmem>>
          %dma_start3A_919 = tpu.memref_squeeze %dma_start3A_918 : memref<1x16x768xf32, #tpu.memory_space<vmem>> -> memref<16x768xf32, #tpu.memory_space<vmem>>
          %dma_start3A_920 = arith.constant 0 : i32
          %dma_start3A_921 = tpu.memref_slice %arg2[%mul3A_915, %dma_start3A_920] : memref<32768x768xf32, #tpu.memory_space<hbm>> -> memref<16x768xf32, #tpu.memory_space<hbm>>
          %dma_start3A_922 = tpu.memref_slice %run_scoped3A_7[%rem3A_906] : memref<2x!tpu.dma_semaphore, #tpu.memory_space<semaphore_mem>> -> memref<1x!tpu.dma_semaphore, #tpu.memory_space<semaphore_mem>>
          %dma_start3A_923 = tpu.memref_squeeze %dma_start3A_922 : memref<1x!tpu.dma_semaphore, #tpu.memory_space<semaphore_mem>> -> memref<!tpu.dma_semaphore, #tpu.memory_space<semaphore_mem>>
          %dma_start3A_924 = arith.constant 0 : i32
          %dma_start3A_925 = arith.constant 0 : i32
          %dma_start3A_926 = tpu.memref_slice %run_scoped3A[%rem3A_906, %dma_start3A_924, %dma_start3A_925] : memref<2x16x768xf32, #tpu.memory_space<vmem>> -> memref<1x16x768xf32, #tpu.memory_space<vmem>>
          %dma_start3A_927 = tpu.memref_squeeze %dma_start3A_926 : memref<1x16x768xf32, #tpu.memory_space<vmem>> -> memref<16x768xf32, #tpu.memory_space<vmem>>
          %dma_start3A_928 = arith.constant 0 : i32
          %dma_start3A_929 = tpu.memref_slice %arg2[%mul3A_915, %dma_start3A_928] : memref<32768x768xf32, #tpu.memory_space<hbm>> -> memref<16x768xf32, #tpu.memory_space<hbm>>
          tpu.enqueue_dma source(%dma_start3A_929 : memref<16x768xf32, #tpu.memory_space<hbm>>) target(%dma_start3A_927 : memref<16x768xf32, #tpu.memory_space<vmem>>) target_semaphore(%dma_start3A_923 : memref<!tpu.dma_semaphore, #tpu.memory_space<semaphore_mem>>)
          "tpu.trace_stop"() : () -> ()
        } else {
        }
        %and3A_375 = arith.constant true
        %and3A_376 = arith.andi %and3A, %and3A_375 : i1
        %add3A_377 = arith.constant 1 : i32
        %add3A_378 = arith.addi %scan3A_282, %add3A_377 : i32
        %select_n3A_379 = arith.select %and3A_376, %add3A_378, %scan3A_282 : i32
        %mul3A_380 = arith.constant 2 : i32
        %mul3A_381 = arith.muli %add3A_300, %mul3A_380 : i32
        %add3A_382 = arith.constant 1 : i32
        %add3A_383 = arith.addi %mul3A_381, %add3A_382 : i32
        %mul3A_384 = arith.constant 512 : i32
        %mul3A_385 = arith.muli %add3A_383, %mul3A_384 : i32
        %add3A_386 = arith.addi %mul3A_385, %add3A_298 : i32
        %mul3A_387 = arith.constant 2 : i32
        %mul3A_388 = arith.muli %add3A_336, %mul3A_387 : i32
        %add3A_389 = arith.constant 1 : i32
        %add3A_390 = arith.addi %mul3A_388, %add3A_389 : i32
        %mul3A_391 = arith.constant 512 : i32
        %mul3A_392 = arith.muli %add3A_390, %mul3A_391 : i32
        %add3A_393 = arith.addi %mul3A_392, %add3A_334 : i32
        %ne3A_394 = arith.cmpi ne, %add3A_386, %add3A_393 : i32
        %or3A_395 = arith.constant false
        %or3A_396 = arith.ori %or3A_395, %ne3A_394 : i1
        %or3A_397 = arith.constant false
        %or3A_398 = arith.ori %or3A_396, %or3A_397 : i1
        %ge3A_399 = arith.constant 31 : i32
        %ge3A_400 = arith.cmpi sge, %scan3A_281, %ge3A_399 : i32
        %not3A_401 = arith.constant true
        %not3A_402 = arith.xori %ge3A_400, %not3A_401 : i1
        %and3A_403 = arith.andi %or3A_398, %not3A_402 : i1
        %convert_element_type3A_404 = arith.extui %and3A_403 : i1 to i32
        %cond3A_405 = arith.constant 0 : i32
        %cond3A_406 = arith.cmpi ne, %convert_element_type3A_404, %cond3A_405 : i32
        scf.if %cond3A_406 {
          "tpu.trace_start"() <{level = 10 : i32, message = "ep_copy_in"}> : () -> ()
          %rem3A_905 = arith.constant 2 : i32
          %rem3A_906 = arith.remui %scan3A_284, %rem3A_905 : i32
          %mul3A_907 = arith.constant 2 : i32
          %mul3A_908 = arith.muli %add3A_336, %mul3A_907 : i32
          %add3A_909 = arith.constant 1 : i32
          %add3A_910 = arith.addi %mul3A_908, %add3A_909 : i32
          %mul3A_911 = arith.constant 512 : i32
          %mul3A_912 = arith.muli %add3A_910, %mul3A_911 : i32
          %add3A_913 = arith.addi %mul3A_912, %add3A_334 : i32
          %mul3A_914 = arith.constant 16 : i32
          %mul3A_915 = arith.muli %mul3A_914, %add3A_913 : i32
          %dma_start3A_916 = arith.constant 0 : i32
          %dma_start3A_917 = arith.constant 0 : i32
          %dma_start3A_918 = tpu.memref_slice %run_scoped3A_8[%rem3A_906, %dma_start3A_916, %dma_start3A_917] : memref<2x16x768xf32, #tpu.memory_space<vmem>> -> memref<1x16x768xf32, #tpu.memory_space<vmem>>
          %dma_start3A_919 = tpu.memref_squeeze %dma_start3A_918 : memref<1x16x768xf32, #tpu.memory_space<vmem>> -> memref<16x768xf32, #tpu.memory_space<vmem>>
          %dma_start3A_920 = arith.constant 0 : i32
          %dma_start3A_921 = tpu.memref_slice %arg2[%mul3A_915, %dma_start3A_920] : memref<32768x768xf32, #tpu.memory_space<hbm>> -> memref<16x768xf32, #tpu.memory_space<hbm>>
          %dma_start3A_922 = tpu.memref_slice %run_scoped3A_9[%rem3A_906] : memref<2x!tpu.dma_semaphore, #tpu.memory_space<semaphore_mem>> -> memref<1x!tpu.dma_semaphore, #tpu.memory_space<semaphore_mem>>
          %dma_start3A_923 = tpu.memref_squeeze %dma_start3A_922 : memref<1x!tpu.dma_semaphore, #tpu.memory_space<semaphore_mem>> -> memref<!tpu.dma_semaphore, #tpu.memory_space<semaphore_mem>>
          %dma_start3A_924 = arith.constant 0 : i32
          %dma_start3A_925 = arith.constant 0 : i32
          %dma_start3A_926 = tpu.memref_slice %run_scoped3A_8[%rem3A_906, %dma_start3A_924, %dma_start3A_925] : memref<2x16x768xf32, #tpu.memory_space<vmem>> -> memref<1x16x768xf32, #tpu.memory_space<vmem>>
          %dma_start3A_927 = tpu.memref_squeeze %dma_start3A_926 : memref<1x16x768xf32, #tpu.memory_space<vmem>> -> memref<16x768xf32, #tpu.memory_space<vmem>>
          %dma_start3A_928 = arith.constant 0 : i32
          %dma_start3A_929 = tpu.memref_slice %arg2[%mul3A_915, %dma_start3A_928] : memref<32768x768xf32, #tpu.memory_space<hbm>> -> memref<16x768xf32, #tpu.memory_space<hbm>>
          tpu.enqueue_dma source(%dma_start3A_929 : memref<16x768xf32, #tpu.memory_space<hbm>>) target(%dma_start3A_927 : memref<16x768xf32, #tpu.memory_space<vmem>>) target_semaphore(%dma_start3A_923 : memref<!tpu.dma_semaphore, #tpu.memory_space<semaphore_mem>>)
          "tpu.trace_stop"() : () -> ()
        } else {
        }
        %and3A_407 = arith.constant true
        %and3A_408 = arith.andi %and3A_403, %and3A_407 : i1
        %add3A_409 = arith.constant 1 : i32
        %add3A_410 = arith.addi %scan3A_284, %add3A_409 : i32
        %select_n3A_411 = arith.select %and3A_408, %add3A_410, %scan3A_284 : i32
        %ne3A_412 = arith.cmpi ne, %add3A_298, %add3A_334 : i32
        %or3A_413 = arith.constant false
        %or3A_414 = arith.ori %or3A_413, %ne3A_412 : i1
        %or3A_415 = arith.constant false
        %or3A_416 = arith.ori %or3A_414, %or3A_415 : i1
        %ge3A_417 = arith.constant 31 : i32
        %ge3A_418 = arith.cmpi sge, %scan3A_281, %ge3A_417 : i32
        %not3A_419 = arith.constant true
        %not3A_420 = arith.xori %ge3A_418, %not3A_419 : i1
        %and3A_421 = arith.andi %or3A_416, %not3A_420 : i1
        %convert_element_type3A_422 = arith.extui %and3A_421 : i1 to i32
        %cond3A_423 = arith.constant 0 : i32
        %cond3A_424 = arith.cmpi ne, %convert_element_type3A_422, %cond3A_423 : i32
        scf.if %cond3A_424 {
          "tpu.trace_start"() <{level = 10 : i32, message = "ep_copy_in"}> : () -> ()
          %rem3A_905 = arith.constant 2 : i32
          %rem3A_906 = arith.remui %scan3A_286, %rem3A_905 : i32
          %mul3A_907 = arith.constant 16 : i32
          %mul3A_908 = arith.muli %mul3A_907, %add3A_334 : i32
          %dma_start3A_909 = arith.constant 0 : i32
          %dma_start3A_910 = arith.constant 0 : i32
          %dma_start3A_911 = tpu.memref_slice %run_scoped3A_10[%rem3A_906, %dma_start3A_909, %dma_start3A_910] : memref<2x16x768xf32, #tpu.memory_space<vmem>> -> memref<1x16x768xf32, #tpu.memory_space<vmem>>
          %dma_start3A_912 = tpu.memref_squeeze %dma_start3A_911 : memref<1x16x768xf32, #tpu.memory_space<vmem>> -> memref<16x768xf32, #tpu.memory_space<vmem>>
          %dma_start3A_913 = arith.constant 0 : i32
          %dma_start3A_914 = tpu.memref_slice %arg3[%mul3A_908, %dma_start3A_913] : memref<8192x768xf32, #tpu.memory_space<hbm>> -> memref<16x768xf32, #tpu.memory_space<hbm>>
          %dma_start3A_915 = tpu.memref_slice %run_scoped3A_11[%rem3A_906] : memref<2x!tpu.dma_semaphore, #tpu.memory_space<semaphore_mem>> -> memref<1x!tpu.dma_semaphore, #tpu.memory_space<semaphore_mem>>
          %dma_start3A_916 = tpu.memref_squeeze %dma_start3A_915 : memref<1x!tpu.dma_semaphore, #tpu.memory_space<semaphore_mem>> -> memref<!tpu.dma_semaphore, #tpu.memory_space<semaphore_mem>>
          %dma_start3A_917 = arith.constant 0 : i32
          %dma_start3A_918 = arith.constant 0 : i32
          %dma_start3A_919 = tpu.memref_slice %run_scoped3A_10[%rem3A_906, %dma_start3A_917, %dma_start3A_918] : memref<2x16x768xf32, #tpu.memory_space<vmem>> -> memref<1x16x768xf32, #tpu.memory_space<vmem>>
          %dma_start3A_920 = tpu.memref_squeeze %dma_start3A_919 : memref<1x16x768xf32, #tpu.memory_space<vmem>> -> memref<16x768xf32, #tpu.memory_space<vmem>>
          %dma_start3A_921 = arith.constant 0 : i32
          %dma_start3A_922 = tpu.memref_slice %arg3[%mul3A_908, %dma_start3A_921] : memref<8192x768xf32, #tpu.memory_space<hbm>> -> memref<16x768xf32, #tpu.memory_space<hbm>>
          tpu.enqueue_dma source(%dma_start3A_922 : memref<16x768xf32, #tpu.memory_space<hbm>>) target(%dma_start3A_920 : memref<16x768xf32, #tpu.memory_space<vmem>>) target_semaphore(%dma_start3A_916 : memref<!tpu.dma_semaphore, #tpu.memory_space<semaphore_mem>>)
          "tpu.trace_stop"() : () -> ()
        } else {
        }
        %and3A_425 = arith.constant true
        %and3A_426 = arith.andi %and3A_421, %and3A_425 : i1
        %add3A_427 = arith.constant 1 : i32
        %add3A_428 = arith.addi %scan3A_286, %add3A_427 : i32
        %select_n3A_429 = arith.select %and3A_426, %add3A_428, %scan3A_286 : i32
        %mul3A_430 = arith.constant 2 : i32
        %mul3A_431 = arith.muli %add3A_300, %mul3A_430 : i32
        %add3A_432 = arith.constant 0 : i32
        %add3A_433 = arith.addi %mul3A_431, %add3A_432 : i32
        %mul3A_434 = arith.constant 512 : i32
        %mul3A_435 = arith.muli %add3A_433, %mul3A_434 : i32
        %add3A_436 = arith.addi %mul3A_435, %add3A_298 : i32
        %mul3A_437 = arith.constant 2 : i32
        %mul3A_438 = arith.muli %add3A_336, %mul3A_437 : i32
        %add3A_439 = arith.constant 0 : i32
        %add3A_440 = arith.addi %mul3A_438, %add3A_439 : i32
        %mul3A_441 = arith.constant 512 : i32
        %mul3A_442 = arith.muli %add3A_440, %mul3A_441 : i32
        %add3A_443 = arith.addi %mul3A_442, %add3A_334 : i32
        %ne3A_444 = arith.cmpi ne, %add3A_436, %add3A_443 : i32
        %or3A_445 = arith.constant false
        %or3A_446 = arith.ori %or3A_445, %ne3A_444 : i1
        %or3A_447 = arith.constant false
        %or3A_448 = arith.ori %or3A_446, %or3A_447 : i1
        %ge3A_449 = arith.constant 31 : i32
        %ge3A_450 = arith.cmpi sge, %scan3A_281, %ge3A_449 : i32
        %not3A_451 = arith.constant true
        %not3A_452 = arith.xori %ge3A_450, %not3A_451 : i1
        %and3A_453 = arith.andi %or3A_448, %not3A_452 : i1
        %mul3A_454 = arith.constant 2 : i32
        %mul3A_455 = arith.muli %add3A_300, %mul3A_454 : i32
        %add3A_456 = arith.constant 1 : i32
        %add3A_457 = arith.addi %mul3A_455, %add3A_456 : i32
        %mul3A_458 = arith.constant 512 : i32
        %mul3A_459 = arith.muli %add3A_457, %mul3A_458 : i32
        %add3A_460 = arith.addi %mul3A_459, %add3A_298 : i32
        %mul3A_461 = arith.constant 2 : i32
        %mul3A_462 = arith.muli %add3A_336, %mul3A_461 : i32
        %add3A_463 = arith.constant 1 : i32
        %add3A_464 = arith.addi %mul3A_462, %add3A_463 : i32
        %mul3A_465 = arith.constant 512 : i32
        %mul3A_466 = arith.muli %add3A_464, %mul3A_465 : i32
        %add3A_467 = arith.addi %mul3A_466, %add3A_334 : i32
        %ne3A_468 = arith.cmpi ne, %add3A_460, %add3A_467 : i32
        %or3A_469 = arith.constant false
        %or3A_470 = arith.ori %or3A_469, %ne3A_468 : i1
        %or3A_471 = arith.constant false
        %or3A_472 = arith.ori %or3A_470, %or3A_471 : i1
        %ge3A_473 = arith.constant 31 : i32
        %ge3A_474 = arith.cmpi sge, %scan3A_281, %ge3A_473 : i32
        %not3A_475 = arith.constant true
        %not3A_476 = arith.xori %ge3A_474, %not3A_475 : i1
        %and3A_477 = arith.andi %or3A_472, %not3A_476 : i1
        %mul3A_478 = arith.constant 2 : i32
        %mul3A_479 = arith.muli %add3A_300, %mul3A_478 : i32
        %add3A_480 = arith.constant 0 : i32
        %add3A_481 = arith.addi %mul3A_479, %add3A_480 : i32
        %mul3A_482 = arith.constant 512 : i32
        %mul3A_483 = arith.muli %add3A_481, %mul3A_482 : i32
        %add3A_484 = arith.addi %mul3A_483, %add3A_298 : i32
        %mul3A_485 = arith.constant 2 : i32
        %mul3A_486 = arith.muli %add3A_318, %mul3A_485 : i32
        %add3A_487 = arith.constant 0 : i32
        %add3A_488 = arith.addi %mul3A_486, %add3A_487 : i32
        %mul3A_489 = arith.constant 512 : i32
        %mul3A_490 = arith.muli %add3A_488, %mul3A_489 : i32
        %add3A_491 = arith.addi %mul3A_490, %add3A_316 : i32
        %ne3A_492 = arith.cmpi ne, %add3A_484, %add3A_491 : i32
        %or3A_493 = arith.constant false
        %or3A_494 = arith.ori %or3A_493, %ne3A_492 : i1
        %or3A_495 = arith.constant false
        %or3A_496 = arith.ori %or3A_494, %or3A_495 : i1
        %or3A_497 = arith.ori %or3A_496, %eq3A_295 : i1
        %convert_element_type3A_498 = arith.extui %or3A_497 : i1 to i32
        %cond3A_499 = arith.constant 0 : i32
        %cond3A_500 = arith.cmpi ne, %convert_element_type3A_498, %cond3A_499 : i32
        scf.if %cond3A_500 {
          "tpu.trace_start"() <{level = 10 : i32, message = "ep_wait_in"}> : () -> ()
          %mul3A_905 = arith.constant 2 : i32
          %mul3A_906 = arith.muli %add3A_300, %mul3A_905 : i32
          %add3A_907 = arith.constant 0 : i32
          %add3A_908 = arith.addi %mul3A_906, %add3A_907 : i32
          %mul3A_909 = arith.constant 512 : i32
          %mul3A_910 = arith.muli %add3A_908, %mul3A_909 : i32
          %add3A_911 = arith.addi %mul3A_910, %add3A_298 : i32
          %mul3A_912 = arith.constant 16 : i32
          %mul3A_913 = arith.muli %mul3A_912, %add3A_911 : i32
          %rem3A_914 = arith.constant 2 : i32
          %rem3A_915 = arith.remui %scan3A_283, %rem3A_914 : i32
          %dma_wait3A_916 = arith.constant 0 : i32
          %dma_wait3A_917 = arith.constant 0 : i32
          %dma_wait3A_918 = tpu.memref_slice %run_scoped3A[%rem3A_915, %dma_wait3A_916, %dma_wait3A_917] : memref<2x16x768xf32, #tpu.memory_space<vmem>> -> memref<1x16x768xf32, #tpu.memory_space<vmem>>
          %dma_wait3A_919 = tpu.memref_squeeze %dma_wait3A_918 : memref<1x16x768xf32, #tpu.memory_space<vmem>> -> memref<16x768xf32, #tpu.memory_space<vmem>>
          %dma_wait3A_920 = arith.constant 0 : i32
          %dma_wait3A_921 = tpu.memref_slice %arg2[%mul3A_913, %dma_wait3A_920] : memref<32768x768xf32, #tpu.memory_space<hbm>> -> memref<16x768xf32, #tpu.memory_space<hbm>>
          %dma_wait3A_922 = tpu.memref_slice %run_scoped3A_7[%rem3A_915] : memref<2x!tpu.dma_semaphore, #tpu.memory_space<semaphore_mem>> -> memref<1x!tpu.dma_semaphore, #tpu.memory_space<semaphore_mem>>
          %dma_wait3A_923 = tpu.memref_squeeze %dma_wait3A_922 : memref<1x!tpu.dma_semaphore, #tpu.memory_space<semaphore_mem>> -> memref<!tpu.dma_semaphore, #tpu.memory_space<semaphore_mem>>
          %dma_wait3A_924 = arith.constant 0 : i32
          %dma_wait3A_925 = arith.constant 0 : i32
          %dma_wait3A_926 = tpu.memref_slice %run_scoped3A[%rem3A_915, %dma_wait3A_924, %dma_wait3A_925] : memref<2x16x768xf32, #tpu.memory_space<vmem>> -> memref<1x16x768xf32, #tpu.memory_space<vmem>>
          %dma_wait3A_927 = tpu.memref_squeeze %dma_wait3A_926 : memref<1x16x768xf32, #tpu.memory_space<vmem>> -> memref<16x768xf32, #tpu.memory_space<vmem>>
          %dma_wait3A_928 = arith.constant 0 : i32
          %dma_wait3A_929 = tpu.memref_slice %arg2[%mul3A_913, %dma_wait3A_928] : memref<32768x768xf32, #tpu.memory_space<hbm>> -> memref<16x768xf32, #tpu.memory_space<hbm>>
          tpu.wait_dma2 semaphore(%dma_wait3A_923 : memref<!tpu.dma_semaphore, #tpu.memory_space<semaphore_mem>>) src(%dma_wait3A_929 : memref<16x768xf32, #tpu.memory_space<hbm>>) dst(%dma_wait3A_927 : memref<16x768xf32, #tpu.memory_space<vmem>>)
          "tpu.trace_stop"() : () -> ()
        } else {
        }
        %mul3A_501 = arith.constant 2 : i32
        %mul3A_502 = arith.muli %add3A_300, %mul3A_501 : i32
        %add3A_503 = arith.constant 1 : i32
        %add3A_504 = arith.addi %mul3A_502, %add3A_503 : i32
        %mul3A_505 = arith.constant 512 : i32
        %mul3A_506 = arith.muli %add3A_504, %mul3A_505 : i32
        %add3A_507 = arith.addi %mul3A_506, %add3A_298 : i32
        %mul3A_508 = arith.constant 2 : i32
        %mul3A_509 = arith.muli %add3A_318, %mul3A_508 : i32
        %add3A_510 = arith.constant 1 : i32
        %add3A_511 = arith.addi %mul3A_509, %add3A_510 : i32
        %mul3A_512 = arith.constant 512 : i32
        %mul3A_513 = arith.muli %add3A_511, %mul3A_512 : i32
        %add3A_514 = arith.addi %mul3A_513, %add3A_316 : i32
        %ne3A_515 = arith.cmpi ne, %add3A_507, %add3A_514 : i32
        %or3A_516 = arith.constant false
        %or3A_517 = arith.ori %or3A_516, %ne3A_515 : i1
        %or3A_518 = arith.constant false
        %or3A_519 = arith.ori %or3A_517, %or3A_518 : i1
        %or3A_520 = arith.ori %or3A_519, %eq3A_295 : i1
        %convert_element_type3A_521 = arith.extui %or3A_520 : i1 to i32
        %cond3A_522 = arith.constant 0 : i32
        %cond3A_523 = arith.cmpi ne, %convert_element_type3A_521, %cond3A_522 : i32
        scf.if %cond3A_523 {
          "tpu.trace_start"() <{level = 10 : i32, message = "ep_wait_in"}> : () -> ()
          %mul3A_905 = arith.constant 2 : i32
          %mul3A_906 = arith.muli %add3A_300, %mul3A_905 : i32
          %add3A_907 = arith.constant 1 : i32
          %add3A_908 = arith.addi %mul3A_906, %add3A_907 : i32
          %mul3A_909 = arith.constant 512 : i32
          %mul3A_910 = arith.muli %add3A_908, %mul3A_909 : i32
          %add3A_911 = arith.addi %mul3A_910, %add3A_298 : i32
          %mul3A_912 = arith.constant 16 : i32
          %mul3A_913 = arith.muli %mul3A_912, %add3A_911 : i32
          %rem3A_914 = arith.constant 2 : i32
          %rem3A_915 = arith.remui %scan3A_285, %rem3A_914 : i32
          %dma_wait3A_916 = arith.constant 0 : i32
          %dma_wait3A_917 = arith.constant 0 : i32
          %dma_wait3A_918 = tpu.memref_slice %run_scoped3A_8[%rem3A_915, %dma_wait3A_916, %dma_wait3A_917] : memref<2x16x768xf32, #tpu.memory_space<vmem>> -> memref<1x16x768xf32, #tpu.memory_space<vmem>>
          %dma_wait3A_919 = tpu.memref_squeeze %dma_wait3A_918 : memref<1x16x768xf32, #tpu.memory_space<vmem>> -> memref<16x768xf32, #tpu.memory_space<vmem>>
          %dma_wait3A_920 = arith.constant 0 : i32
          %dma_wait3A_921 = tpu.memref_slice %arg2[%mul3A_913, %dma_wait3A_920] : memref<32768x768xf32, #tpu.memory_space<hbm>> -> memref<16x768xf32, #tpu.memory_space<hbm>>
          %dma_wait3A_922 = tpu.memref_slice %run_scoped3A_9[%rem3A_915] : memref<2x!tpu.dma_semaphore, #tpu.memory_space<semaphore_mem>> -> memref<1x!tpu.dma_semaphore, #tpu.memory_space<semaphore_mem>>
          %dma_wait3A_923 = tpu.memref_squeeze %dma_wait3A_922 : memref<1x!tpu.dma_semaphore, #tpu.memory_space<semaphore_mem>> -> memref<!tpu.dma_semaphore, #tpu.memory_space<semaphore_mem>>
          %dma_wait3A_924 = arith.constant 0 : i32
          %dma_wait3A_925 = arith.constant 0 : i32
          %dma_wait3A_926 = tpu.memref_slice %run_scoped3A_8[%rem3A_915, %dma_wait3A_924, %dma_wait3A_925] : memref<2x16x768xf32, #tpu.memory_space<vmem>> -> memref<1x16x768xf32, #tpu.memory_space<vmem>>
          %dma_wait3A_927 = tpu.memref_squeeze %dma_wait3A_926 : memref<1x16x768xf32, #tpu.memory_space<vmem>> -> memref<16x768xf32, #tpu.memory_space<vmem>>
          %dma_wait3A_928 = arith.constant 0 : i32
          %dma_wait3A_929 = tpu.memref_slice %arg2[%mul3A_913, %dma_wait3A_928] : memref<32768x768xf32, #tpu.memory_space<hbm>> -> memref<16x768xf32, #tpu.memory_space<hbm>>
          tpu.wait_dma2 semaphore(%dma_wait3A_923 : memref<!tpu.dma_semaphore, #tpu.memory_space<semaphore_mem>>) src(%dma_wait3A_929 : memref<16x768xf32, #tpu.memory_space<hbm>>) dst(%dma_wait3A_927 : memref<16x768xf32, #tpu.memory_space<vmem>>)
          "tpu.trace_stop"() : () -> ()
        } else {
        }
        %ne3A_524 = arith.cmpi ne, %add3A_298, %add3A_316 : i32
        %or3A_525 = arith.constant false
        %or3A_526 = arith.ori %or3A_525, %ne3A_524 : i1
        %or3A_527 = arith.constant false
        %or3A_528 = arith.ori %or3A_526, %or3A_527 : i1
        %or3A_529 = arith.ori %or3A_528, %eq3A_295 : i1
        %convert_element_type3A_530 = arith.extui %or3A_529 : i1 to i32
        %cond3A_531 = arith.constant 0 : i32
        %cond3A_532 = arith.cmpi ne, %convert_element_type3A_530, %cond3A_531 : i32
        scf.if %cond3A_532 {
          "tpu.trace_start"() <{level = 10 : i32, message = "ep_wait_in"}> : () -> ()
          %mul3A_905 = arith.constant 16 : i32
          %mul3A_906 = arith.muli %mul3A_905, %add3A_298 : i32
          %rem3A_907 = arith.constant 2 : i32
          %rem3A_908 = arith.remui %scan3A_287, %rem3A_907 : i32
          %dma_wait3A_909 = arith.constant 0 : i32
          %dma_wait3A_910 = arith.constant 0 : i32
          %dma_wait3A_911 = tpu.memref_slice %run_scoped3A_10[%rem3A_908, %dma_wait3A_909, %dma_wait3A_910] : memref<2x16x768xf32, #tpu.memory_space<vmem>> -> memref<1x16x768xf32, #tpu.memory_space<vmem>>
          %dma_wait3A_912 = tpu.memref_squeeze %dma_wait3A_911 : memref<1x16x768xf32, #tpu.memory_space<vmem>> -> memref<16x768xf32, #tpu.memory_space<vmem>>
          %dma_wait3A_913 = arith.constant 0 : i32
          %dma_wait3A_914 = tpu.memref_slice %arg3[%mul3A_906, %dma_wait3A_913] : memref<8192x768xf32, #tpu.memory_space<hbm>> -> memref<16x768xf32, #tpu.memory_space<hbm>>
          %dma_wait3A_915 = tpu.memref_slice %run_scoped3A_11[%rem3A_908] : memref<2x!tpu.dma_semaphore, #tpu.memory_space<semaphore_mem>> -> memref<1x!tpu.dma_semaphore, #tpu.memory_space<semaphore_mem>>
          %dma_wait3A_916 = tpu.memref_squeeze %dma_wait3A_915 : memref<1x!tpu.dma_semaphore, #tpu.memory_space<semaphore_mem>> -> memref<!tpu.dma_semaphore, #tpu.memory_space<semaphore_mem>>
          %dma_wait3A_917 = arith.constant 0 : i32
          %dma_wait3A_918 = arith.constant 0 : i32
          %dma_wait3A_919 = tpu.memref_slice %run_scoped3A_10[%rem3A_908, %dma_wait3A_917, %dma_wait3A_918] : memref<2x16x768xf32, #tpu.memory_space<vmem>> -> memref<1x16x768xf32, #tpu.memory_space<vmem>>
          %dma_wait3A_920 = tpu.memref_squeeze %dma_wait3A_919 : memref<1x16x768xf32, #tpu.memory_space<vmem>> -> memref<16x768xf32, #tpu.memory_space<vmem>>
          %dma_wait3A_921 = arith.constant 0 : i32
          %dma_wait3A_922 = tpu.memref_slice %arg3[%mul3A_906, %dma_wait3A_921] : memref<8192x768xf32, #tpu.memory_space<hbm>> -> memref<16x768xf32, #tpu.memory_space<hbm>>
          tpu.wait_dma2 semaphore(%dma_wait3A_916 : memref<!tpu.dma_semaphore, #tpu.memory_space<semaphore_mem>>) src(%dma_wait3A_922 : memref<16x768xf32, #tpu.memory_space<hbm>>) dst(%dma_wait3A_920 : memref<16x768xf32, #tpu.memory_space<vmem>>)
          "tpu.trace_stop"() : () -> ()
        } else {
        }
        %mul3A_533 = arith.constant 2 : i32
        %mul3A_534 = arith.muli %add3A_300, %mul3A_533 : i32
        %add3A_535 = arith.constant 0 : i32
        %add3A_536 = arith.addi %mul3A_534, %add3A_535 : i32
        %mul3A_537 = arith.constant 512 : i32
        %mul3A_538 = arith.muli %add3A_536, %mul3A_537 : i32
        %add3A_539 = arith.addi %mul3A_538, %add3A_298 : i32
        %mul3A_540 = arith.constant 2 : i32
        %mul3A_541 = arith.muli %add3A_318, %mul3A_540 : i32
        %add3A_542 = arith.constant 0 : i32
        %add3A_543 = arith.addi %mul3A_541, %add3A_542 : i32
        %mul3A_544 = arith.constant 512 : i32
        %mul3A_545 = arith.muli %add3A_543, %mul3A_544 : i32
        %add3A_546 = arith.addi %mul3A_545, %add3A_316 : i32
        %ne3A_547 = arith.cmpi ne, %add3A_539, %add3A_546 : i32
        %or3A_548 = arith.constant false
        %or3A_549 = arith.ori %or3A_548, %ne3A_547 : i1
        %or3A_550 = arith.constant false
        %or3A_551 = arith.ori %or3A_549, %or3A_550 : i1
        %or3A_552 = arith.ori %or3A_551, %eq3A_295 : i1
        %convert_element_type3A_553 = arith.extui %or3A_552 : i1 to i32
        %cond3A_554 = arith.constant 0 : i32
        %cond3A_555 = arith.cmpi ne, %convert_element_type3A_553, %cond3A_554 : i32
        scf.if %cond3A_555 {
        } else {
        }
        %mul3A_556 = arith.constant 2 : i32
        %mul3A_557 = arith.muli %add3A_300, %mul3A_556 : i32
        %add3A_558 = arith.constant 1 : i32
        %add3A_559 = arith.addi %mul3A_557, %add3A_558 : i32
        %mul3A_560 = arith.constant 512 : i32
        %mul3A_561 = arith.muli %add3A_559, %mul3A_560 : i32
        %add3A_562 = arith.addi %mul3A_561, %add3A_298 : i32
        %mul3A_563 = arith.constant 2 : i32
        %mul3A_564 = arith.muli %add3A_318, %mul3A_563 : i32
        %add3A_565 = arith.constant 1 : i32
        %add3A_566 = arith.addi %mul3A_564, %add3A_565 : i32
        %mul3A_567 = arith.constant 512 : i32
        %mul3A_568 = arith.muli %add3A_566, %mul3A_567 : i32
        %add3A_569 = arith.addi %mul3A_568, %add3A_316 : i32
        %ne3A_570 = arith.cmpi ne, %add3A_562, %add3A_569 : i32
        %or3A_571 = arith.constant false
        %or3A_572 = arith.ori %or3A_571, %ne3A_570 : i1
        %or3A_573 = arith.constant false
        %or3A_574 = arith.ori %or3A_572, %or3A_573 : i1
        %or3A_575 = arith.ori %or3A_574, %eq3A_295 : i1
        %convert_element_type3A_576 = arith.extui %or3A_575 : i1 to i32
        %cond3A_577 = arith.constant 0 : i32
        %cond3A_578 = arith.cmpi ne, %convert_element_type3A_576, %cond3A_577 : i32
        scf.if %cond3A_578 {
        } else {
        }
        %rem3A_579 = arith.constant 2 : i32
        %rem3A_580 = arith.remui %scan3A_283, %rem3A_579 : i32
        %rem3A_581 = arith.constant 2 : i32
        %rem3A_582 = arith.remui %scan3A_285, %rem3A_581 : i32
        %rem3A_583 = arith.constant 2 : i32
        %rem3A_584 = arith.remui %scan3A_287, %rem3A_583 : i32
        %rem3A_585 = arith.constant 2 : i32
        %rem3A_586 = arith.remui %scan3A_288, %rem3A_585 : i32
        %rem3A_587 = arith.constant 2 : i32
        %rem3A_588 = arith.remui %scan3A_290, %rem3A_587 : i32
        %parallel_loop3A = arith.constant 0 : i32
        %parallel_loop3A_589 = arith.constant 768 : i32
        %parallel_loop3A_590 = arith.constant 16 : i32
        "tpu.trace_start"() <{level = 10 : i32, message = "ep_run_kernel"}> : () -> ()
        scf.for %parallel_loop3A_905 = %parallel_loop3A to %parallel_loop3A_589 step %parallel_loop3A_590  : i32 {
          %parallel_loop3A_906 = arith.constant 0 : i32
          %parallel_loop3A_907 = arith.constant 0 : i32
          %parallel_loop3A_908 = tpu.memref_slice %run_scoped3A_10[%rem3A_584, %parallel_loop3A_906, %parallel_loop3A_907] : memref<2x16x768xf32, #tpu.memory_space<vmem>> -> memref<1x16x768xf32, #tpu.memory_space<vmem>>
          %parallel_loop3A_909 = tpu.memref_squeeze %parallel_loop3A_908 : memref<1x16x768xf32, #tpu.memory_space<vmem>> -> memref<16x768xf32, #tpu.memory_space<vmem>>
          %parallel_loop3A_910 = arith.constant 0 : index
          %parallel_loop3A_911 = arith.index_cast %parallel_loop3A_905 : i32 to index
          %parallel_loop3A_912 = tpu.vector_load %parallel_loop3A_909[%parallel_loop3A_910, %parallel_loop3A_911] {strides = array<i32>} : memref<16x768xf32, #tpu.memory_space<vmem>>, vector<1x16xf32>,
          %parallel_loop3A_913 = vector.shape_cast %parallel_loop3A_912 : vector<1x16xf32> to vector<1x16xf32>
          %parallel_loop3A_914 = arith.constant 0 : i32
          %parallel_loop3A_915 = arith.constant 0 : i32
          %parallel_loop3A_916 = tpu.memref_slice %run_scoped3A[%rem3A_580, %parallel_loop3A_914, %parallel_loop3A_915] : memref<2x16x768xf32, #tpu.memory_space<vmem>> -> memref<1x16x768xf32, #tpu.memory_space<vmem>>
          %parallel_loop3A_917 = tpu.memref_squeeze %parallel_loop3A_916 : memref<1x16x768xf32, #tpu.memory_space<vmem>> -> memref<16x768xf32, #tpu.memory_space<vmem>>
          %parallel_loop3A_918 = arith.constant 0 : index
          %parallel_loop3A_919 = arith.index_cast %parallel_loop3A_905 : i32 to index
          %parallel_loop3A_920 = tpu.vector_load %parallel_loop3A_917[%parallel_loop3A_918, %parallel_loop3A_919] {strides = array<i32>} : memref<16x768xf32, #tpu.memory_space<vmem>>, vector<1x16xf32>,
          %parallel_loop3A_921 = vector.shape_cast %parallel_loop3A_920 : vector<1x16xf32> to vector<1x16xf32>
          %parallel_loop3A_922 = arith.addf %parallel_loop3A_921, %parallel_loop3A_913 : vector<1x16xf32>
          %parallel_loop3A_923 = arith.constant 0 : i32
          %parallel_loop3A_924 = arith.constant 0 : i32
          %parallel_loop3A_925 = tpu.memref_slice %run_scoped3A_12[%rem3A_586, %parallel_loop3A_923, %parallel_loop3A_924] : memref<2x16x768xf32, #tpu.memory_space<vmem>> -> memref<1x16x768xf32, #tpu.memory_space<vmem>>
          %parallel_loop3A_926 = tpu.memref_squeeze %parallel_loop3A_925 : memref<1x16x768xf32, #tpu.memory_space<vmem>> -> memref<16x768xf32, #tpu.memory_space<vmem>>
          %parallel_loop3A_927 = arith.constant 0 : index
          %parallel_loop3A_928 = arith.index_cast %parallel_loop3A_905 : i32 to index
          %parallel_loop3A_929 = tpu.vector_load %parallel_loop3A_926[%parallel_loop3A_927, %parallel_loop3A_928] {strides = array<i32>} : memref<16x768xf32, #tpu.memory_space<vmem>>, vector<1x16xf32>,
          %parallel_loop3A_930 = vector.shape_cast %parallel_loop3A_929 : vector<1x16xf32> to vector<1x16xf32>
          %parallel_loop3A_931 = vector.shape_cast %parallel_loop3A_922 : vector<1x16xf32> to vector<1x16xf32>
          tpu.vector_store %parallel_loop3A_926[%parallel_loop3A_927, %parallel_loop3A_928], %parallel_loop3A_931 {strides = array<i32>} : memref<16x768xf32, #tpu.memory_space<vmem>>, vector<1x16xf32>,
          %parallel_loop3A_932 = arith.constant 0 : i32
          %parallel_loop3A_933 = arith.constant 0 : i32
          %parallel_loop3A_934 = tpu.memref_slice %run_scoped3A_8[%rem3A_582, %parallel_loop3A_932, %parallel_loop3A_933] : memref<2x16x768xf32, #tpu.memory_space<vmem>> -> memref<1x16x768xf32, #tpu.memory_space<vmem>>
          %parallel_loop3A_935 = tpu.memref_squeeze %parallel_loop3A_934 : memref<1x16x768xf32, #tpu.memory_space<vmem>> -> memref<16x768xf32, #tpu.memory_space<vmem>>
          %parallel_loop3A_936 = arith.constant 0 : index
          %parallel_loop3A_937 = arith.index_cast %parallel_loop3A_905 : i32 to index
          %parallel_loop3A_938 = tpu.vector_load %parallel_loop3A_935[%parallel_loop3A_936, %parallel_loop3A_937] {strides = array<i32>} : memref<16x768xf32, #tpu.memory_space<vmem>>, vector<1x16xf32>,
          %parallel_loop3A_939 = vector.shape_cast %parallel_loop3A_938 : vector<1x16xf32> to vector<1x16xf32>
          %parallel_loop3A_940 = arith.addf %parallel_loop3A_939, %parallel_loop3A_913 : vector<1x16xf32>
          %parallel_loop3A_941 = arith.constant 0 : i32
          %parallel_loop3A_942 = arith.constant 0 : i32
          %parallel_loop3A_943 = tpu.memref_slice %run_scoped3A_14[%rem3A_588, %parallel_loop3A_941, %parallel_loop3A_942] : memref<2x16x768xf32, #tpu.memory_space<vmem>> -> memref<1x16x768xf32, #tpu.memory_space<vmem>>
          %parallel_loop3A_944 = tpu.memref_squeeze %parallel_loop3A_943 : memref<1x16x768xf32, #tpu.memory_space<vmem>> -> memref<16x768xf32, #tpu.memory_space<vmem>>
          %parallel_loop3A_945 = arith.constant 0 : index
          %parallel_loop3A_946 = arith.index_cast %parallel_loop3A_905 : i32 to index
          %parallel_loop3A_947 = tpu.vector_load %parallel_loop3A_944[%parallel_loop3A_945, %parallel_loop3A_946] {strides = array<i32>} : memref<16x768xf32, #tpu.memory_space<vmem>>, vector<1x16xf32>,
          %parallel_loop3A_948 = vector.shape_cast %parallel_loop3A_947 : vector<1x16xf32> to vector<1x16xf32>
          %parallel_loop3A_949 = vector.shape_cast %parallel_loop3A_940 : vector<1x16xf32> to vector<1x16xf32>
          tpu.vector_store %parallel_loop3A_944[%parallel_loop3A_945, %parallel_loop3A_946], %parallel_loop3A_949 {strides = array<i32>} : memref<16x768xf32, #tpu.memory_space<vmem>>, vector<1x16xf32>,
          %parallel_loop3A_950 = arith.constant 0 : i32
          %parallel_loop3A_951 = arith.constant 0 : i32
          %parallel_loop3A_952 = tpu.memref_slice %run_scoped3A_10[%rem3A_584, %parallel_loop3A_950, %parallel_loop3A_951] : memref<2x16x768xf32, #tpu.memory_space<vmem>> -> memref<1x16x768xf32, #tpu.memory_space<vmem>>
          %parallel_loop3A_953 = tpu.memref_squeeze %parallel_loop3A_952 : memref<1x16x768xf32, #tpu.memory_space<vmem>> -> memref<16x768xf32, #tpu.memory_space<vmem>>
          %parallel_loop3A_954 = arith.constant 1 : index
          %parallel_loop3A_955 = arith.index_cast %parallel_loop3A_905 : i32 to index
          %parallel_loop3A_956 = tpu.vector_load %parallel_loop3A_953[%parallel_loop3A_954, %parallel_loop3A_955] {strides = array<i32>} : memref<16x768xf32, #tpu.memory_space<vmem>>, vector<1x16xf32>,
          %parallel_loop3A_957 = vector.shape_cast %parallel_loop3A_956 : vector<1x16xf32> to vector<1x16xf32>
          %parallel_loop3A_958 = arith.constant 0 : i32
          %parallel_loop3A_959 = arith.constant 0 : i32
          %parallel_loop3A_960 = tpu.memref_slice %run_scoped3A[%rem3A_580, %parallel_loop3A_958, %parallel_loop3A_959] : memref<2x16x768xf32, #tpu.memory_space<vmem>> -> memref<1x16x768xf32, #tpu.memory_space<vmem>>
          %parallel_loop3A_961 = tpu.memref_squeeze %parallel_loop3A_960 : memref<1x16x768xf32, #tpu.memory_space<vmem>> -> memref<16x768xf32, #tpu.memory_space<vmem>>
          %parallel_loop3A_962 = arith.constant 1 : index
          %parallel_loop3A_963 = arith.index_cast %parallel_loop3A_905 : i32 to index
          %parallel_loop3A_964 = tpu.vector_load %parallel_loop3A_961[%parallel_loop3A_962, %parallel_loop3A_963] {strides = array<i32>} : memref<16x768xf32, #tpu.memory_space<vmem>>, vector<1x16xf32>,
          %parallel_loop3A_965 = vector.shape_cast %parallel_loop3A_964 : vector<1x16xf32> to vector<1x16xf32>
          %parallel_loop3A_966 = arith.addf %parallel_loop3A_965, %parallel_loop3A_957 : vector<1x16xf32>
          %parallel_loop3A_967 = arith.constant 0 : i32
          %parallel_loop3A_968 = arith.constant 0 : i32
          %parallel_loop3A_969 = tpu.memref_slice %run_scoped3A_12[%rem3A_586, %parallel_loop3A_967, %parallel_loop3A_968] : memref<2x16x768xf32, #tpu.memory_space<vmem>> -> memref<1x16x768xf32, #tpu.memory_space<vmem>>
          %parallel_loop3A_970 = tpu.memref_squeeze %parallel_loop3A_969 : memref<1x16x768xf32, #tpu.memory_space<vmem>> -> memref<16x768xf32, #tpu.memory_space<vmem>>
          %parallel_loop3A_971 = arith.constant 1 : index
          %parallel_loop3A_972 = arith.index_cast %parallel_loop3A_905 : i32 to index
          %parallel_loop3A_973 = tpu.vector_load %parallel_loop3A_970[%parallel_loop3A_971, %parallel_loop3A_972] {strides = array<i32>} : memref<16x768xf32, #tpu.memory_space<vmem>>, vector<1x16xf32>,
          %parallel_loop3A_974 = vector.shape_cast %parallel_loop3A_973 : vector<1x16xf32> to vector<1x16xf32>
          %parallel_loop3A_975 = vector.shape_cast %parallel_loop3A_966 : vector<1x16xf32> to vector<1x16xf32>
          tpu.vector_store %parallel_loop3A_970[%parallel_loop3A_971, %parallel_loop3A_972], %parallel_loop3A_975 {strides = array<i32>} : memref<16x768xf32, #tpu.memory_space<vmem>>, vector<1x16xf32>,
          %parallel_loop3A_976 = arith.constant 0 : i32
          %parallel_loop3A_977 = arith.constant 0 : i32
          %parallel_loop3A_978 = tpu.memref_slice %run_scoped3A_8[%rem3A_582, %parallel_loop3A_976, %parallel_loop3A_977] : memref<2x16x768xf32, #tpu.memory_space<vmem>> -> memref<1x16x768xf32, #tpu.memory_space<vmem>>
          %parallel_loop3A_979 = tpu.memref_squeeze %parallel_loop3A_978 : memref<1x16x768xf32, #tpu.memory_space<vmem>> -> memref<16x768xf32, #tpu.memory_space<vmem>>
          %parallel_loop3A_980 = arith.constant 1 : index
          %parallel_loop3A_981 = arith.index_cast %parallel_loop3A_905 : i32 to index
          %parallel_loop3A_982 = tpu.vector_load %parallel_loop3A_979[%parallel_loop3A_980, %parallel_loop3A_981] {strides = array<i32>} : memref<16x768xf32, #tpu.memory_space<vmem>>, vector<1x16xf32>,
          %parallel_loop3A_983 = vector.shape_cast %parallel_loop3A_982 : vector<1x16xf32> to vector<1x16xf32>
          %parallel_loop3A_984 = arith.addf %parallel_loop3A_983, %parallel_loop3A_957 : vector<1x16xf32>
          %parallel_loop3A_985 = arith.constant 0 : i32
          %parallel_loop3A_986 = arith.constant 0 : i32
          %parallel_loop3A_987 = tpu.memref_slice %run_scoped3A_14[%rem3A_588, %parallel_loop3A_985, %parallel_loop3A_986] : memref<2x16x768xf32, #tpu.memory_space<vmem>> -> memref<1x16x768xf32, #tpu.memory_space<vmem>>
          %parallel_loop3A_988 = tpu.memref_squeeze %parallel_loop3A_987 : memref<1x16x768xf32, #tpu.memory_space<vmem>> -> memref<16x768xf32, #tpu.memory_space<vmem>>
          %parallel_loop3A_989 = arith.constant 1 : index
          %parallel_loop3A_990 = arith.index_cast %parallel_loop3A_905 : i32 to index
          %parallel_loop3A_991 = tpu.vector_load %parallel_loop3A_988[%parallel_loop3A_989, %parallel_loop3A_990] {strides = array<i32>} : memref<16x768xf32, #tpu.memory_space<vmem>>, vector<1x16xf32>,
          %parallel_loop3A_992 = vector.shape_cast %parallel_loop3A_991 : vector<1x16xf32> to vector<1x16xf32>
          %parallel_loop3A_993 = vector.shape_cast %parallel_loop3A_984 : vector<1x16xf32> to vector<1x16xf32>
          tpu.vector_store %parallel_loop3A_988[%parallel_loop3A_989, %parallel_loop3A_990], %parallel_loop3A_993 {strides = array<i32>} : memref<16x768xf32, #tpu.memory_space<vmem>>, vector<1x16xf32>,
          %parallel_loop3A_994 = arith.constant 0 : i32
          %parallel_loop3A_995 = arith.constant 0 : i32
          %parallel_loop3A_996 = tpu.memref_slice %run_scoped3A_10[%rem3A_584, %parallel_loop3A_994, %parallel_loop3A_995] : memref<2x16x768xf32, #tpu.memory_space<vmem>> -> memref<1x16x768xf32, #tpu.memory_space<vmem>>
          %parallel_loop3A_997 = tpu.memref_squeeze %parallel_loop3A_996 : memref<1x16x768xf32, #tpu.memory_space<vmem>> -> memref<16x768xf32, #tpu.memory_space<vmem>>
          %parallel_loop3A_998 = arith.constant 2 : index
          %parallel_loop3A_999 = arith.index_cast %parallel_loop3A_905 : i32 to index
          %parallel_loop3A_1000 = tpu.vector_load %parallel_loop3A_997[%parallel_loop3A_998, %parallel_loop3A_999] {strides = array<i32>} : memref<16x768xf32, #tpu.memory_space<vmem>>, vector<1x16xf32>,
          %parallel_loop3A_1001 = vector.shape_cast %parallel_loop3A_1000 : vector<1x16xf32> to vector<1x16xf32>
          %parallel_loop3A_1002 = arith.constant 0 : i32
          %parallel_loop3A_1003 = arith.constant 0 : i32
          %parallel_loop3A_1004 = tpu.memref_slice %run_scoped3A[%rem3A_580, %parallel_loop3A_1002, %parallel_loop3A_1003] : memref<2x16x768xf32, #tpu.memory_space<vmem>> -> memref<1x16x768xf32, #tpu.memory_space<vmem>>
          %parallel_loop3A_1005 = tpu.memref_squeeze %parallel_loop3A_1004 : memref<1x16x768xf32, #tpu.memory_space<vmem>> -> memref<16x768xf32, #tpu.memory_space<vmem>>
          %parallel_loop3A_1006 = arith.constant 2 : index
          %parallel_loop3A_1007 = arith.index_cast %parallel_loop3A_905 : i32 to index
          %parallel_loop3A_1008 = tpu.vector_load %parallel_loop3A_1005[%parallel_loop3A_1006, %parallel_loop3A_1007] {strides = array<i32>} : memref<16x768xf32, #tpu.memory_space<vmem>>, vector<1x16xf32>,
          %parallel_loop3A_1009 = vector.shape_cast %parallel_loop3A_1008 : vector<1x16xf32> to vector<1x16xf32>
          %parallel_loop3A_1010 = arith.addf %parallel_loop3A_1009, %parallel_loop3A_1001 : vector<1x16xf32>
          %parallel_loop3A_1011 = arith.constant 0 : i32
          %parallel_loop3A_1012 = arith.constant 0 : i32
          %parallel_loop3A_1013 = tpu.memref_slice %run_scoped3A_12[%rem3A_586, %parallel_loop3A_1011, %parallel_loop3A_1012] : memref<2x16x768xf32, #tpu.memory_space<vmem>> -> memref<1x16x768xf32, #tpu.memory_space<vmem>>
          %parallel_loop3A_1014 = tpu.memref_squeeze %parallel_loop3A_1013 : memref<1x16x768xf32, #tpu.memory_space<vmem>> -> memref<16x768xf32, #tpu.memory_space<vmem>>
          %parallel_loop3A_1015 = arith.constant 2 : index
          %parallel_loop3A_1016 = arith.index_cast %parallel_loop3A_905 : i32 to index
          %parallel_loop3A_1017 = tpu.vector_load %parallel_loop3A_1014[%parallel_loop3A_1015, %parallel_loop3A_1016] {strides = array<i32>} : memref<16x768xf32, #tpu.memory_space<vmem>>, vector<1x16xf32>,
          %parallel_loop3A_1018 = vector.shape_cast %parallel_loop3A_1017 : vector<1x16xf32> to vector<1x16xf32>
          %parallel_loop3A_1019 = vector.shape_cast %parallel_loop3A_1010 : vector<1x16xf32> to vector<1x16xf32>
          tpu.vector_store %parallel_loop3A_1014[%parallel_loop3A_1015, %parallel_loop3A_1016], %parallel_loop3A_1019 {strides = array<i32>} : memref<16x768xf32, #tpu.memory_space<vmem>>, vector<1x16xf32>,
          %parallel_loop3A_1020 = arith.constant 0 : i32
          %parallel_loop3A_1021 = arith.constant 0 : i32
          %parallel_loop3A_1022 = tpu.memref_slice %run_scoped3A_8[%rem3A_582, %parallel_loop3A_1020, %parallel_loop3A_1021] : memref<2x16x768xf32, #tpu.memory_space<vmem>> -> memref<1x16x768xf32, #tpu.memory_space<vmem>>
          %parallel_loop3A_1023 = tpu.memref_squeeze %parallel_loop3A_1022 : memref<1x16x768xf32, #tpu.memory_space<vmem>> -> memref<16x768xf32, #tpu.memory_space<vmem>>
          %parallel_loop3A_1024 = arith.constant 2 : index
          %parallel_loop3A_1025 = arith.index_cast %parallel_loop3A_905 : i32 to index
          %parallel_loop3A_1026 = tpu.vector_load %parallel_loop3A_1023[%parallel_loop3A_1024, %parallel_loop3A_1025] {strides = array<i32>} : memref<16x768xf32, #tpu.memory_space<vmem>>, vector<1x16xf32>,
          %parallel_loop3A_1027 = vector.shape_cast %parallel_loop3A_1026 : vector<1x16xf32> to vector<1x16xf32>
          %parallel_loop3A_1028 = arith.addf %parallel_loop3A_1027, %parallel_loop3A_1001 : vector<1x16xf32>
          %parallel_loop3A_1029 = arith.constant 0 : i32
          %parallel_loop3A_1030 = arith.constant 0 : i32
          %parallel_loop3A_1031 = tpu.memref_slice %run_scoped3A_14[%rem3A_588, %parallel_loop3A_1029, %parallel_loop3A_1030] : memref<2x16x768xf32, #tpu.memory_space<vmem>> -> memref<1x16x768xf32, #tpu.memory_space<vmem>>
          %parallel_loop3A_1032 = tpu.memref_squeeze %parallel_loop3A_1031 : memref<1x16x768xf32, #tpu.memory_space<vmem>> -> memref<16x768xf32, #tpu.memory_space<vmem>>
          %parallel_loop3A_1033 = arith.constant 2 : index
          %parallel_loop3A_1034 = arith.index_cast %parallel_loop3A_905 : i32 to index
          %parallel_loop3A_1035 = tpu.vector_load %parallel_loop3A_1032[%parallel_loop3A_1033, %parallel_loop3A_1034] {strides = array<i32>} : memref<16x768xf32, #tpu.memory_space<vmem>>, vector<1x16xf32>,
          %parallel_loop3A_1036 = vector.shape_cast %parallel_loop3A_1035 : vector<1x16xf32> to vector<1x16xf32>
          %parallel_loop3A_1037 = vector.shape_cast %parallel_loop3A_1028 : vector<1x16xf32> to vector<1x16xf32>
          tpu.vector_store %parallel_loop3A_1032[%parallel_loop3A_1033, %parallel_loop3A_1034], %parallel_loop3A_1037 {strides = array<i32>} : memref<16x768xf32, #tpu.memory_space<vmem>>, vector<1x16xf32>,
          %parallel_loop3A_1038 = arith.constant 0 : i32
          %parallel_loop3A_1039 = arith.constant 0 : i32
          %parallel_loop3A_1040 = tpu.memref_slice %run_scoped3A_10[%rem3A_584, %parallel_loop3A_1038, %parallel_loop3A_1039] : memref<2x16x768xf32, #tpu.memory_space<vmem>> -> memref<1x16x768xf32, #tpu.memory_space<vmem>>
          %parallel_loop3A_1041 = tpu.memref_squeeze %parallel_loop3A_1040 : memref<1x16x768xf32, #tpu.memory_space<vmem>> -> memref<16x768xf32, #tpu.memory_space<vmem>>
          %parallel_loop3A_1042 = arith.constant 3 : index
          %parallel_loop3A_1043 = arith.index_cast %parallel_loop3A_905 : i32 to index
          %parallel_loop3A_1044 = tpu.vector_load %parallel_loop3A_1041[%parallel_loop3A_1042, %parallel_loop3A_1043] {strides = array<i32>} : memref<16x768xf32, #tpu.memory_space<vmem>>, vector<1x16xf32>,
          %parallel_loop3A_1045 = vector.shape_cast %parallel_loop3A_1044 : vector<1x16xf32> to vector<1x16xf32>
          %parallel_loop3A_1046 = arith.constant 0 : i32
          %parallel_loop3A_1047 = arith.constant 0 : i32
          %parallel_loop3A_1048 = tpu.memref_slice %run_scoped3A[%rem3A_580, %parallel_loop3A_1046, %parallel_loop3A_1047] : memref<2x16x768xf32, #tpu.memory_space<vmem>> -> memref<1x16x768xf32, #tpu.memory_space<vmem>>
          %parallel_loop3A_1049 = tpu.memref_squeeze %parallel_loop3A_1048 : memref<1x16x768xf32, #tpu.memory_space<vmem>> -> memref<16x768xf32, #tpu.memory_space<vmem>>
          %parallel_loop3A_1050 = arith.constant 3 : index
          %parallel_loop3A_1051 = arith.index_cast %parallel_loop3A_905 : i32 to index
          %parallel_loop3A_1052 = tpu.vector_load %parallel_loop3A_1049[%parallel_loop3A_1050, %parallel_loop3A_1051] {strides = array<i32>} : memref<16x768xf32, #tpu.memory_space<vmem>>, vector<1x16xf32>,
          %parallel_loop3A_1053 = vector.shape_cast %parallel_loop3A_1052 : vector<1x16xf32> to vector<1x16xf32>
          %parallel_loop3A_1054 = arith.addf %parallel_loop3A_1053, %parallel_loop3A_1045 : vector<1x16xf32>
          %parallel_loop3A_1055 = arith.constant 0 : i32
          %parallel_loop3A_1056 = arith.constant 0 : i32
          %parallel_loop3A_1057 = tpu.memref_slice %run_scoped3A_12[%rem3A_586, %parallel_loop3A_1055, %parallel_loop3A_1056] : memref<2x16x768xf32, #tpu.memory_space<vmem>> -> memref<1x16x768xf32, #tpu.memory_space<vmem>>
          %parallel_loop3A_1058 = tpu.memref_squeeze %parallel_loop3A_1057 : memref<1x16x768xf32, #tpu.memory_space<vmem>> -> memref<16x768xf32, #tpu.memory_space<vmem>>
          %parallel_loop3A_1059 = arith.constant 3 : index
          %parallel_loop3A_1060 = arith.index_cast %parallel_loop3A_905 : i32 to index
          %parallel_loop3A_1061 = tpu.vector_load %parallel_loop3A_1058[%parallel_loop3A_1059, %parallel_loop3A_1060] {strides = array<i32>} : memref<16x768xf32, #tpu.memory_space<vmem>>, vector<1x16xf32>,
          %parallel_loop3A_1062 = vector.shape_cast %parallel_loop3A_1061 : vector<1x16xf32> to vector<1x16xf32>
          %parallel_loop3A_1063 = vector.shape_cast %parallel_loop3A_1054 : vector<1x16xf32> to vector<1x16xf32>
          tpu.vector_store %parallel_loop3A_1058[%parallel_loop3A_1059, %parallel_loop3A_1060], %parallel_loop3A_1063 {strides = array<i32>} : memref<16x768xf32, #tpu.memory_space<vmem>>, vector<1x16xf32>,
          %parallel_loop3A_1064 = arith.constant 0 : i32
          %parallel_loop3A_1065 = arith.constant 0 : i32
          %parallel_loop3A_1066 = tpu.memref_slice %run_scoped3A_8[%rem3A_582, %parallel_loop3A_1064, %parallel_loop3A_1065] : memref<2x16x768xf32, #tpu.memory_space<vmem>> -> memref<1x16x768xf32, #tpu.memory_space<vmem>>
          %parallel_loop3A_1067 = tpu.memref_squeeze %parallel_loop3A_1066 : memref<1x16x768xf32, #tpu.memory_space<vmem>> -> memref<16x768xf32, #tpu.memory_space<vmem>>
          %parallel_loop3A_1068 = arith.constant 3 : index
          %parallel_loop3A_1069 = arith.index_cast %parallel_loop3A_905 : i32 to index
          %parallel_loop3A_1070 = tpu.vector_load %parallel_loop3A_1067[%parallel_loop3A_1068, %parallel_loop3A_1069] {strides = array<i32>} : memref<16x768xf32, #tpu.memory_space<vmem>>, vector<1x16xf32>,
          %parallel_loop3A_1071 = vector.shape_cast %parallel_loop3A_1070 : vector<1x16xf32> to vector<1x16xf32>
          %parallel_loop3A_1072 = arith.addf %parallel_loop3A_1071, %parallel_loop3A_1045 : vector<1x16xf32>
          %parallel_loop3A_1073 = arith.constant 0 : i32
          %parallel_loop3A_1074 = arith.constant 0 : i32
          %parallel_loop3A_1075 = tpu.memref_slice %run_scoped3A_14[%rem3A_588, %parallel_loop3A_1073, %parallel_loop3A_1074] : memref<2x16x768xf32, #tpu.memory_space<vmem>> -> memref<1x16x768xf32, #tpu.memory_space<vmem>>
          %parallel_loop3A_1076 = tpu.memref_squeeze %parallel_loop3A_1075 : memref<1x16x768xf32, #tpu.memory_space<vmem>> -> memref<16x768xf32, #tpu.memory_space<vmem>>
          %parallel_loop3A_1077 = arith.constant 3 : index
          %parallel_loop3A_1078 = arith.index_cast %parallel_loop3A_905 : i32 to index
          %parallel_loop3A_1079 = tpu.vector_load %parallel_loop3A_1076[%parallel_loop3A_1077, %parallel_loop3A_1078] {strides = array<i32>} : memref<16x768xf32, #tpu.memory_space<vmem>>, vector<1x16xf32>,
          %parallel_loop3A_1080 = vector.shape_cast %parallel_loop3A_1079 : vector<1x16xf32> to vector<1x16xf32>
          %parallel_loop3A_1081 = vector.shape_cast %parallel_loop3A_1072 : vector<1x16xf32> to vector<1x16xf32>
          tpu.vector_store %parallel_loop3A_1076[%parallel_loop3A_1077, %parallel_loop3A_1078], %parallel_loop3A_1081 {strides = array<i32>} : memref<16x768xf32, #tpu.memory_space<vmem>>, vector<1x16xf32>,
          %parallel_loop3A_1082 = arith.constant 0 : i32
          %parallel_loop3A_1083 = arith.constant 0 : i32
          %parallel_loop3A_1084 = tpu.memref_slice %run_scoped3A_10[%rem3A_584, %parallel_loop3A_1082, %parallel_loop3A_1083] : memref<2x16x768xf32, #tpu.memory_space<vmem>> -> memref<1x16x768xf32, #tpu.memory_space<vmem>>
          %parallel_loop3A_1085 = tpu.memref_squeeze %parallel_loop3A_1084 : memref<1x16x768xf32, #tpu.memory_space<vmem>> -> memref<16x768xf32, #tpu.memory_space<vmem>>
          %parallel_loop3A_1086 = arith.constant 4 : index
          %parallel_loop3A_1087 = arith.index_cast %parallel_loop3A_905 : i32 to index
          %parallel_loop3A_1088 = tpu.vector_load %parallel_loop3A_1085[%parallel_loop3A_1086, %parallel_loop3A_1087] {strides = array<i32>} : memref<16x768xf32, #tpu.memory_space<vmem>>, vector<1x16xf32>,
          %parallel_loop3A_1089 = vector.shape_cast %parallel_loop3A_1088 : vector<1x16xf32> to vector<1x16xf32>
          %parallel_loop3A_1090 = arith.constant 0 : i32
          %parallel_loop3A_1091 = arith.constant 0 : i32
          %parallel_loop3A_1092 = tpu.memref_slice %run_scoped3A[%rem3A_580, %parallel_loop3A_1090, %parallel_loop3A_1091] : memref<2x16x768xf32, #tpu.memory_space<vmem>> -> memref<1x16x768xf32, #tpu.memory_space<vmem>>
          %parallel_loop3A_1093 = tpu.memref_squeeze %parallel_loop3A_1092 : memref<1x16x768xf32, #tpu.memory_space<vmem>> -> memref<16x768xf32, #tpu.memory_space<vmem>>
          %parallel_loop3A_1094 = arith.constant 4 : index
          %parallel_loop3A_1095 = arith.index_cast %parallel_loop3A_905 : i32 to index
          %parallel_loop3A_1096 = tpu.vector_load %parallel_loop3A_1093[%parallel_loop3A_1094, %parallel_loop3A_1095] {strides = array<i32>} : memref<16x768xf32, #tpu.memory_space<vmem>>, vector<1x16xf32>,
          %parallel_loop3A_1097 = vector.shape_cast %parallel_loop3A_1096 : vector<1x16xf32> to vector<1x16xf32>
          %parallel_loop3A_1098 = arith.addf %parallel_loop3A_1097, %parallel_loop3A_1089 : vector<1x16xf32>
          %parallel_loop3A_1099 = arith.constant 0 : i32
          %parallel_loop3A_1100 = arith.constant 0 : i32
          %parallel_loop3A_1101 = tpu.memref_slice %run_scoped3A_12[%rem3A_586, %parallel_loop3A_1099, %parallel_loop3A_1100] : memref<2x16x768xf32, #tpu.memory_space<vmem>> -> memref<1x16x768xf32, #tpu.memory_space<vmem>>
          %parallel_loop3A_1102 = tpu.memref_squeeze %parallel_loop3A_1101 : memref<1x16x768xf32, #tpu.memory_space<vmem>> -> memref<16x768xf32, #tpu.memory_space<vmem>>
          %parallel_loop3A_1103 = arith.constant 4 : index
          %parallel_loop3A_1104 = arith.index_cast %parallel_loop3A_905 : i32 to index
          %parallel_loop3A_1105 = tpu.vector_load %parallel_loop3A_1102[%parallel_loop3A_1103, %parallel_loop3A_1104] {strides = array<i32>} : memref<16x768xf32, #tpu.memory_space<vmem>>, vector<1x16xf32>,
          %parallel_loop3A_1106 = vector.shape_cast %parallel_loop3A_1105 : vector<1x16xf32> to vector<1x16xf32>
          %parallel_loop3A_1107 = vector.shape_cast %parallel_loop3A_1098 : vector<1x16xf32> to vector<1x16xf32>
          tpu.vector_store %parallel_loop3A_1102[%parallel_loop3A_1103, %parallel_loop3A_1104], %parallel_loop3A_1107 {strides = array<i32>} : memref<16x768xf32, #tpu.memory_space<vmem>>, vector<1x16xf32>,
          %parallel_loop3A_1108 = arith.constant 0 : i32
          %parallel_loop3A_1109 = arith.constant 0 : i32
          %parallel_loop3A_1110 = tpu.memref_slice %run_scoped3A_8[%rem3A_582, %parallel_loop3A_1108, %parallel_loop3A_1109] : memref<2x16x768xf32, #tpu.memory_space<vmem>> -> memref<1x16x768xf32, #tpu.memory_space<vmem>>
          %parallel_loop3A_1111 = tpu.memref_squeeze %parallel_loop3A_1110 : memref<1x16x768xf32, #tpu.memory_space<vmem>> -> memref<16x768xf32, #tpu.memory_space<vmem>>
          %parallel_loop3A_1112 = arith.constant 4 : index
          %parallel_loop3A_1113 = arith.index_cast %parallel_loop3A_905 : i32 to index
          %parallel_loop3A_1114 = tpu.vector_load %parallel_loop3A_1111[%parallel_loop3A_1112, %parallel_loop3A_1113] {strides = array<i32>} : memref<16x768xf32, #tpu.memory_space<vmem>>, vector<1x16xf32>,
          %parallel_loop3A_1115 = vector.shape_cast %parallel_loop3A_1114 : vector<1x16xf32> to vector<1x16xf32>
          %parallel_loop3A_1116 = arith.addf %parallel_loop3A_1115, %parallel_loop3A_1089 : vector<1x16xf32>
          %parallel_loop3A_1117 = arith.constant 0 : i32
          %parallel_loop3A_1118 = arith.constant 0 : i32
          %parallel_loop3A_1119 = tpu.memref_slice %run_scoped3A_14[%rem3A_588, %parallel_loop3A_1117, %parallel_loop3A_1118] : memref<2x16x768xf32, #tpu.memory_space<vmem>> -> memref<1x16x768xf32, #tpu.memory_space<vmem>>
          %parallel_loop3A_1120 = tpu.memref_squeeze %parallel_loop3A_1119 : memref<1x16x768xf32, #tpu.memory_space<vmem>> -> memref<16x768xf32, #tpu.memory_space<vmem>>
          %parallel_loop3A_1121 = arith.constant 4 : index
          %parallel_loop3A_1122 = arith.index_cast %parallel_loop3A_905 : i32 to index
          %parallel_loop3A_1123 = tpu.vector_load %parallel_loop3A_1120[%parallel_loop3A_1121, %parallel_loop3A_1122] {strides = array<i32>} : memref<16x768xf32, #tpu.memory_space<vmem>>, vector<1x16xf32>,
          %parallel_loop3A_1124 = vector.shape_cast %parallel_loop3A_1123 : vector<1x16xf32> to vector<1x16xf32>
          %parallel_loop3A_1125 = vector.shape_cast %parallel_loop3A_1116 : vector<1x16xf32> to vector<1x16xf32>
          tpu.vector_store %parallel_loop3A_1120[%parallel_loop3A_1121, %parallel_loop3A_1122], %parallel_loop3A_1125 {strides = array<i32>} : memref<16x768xf32, #tpu.memory_space<vmem>>, vector<1x16xf32>,
          %parallel_loop3A_1126 = arith.constant 0 : i32
          %parallel_loop3A_1127 = arith.constant 0 : i32
          %parallel_loop3A_1128 = tpu.memref_slice %run_scoped3A_10[%rem3A_584, %parallel_loop3A_1126, %parallel_loop3A_1127] : memref<2x16x768xf32, #tpu.memory_space<vmem>> -> memref<1x16x768xf32, #tpu.memory_space<vmem>>
          %parallel_loop3A_1129 = tpu.memref_squeeze %parallel_loop3A_1128 : memref<1x16x768xf32, #tpu.memory_space<vmem>> -> memref<16x768xf32, #tpu.memory_space<vmem>>
          %parallel_loop3A_1130 = arith.constant 5 : index
          %parallel_loop3A_1131 = arith.index_cast %parallel_loop3A_905 : i32 to index
          %parallel_loop3A_1132 = tpu.vector_load %parallel_loop3A_1129[%parallel_loop3A_1130, %parallel_loop3A_1131] {strides = array<i32>} : memref<16x768xf32, #tpu.memory_space<vmem>>, vector<1x16xf32>,
          %parallel_loop3A_1133 = vector.shape_cast %parallel_loop3A_1132 : vector<1x16xf32> to vector<1x16xf32>
          %parallel_loop3A_1134 = arith.constant 0 : i32
          %parallel_loop3A_1135 = arith.constant 0 : i32
          %parallel_loop3A_1136 = tpu.memref_slice %run_scoped3A[%rem3A_580, %parallel_loop3A_1134, %parallel_loop3A_1135] : memref<2x16x768xf32, #tpu.memory_space<vmem>> -> memref<1x16x768xf32, #tpu.memory_space<vmem>>
          %parallel_loop3A_1137 = tpu.memref_squeeze %parallel_loop3A_1136 : memref<1x16x768xf32, #tpu.memory_space<vmem>> -> memref<16x768xf32, #tpu.memory_space<vmem>>
          %parallel_loop3A_1138 = arith.constant 5 : index
          %parallel_loop3A_1139 = arith.index_cast %parallel_loop3A_905 : i32 to index
          %parallel_loop3A_1140 = tpu.vector_load %parallel_loop3A_1137[%parallel_loop3A_1138, %parallel_loop3A_1139] {strides = array<i32>} : memref<16x768xf32, #tpu.memory_space<vmem>>, vector<1x16xf32>,
          %parallel_loop3A_1141 = vector.shape_cast %parallel_loop3A_1140 : vector<1x16xf32> to vector<1x16xf32>
          %parallel_loop3A_1142 = arith.addf %parallel_loop3A_1141, %parallel_loop3A_1133 : vector<1x16xf32>
          %parallel_loop3A_1143 = arith.constant 0 : i32
          %parallel_loop3A_1144 = arith.constant 0 : i32
          %parallel_loop3A_1145 = tpu.memref_slice %run_scoped3A_12[%rem3A_586, %parallel_loop3A_1143, %parallel_loop3A_1144] : memref<2x16x768xf32, #tpu.memory_space<vmem>> -> memref<1x16x768xf32, #tpu.memory_space<vmem>>
          %parallel_loop3A_1146 = tpu.memref_squeeze %parallel_loop3A_1145 : memref<1x16x768xf32, #tpu.memory_space<vmem>> -> memref<16x768xf32, #tpu.memory_space<vmem>>
          %parallel_loop3A_1147 = arith.constant 5 : index
          %parallel_loop3A_1148 = arith.index_cast %parallel_loop3A_905 : i32 to index
          %parallel_loop3A_1149 = tpu.vector_load %parallel_loop3A_1146[%parallel_loop3A_1147, %parallel_loop3A_1148] {strides = array<i32>} : memref<16x768xf32, #tpu.memory_space<vmem>>, vector<1x16xf32>,
          %parallel_loop3A_1150 = vector.shape_cast %parallel_loop3A_1149 : vector<1x16xf32> to vector<1x16xf32>
          %parallel_loop3A_1151 = vector.shape_cast %parallel_loop3A_1142 : vector<1x16xf32> to vector<1x16xf32>
          tpu.vector_store %parallel_loop3A_1146[%parallel_loop3A_1147, %parallel_loop3A_1148], %parallel_loop3A_1151 {strides = array<i32>} : memref<16x768xf32, #tpu.memory_space<vmem>>, vector<1x16xf32>,
          %parallel_loop3A_1152 = arith.constant 0 : i32
          %parallel_loop3A_1153 = arith.constant 0 : i32
          %parallel_loop3A_1154 = tpu.memref_slice %run_scoped3A_8[%rem3A_582, %parallel_loop3A_1152, %parallel_loop3A_1153] : memref<2x16x768xf32, #tpu.memory_space<vmem>> -> memref<1x16x768xf32, #tpu.memory_space<vmem>>
          %parallel_loop3A_1155 = tpu.memref_squeeze %parallel_loop3A_1154 : memref<1x16x768xf32, #tpu.memory_space<vmem>> -> memref<16x768xf32, #tpu.memory_space<vmem>>
          %parallel_loop3A_1156 = arith.constant 5 : index
          %parallel_loop3A_1157 = arith.index_cast %parallel_loop3A_905 : i32 to index
          %parallel_loop3A_1158 = tpu.vector_load %parallel_loop3A_1155[%parallel_loop3A_1156, %parallel_loop3A_1157] {strides = array<i32>} : memref<16x768xf32, #tpu.memory_space<vmem>>, vector<1x16xf32>,
          %parallel_loop3A_1159 = vector.shape_cast %parallel_loop3A_1158 : vector<1x16xf32> to vector<1x16xf32>
          %parallel_loop3A_1160 = arith.addf %parallel_loop3A_1159, %parallel_loop3A_1133 : vector<1x16xf32>
          %parallel_loop3A_1161 = arith.constant 0 : i32
          %parallel_loop3A_1162 = arith.constant 0 : i32
          %parallel_loop3A_1163 = tpu.memref_slice %run_scoped3A_14[%rem3A_588, %parallel_loop3A_1161, %parallel_loop3A_1162] : memref<2x16x768xf32, #tpu.memory_space<vmem>> -> memref<1x16x768xf32, #tpu.memory_space<vmem>>
          %parallel_loop3A_1164 = tpu.memref_squeeze %parallel_loop3A_1163 : memref<1x16x768xf32, #tpu.memory_space<vmem>> -> memref<16x768xf32, #tpu.memory_space<vmem>>
          %parallel_loop3A_1165 = arith.constant 5 : index
          %parallel_loop3A_1166 = arith.index_cast %parallel_loop3A_905 : i32 to index
          %parallel_loop3A_1167 = tpu.vector_load %parallel_loop3A_1164[%parallel_loop3A_1165, %parallel_loop3A_1166] {strides = array<i32>} : memref<16x768xf32, #tpu.memory_space<vmem>>, vector<1x16xf32>,
          %parallel_loop3A_1168 = vector.shape_cast %parallel_loop3A_1167 : vector<1x16xf32> to vector<1x16xf32>
          %parallel_loop3A_1169 = vector.shape_cast %parallel_loop3A_1160 : vector<1x16xf32> to vector<1x16xf32>
          tpu.vector_store %parallel_loop3A_1164[%parallel_loop3A_1165, %parallel_loop3A_1166], %parallel_loop3A_1169 {strides = array<i32>} : memref<16x768xf32, #tpu.memory_space<vmem>>, vector<1x16xf32>,
          %parallel_loop3A_1170 = arith.constant 0 : i32
          %parallel_loop3A_1171 = arith.constant 0 : i32
          %parallel_loop3A_1172 = tpu.memref_slice %run_scoped3A_10[%rem3A_584, %parallel_loop3A_1170, %parallel_loop3A_1171] : memref<2x16x768xf32, #tpu.memory_space<vmem>> -> memref<1x16x768xf32, #tpu.memory_space<vmem>>
          %parallel_loop3A_1173 = tpu.memref_squeeze %parallel_loop3A_1172 : memref<1x16x768xf32, #tpu.memory_space<vmem>> -> memref<16x768xf32, #tpu.memory_space<vmem>>
          %parallel_loop3A_1174 = arith.constant 6 : index
          %parallel_loop3A_1175 = arith.index_cast %parallel_loop3A_905 : i32 to index
          %parallel_loop3A_1176 = tpu.vector_load %parallel_loop3A_1173[%parallel_loop3A_1174, %parallel_loop3A_1175] {strides = array<i32>} : memref<16x768xf32, #tpu.memory_space<vmem>>, vector<1x16xf32>,
          %parallel_loop3A_1177 = vector.shape_cast %parallel_loop3A_1176 : vector<1x16xf32> to vector<1x16xf32>
          %parallel_loop3A_1178 = arith.constant 0 : i32
          %parallel_loop3A_1179 = arith.constant 0 : i32
          %parallel_loop3A_1180 = tpu.memref_slice %run_scoped3A[%rem3A_580, %parallel_loop3A_1178, %parallel_loop3A_1179] : memref<2x16x768xf32, #tpu.memory_space<vmem>> -> memref<1x16x768xf32, #tpu.memory_space<vmem>>
          %parallel_loop3A_1181 = tpu.memref_squeeze %parallel_loop3A_1180 : memref<1x16x768xf32, #tpu.memory_space<vmem>> -> memref<16x768xf32, #tpu.memory_space<vmem>>
          %parallel_loop3A_1182 = arith.constant 6 : index
          %parallel_loop3A_1183 = arith.index_cast %parallel_loop3A_905 : i32 to index
          %parallel_loop3A_1184 = tpu.vector_load %parallel_loop3A_1181[%parallel_loop3A_1182, %parallel_loop3A_1183] {strides = array<i32>} : memref<16x768xf32, #tpu.memory_space<vmem>>, vector<1x16xf32>,
          %parallel_loop3A_1185 = vector.shape_cast %parallel_loop3A_1184 : vector<1x16xf32> to vector<1x16xf32>
          %parallel_loop3A_1186 = arith.addf %parallel_loop3A_1185, %parallel_loop3A_1177 : vector<1x16xf32>
          %parallel_loop3A_1187 = arith.constant 0 : i32
          %parallel_loop3A_1188 = arith.constant 0 : i32
          %parallel_loop3A_1189 = tpu.memref_slice %run_scoped3A_12[%rem3A_586, %parallel_loop3A_1187, %parallel_loop3A_1188] : memref<2x16x768xf32, #tpu.memory_space<vmem>> -> memref<1x16x768xf32, #tpu.memory_space<vmem>>
          %parallel_loop3A_1190 = tpu.memref_squeeze %parallel_loop3A_1189 : memref<1x16x768xf32, #tpu.memory_space<vmem>> -> memref<16x768xf32, #tpu.memory_space<vmem>>
          %parallel_loop3A_1191 = arith.constant 6 : index
          %parallel_loop3A_1192 = arith.index_cast %parallel_loop3A_905 : i32 to index
          %parallel_loop3A_1193 = tpu.vector_load %parallel_loop3A_1190[%parallel_loop3A_1191, %parallel_loop3A_1192] {strides = array<i32>} : memref<16x768xf32, #tpu.memory_space<vmem>>, vector<1x16xf32>,
          %parallel_loop3A_1194 = vector.shape_cast %parallel_loop3A_1193 : vector<1x16xf32> to vector<1x16xf32>
          %parallel_loop3A_1195 = vector.shape_cast %parallel_loop3A_1186 : vector<1x16xf32> to vector<1x16xf32>
          tpu.vector_store %parallel_loop3A_1190[%parallel_loop3A_1191, %parallel_loop3A_1192], %parallel_loop3A_1195 {strides = array<i32>} : memref<16x768xf32, #tpu.memory_space<vmem>>, vector<1x16xf32>,
          %parallel_loop3A_1196 = arith.constant 0 : i32
          %parallel_loop3A_1197 = arith.constant 0 : i32
          %parallel_loop3A_1198 = tpu.memref_slice %run_scoped3A_8[%rem3A_582, %parallel_loop3A_1196, %parallel_loop3A_1197] : memref<2x16x768xf32, #tpu.memory_space<vmem>> -> memref<1x16x768xf32, #tpu.memory_space<vmem>>
          %parallel_loop3A_1199 = tpu.memref_squeeze %parallel_loop3A_1198 : memref<1x16x768xf32, #tpu.memory_space<vmem>> -> memref<16x768xf32, #tpu.memory_space<vmem>>
          %parallel_loop3A_1200 = arith.constant 6 : index
          %parallel_loop3A_1201 = arith.index_cast %parallel_loop3A_905 : i32 to index
          %parallel_loop3A_1202 = tpu.vector_load %parallel_loop3A_1199[%parallel_loop3A_1200, %parallel_loop3A_1201] {strides = array<i32>} : memref<16x768xf32, #tpu.memory_space<vmem>>, vector<1x16xf32>,
          %parallel_loop3A_1203 = vector.shape_cast %parallel_loop3A_1202 : vector<1x16xf32> to vector<1x16xf32>
          %parallel_loop3A_1204 = arith.addf %parallel_loop3A_1203, %parallel_loop3A_1177 : vector<1x16xf32>
          %parallel_loop3A_1205 = arith.constant 0 : i32
          %parallel_loop3A_1206 = arith.constant 0 : i32
          %parallel_loop3A_1207 = tpu.memref_slice %run_scoped3A_14[%rem3A_588, %parallel_loop3A_1205, %parallel_loop3A_1206] : memref<2x16x768xf32, #tpu.memory_space<vmem>> -> memref<1x16x768xf32, #tpu.memory_space<vmem>>
          %parallel_loop3A_1208 = tpu.memref_squeeze %parallel_loop3A_1207 : memref<1x16x768xf32, #tpu.memory_space<vmem>> -> memref<16x768xf32, #tpu.memory_space<vmem>>
          %parallel_loop3A_1209 = arith.constant 6 : index
          %parallel_loop3A_1210 = arith.index_cast %parallel_loop3A_905 : i32 to index
          %parallel_loop3A_1211 = tpu.vector_load %parallel_loop3A_1208[%parallel_loop3A_1209, %parallel_loop3A_1210] {strides = array<i32>} : memref<16x768xf32, #tpu.memory_space<vmem>>, vector<1x16xf32>,
          %parallel_loop3A_1212 = vector.shape_cast %parallel_loop3A_1211 : vector<1x16xf32> to vector<1x16xf32>
          %parallel_loop3A_1213 = vector.shape_cast %parallel_loop3A_1204 : vector<1x16xf32> to vector<1x16xf32>
          tpu.vector_store %parallel_loop3A_1208[%parallel_loop3A_1209, %parallel_loop3A_1210], %parallel_loop3A_1213 {strides = array<i32>} : memref<16x768xf32, #tpu.memory_space<vmem>>, vector<1x16xf32>,
          %parallel_loop3A_1214 = arith.constant 0 : i32
          %parallel_loop3A_1215 = arith.constant 0 : i32
          %parallel_loop3A_1216 = tpu.memref_slice %run_scoped3A_10[%rem3A_584, %parallel_loop3A_1214, %parallel_loop3A_1215] : memref<2x16x768xf32, #tpu.memory_space<vmem>> -> memref<1x16x768xf32, #tpu.memory_space<vmem>>
          %parallel_loop3A_1217 = tpu.memref_squeeze %parallel_loop3A_1216 : memref<1x16x768xf32, #tpu.memory_space<vmem>> -> memref<16x768xf32, #tpu.memory_space<vmem>>
          %parallel_loop3A_1218 = arith.constant 7 : index
          %parallel_loop3A_1219 = arith.index_cast %parallel_loop3A_905 : i32 to index
          %parallel_loop3A_1220 = tpu.vector_load %parallel_loop3A_1217[%parallel_loop3A_1218, %parallel_loop3A_1219] {strides = array<i32>} : memref<16x768xf32, #tpu.memory_space<vmem>>, vector<1x16xf32>,
          %parallel_loop3A_1221 = vector.shape_cast %parallel_loop3A_1220 : vector<1x16xf32> to vector<1x16xf32>
          %parallel_loop3A_1222 = arith.constant 0 : i32
          %parallel_loop3A_1223 = arith.constant 0 : i32
          %parallel_loop3A_1224 = tpu.memref_slice %run_scoped3A[%rem3A_580, %parallel_loop3A_1222, %parallel_loop3A_1223] : memref<2x16x768xf32, #tpu.memory_space<vmem>> -> memref<1x16x768xf32, #tpu.memory_space<vmem>>
          %parallel_loop3A_1225 = tpu.memref_squeeze %parallel_loop3A_1224 : memref<1x16x768xf32, #tpu.memory_space<vmem>> -> memref<16x768xf32, #tpu.memory_space<vmem>>
          %parallel_loop3A_1226 = arith.constant 7 : index
          %parallel_loop3A_1227 = arith.index_cast %parallel_loop3A_905 : i32 to index
          %parallel_loop3A_1228 = tpu.vector_load %parallel_loop3A_1225[%parallel_loop3A_1226, %parallel_loop3A_1227] {strides = array<i32>} : memref<16x768xf32, #tpu.memory_space<vmem>>, vector<1x16xf32>,
          %parallel_loop3A_1229 = vector.shape_cast %parallel_loop3A_1228 : vector<1x16xf32> to vector<1x16xf32>
          %parallel_loop3A_1230 = arith.addf %parallel_loop3A_1229, %parallel_loop3A_1221 : vector<1x16xf32>
          %parallel_loop3A_1231 = arith.constant 0 : i32
          %parallel_loop3A_1232 = arith.constant 0 : i32
          %parallel_loop3A_1233 = tpu.memref_slice %run_scoped3A_12[%rem3A_586, %parallel_loop3A_1231, %parallel_loop3A_1232] : memref<2x16x768xf32, #tpu.memory_space<vmem>> -> memref<1x16x768xf32, #tpu.memory_space<vmem>>
          %parallel_loop3A_1234 = tpu.memref_squeeze %parallel_loop3A_1233 : memref<1x16x768xf32, #tpu.memory_space<vmem>> -> memref<16x768xf32, #tpu.memory_space<vmem>>
          %parallel_loop3A_1235 = arith.constant 7 : index
          %parallel_loop3A_1236 = arith.index_cast %parallel_loop3A_905 : i32 to index
          %parallel_loop3A_1237 = tpu.vector_load %parallel_loop3A_1234[%parallel_loop3A_1235, %parallel_loop3A_1236] {strides = array<i32>} : memref<16x768xf32, #tpu.memory_space<vmem>>, vector<1x16xf32>,
          %parallel_loop3A_1238 = vector.shape_cast %parallel_loop3A_1237 : vector<1x16xf32> to vector<1x16xf32>
          %parallel_loop3A_1239 = vector.shape_cast %parallel_loop3A_1230 : vector<1x16xf32> to vector<1x16xf32>
          tpu.vector_store %parallel_loop3A_1234[%parallel_loop3A_1235, %parallel_loop3A_1236], %parallel_loop3A_1239 {strides = array<i32>} : memref<16x768xf32, #tpu.memory_space<vmem>>, vector<1x16xf32>,
          %parallel_loop3A_1240 = arith.constant 0 : i32
          %parallel_loop3A_1241 = arith.constant 0 : i32
          %parallel_loop3A_1242 = tpu.memref_slice %run_scoped3A_8[%rem3A_582, %parallel_loop3A_1240, %parallel_loop3A_1241] : memref<2x16x768xf32, #tpu.memory_space<vmem>> -> memref<1x16x768xf32, #tpu.memory_space<vmem>>
          %parallel_loop3A_1243 = tpu.memref_squeeze %parallel_loop3A_1242 : memref<1x16x768xf32, #tpu.memory_space<vmem>> -> memref<16x768xf32, #tpu.memory_space<vmem>>
          %parallel_loop3A_1244 = arith.constant 7 : index
          %parallel_loop3A_1245 = arith.index_cast %parallel_loop3A_905 : i32 to index
          %parallel_loop3A_1246 = tpu.vector_load %parallel_loop3A_1243[%parallel_loop3A_1244, %parallel_loop3A_1245] {strides = array<i32>} : memref<16x768xf32, #tpu.memory_space<vmem>>, vector<1x16xf32>,
          %parallel_loop3A_1247 = vector.shape_cast %parallel_loop3A_1246 : vector<1x16xf32> to vector<1x16xf32>
          %parallel_loop3A_1248 = arith.addf %parallel_loop3A_1247, %parallel_loop3A_1221 : vector<1x16xf32>
          %parallel_loop3A_1249 = arith.constant 0 : i32
          %parallel_loop3A_1250 = arith.constant 0 : i32
          %parallel_loop3A_1251 = tpu.memref_slice %run_scoped3A_14[%rem3A_588, %parallel_loop3A_1249, %parallel_loop3A_1250] : memref<2x16x768xf32, #tpu.memory_space<vmem>> -> memref<1x16x768xf32, #tpu.memory_space<vmem>>
          %parallel_loop3A_1252 = tpu.memref_squeeze %parallel_loop3A_1251 : memref<1x16x768xf32, #tpu.memory_space<vmem>> -> memref<16x768xf32, #tpu.memory_space<vmem>>
          %parallel_loop3A_1253 = arith.constant 7 : index
          %parallel_loop3A_1254 = arith.index_cast %parallel_loop3A_905 : i32 to index
          %parallel_loop3A_1255 = tpu.vector_load %parallel_loop3A_1252[%parallel_loop3A_1253, %parallel_loop3A_1254] {strides = array<i32>} : memref<16x768xf32, #tpu.memory_space<vmem>>, vector<1x16xf32>,
          %parallel_loop3A_1256 = vector.shape_cast %parallel_loop3A_1255 : vector<1x16xf32> to vector<1x16xf32>
          %parallel_loop3A_1257 = vector.shape_cast %parallel_loop3A_1248 : vector<1x16xf32> to vector<1x16xf32>
          tpu.vector_store %parallel_loop3A_1252[%parallel_loop3A_1253, %parallel_loop3A_1254], %parallel_loop3A_1257 {strides = array<i32>} : memref<16x768xf32, #tpu.memory_space<vmem>>, vector<1x16xf32>,
          %parallel_loop3A_1258 = arith.constant 0 : i32
          %parallel_loop3A_1259 = arith.constant 0 : i32
          %parallel_loop3A_1260 = tpu.memref_slice %run_scoped3A_10[%rem3A_584, %parallel_loop3A_1258, %parallel_loop3A_1259] : memref<2x16x768xf32, #tpu.memory_space<vmem>> -> memref<1x16x768xf32, #tpu.memory_space<vmem>>
          %parallel_loop3A_1261 = tpu.memref_squeeze %parallel_loop3A_1260 : memref<1x16x768xf32, #tpu.memory_space<vmem>> -> memref<16x768xf32, #tpu.memory_space<vmem>>
          %parallel_loop3A_1262 = arith.constant 8 : index
          %parallel_loop3A_1263 = arith.index_cast %parallel_loop3A_905 : i32 to index
          %parallel_loop3A_1264 = tpu.vector_load %parallel_loop3A_1261[%parallel_loop3A_1262, %parallel_loop3A_1263] {strides = array<i32>} : memref<16x768xf32, #tpu.memory_space<vmem>>, vector<1x16xf32>,
          %parallel_loop3A_1265 = vector.shape_cast %parallel_loop3A_1264 : vector<1x16xf32> to vector<1x16xf32>
          %parallel_loop3A_1266 = arith.constant 0 : i32
          %parallel_loop3A_1267 = arith.constant 0 : i32
          %parallel_loop3A_1268 = tpu.memref_slice %run_scoped3A[%rem3A_580, %parallel_loop3A_1266, %parallel_loop3A_1267] : memref<2x16x768xf32, #tpu.memory_space<vmem>> -> memref<1x16x768xf32, #tpu.memory_space<vmem>>
          %parallel_loop3A_1269 = tpu.memref_squeeze %parallel_loop3A_1268 : memref<1x16x768xf32, #tpu.memory_space<vmem>> -> memref<16x768xf32, #tpu.memory_space<vmem>>
          %parallel_loop3A_1270 = arith.constant 8 : index
          %parallel_loop3A_1271 = arith.index_cast %parallel_loop3A_905 : i32 to index
          %parallel_loop3A_1272 = tpu.vector_load %parallel_loop3A_1269[%parallel_loop3A_1270, %parallel_loop3A_1271] {strides = array<i32>} : memref<16x768xf32, #tpu.memory_space<vmem>>, vector<1x16xf32>,
          %parallel_loop3A_1273 = vector.shape_cast %parallel_loop3A_1272 : vector<1x16xf32> to vector<1x16xf32>
          %parallel_loop3A_1274 = arith.addf %parallel_loop3A_1273, %parallel_loop3A_1265 : vector<1x16xf32>
          %parallel_loop3A_1275 = arith.constant 0 : i32
          %parallel_loop3A_1276 = arith.constant 0 : i32
          %parallel_loop3A_1277 = tpu.memref_slice %run_scoped3A_12[%rem3A_586, %parallel_loop3A_1275, %parallel_loop3A_1276] : memref<2x16x768xf32, #tpu.memory_space<vmem>> -> memref<1x16x768xf32, #tpu.memory_space<vmem>>
          %parallel_loop3A_1278 = tpu.memref_squeeze %parallel_loop3A_1277 : memref<1x16x768xf32, #tpu.memory_space<vmem>> -> memref<16x768xf32, #tpu.memory_space<vmem>>
          %parallel_loop3A_1279 = arith.constant 8 : index
          %parallel_loop3A_1280 = arith.index_cast %parallel_loop3A_905 : i32 to index
          %parallel_loop3A_1281 = tpu.vector_load %parallel_loop3A_1278[%parallel_loop3A_1279, %parallel_loop3A_1280] {strides = array<i32>} : memref<16x768xf32, #tpu.memory_space<vmem>>, vector<1x16xf32>,
          %parallel_loop3A_1282 = vector.shape_cast %parallel_loop3A_1281 : vector<1x16xf32> to vector<1x16xf32>
          %parallel_loop3A_1283 = vector.shape_cast %parallel_loop3A_1274 : vector<1x16xf32> to vector<1x16xf32>
          tpu.vector_store %parallel_loop3A_1278[%parallel_loop3A_1279, %parallel_loop3A_1280], %parallel_loop3A_1283 {strides = array<i32>} : memref<16x768xf32, #tpu.memory_space<vmem>>, vector<1x16xf32>,
          %parallel_loop3A_1284 = arith.constant 0 : i32
          %parallel_loop3A_1285 = arith.constant 0 : i32
          %parallel_loop3A_1286 = tpu.memref_slice %run_scoped3A_8[%rem3A_582, %parallel_loop3A_1284, %parallel_loop3A_1285] : memref<2x16x768xf32, #tpu.memory_space<vmem>> -> memref<1x16x768xf32, #tpu.memory_space<vmem>>
          %parallel_loop3A_1287 = tpu.memref_squeeze %parallel_loop3A_1286 : memref<1x16x768xf32, #tpu.memory_space<vmem>> -> memref<16x768xf32, #tpu.memory_space<vmem>>
          %parallel_loop3A_1288 = arith.constant 8 : index
          %parallel_loop3A_1289 = arith.index_cast %parallel_loop3A_905 : i32 to index
          %parallel_loop3A_1290 = tpu.vector_load %parallel_loop3A_1287[%parallel_loop3A_1288, %parallel_loop3A_1289] {strides = array<i32>} : memref<16x768xf32, #tpu.memory_space<vmem>>, vector<1x16xf32>,
          %parallel_loop3A_1291 = vector.shape_cast %parallel_loop3A_1290 : vector<1x16xf32> to vector<1x16xf32>
          %parallel_loop3A_1292 = arith.addf %parallel_loop3A_1291, %parallel_loop3A_1265 : vector<1x16xf32>
          %parallel_loop3A_1293 = arith.constant 0 : i32
          %parallel_loop3A_1294 = arith.constant 0 : i32
          %parallel_loop3A_1295 = tpu.memref_slice %run_scoped3A_14[%rem3A_588, %parallel_loop3A_1293, %parallel_loop3A_1294] : memref<2x16x768xf32, #tpu.memory_space<vmem>> -> memref<1x16x768xf32, #tpu.memory_space<vmem>>
          %parallel_loop3A_1296 = tpu.memref_squeeze %parallel_loop3A_1295 : memref<1x16x768xf32, #tpu.memory_space<vmem>> -> memref<16x768xf32, #tpu.memory_space<vmem>>
          %parallel_loop3A_1297 = arith.constant 8 : index
          %parallel_loop3A_1298 = arith.index_cast %parallel_loop3A_905 : i32 to index
          %parallel_loop3A_1299 = tpu.vector_load %parallel_loop3A_1296[%parallel_loop3A_1297, %parallel_loop3A_1298] {strides = array<i32>} : memref<16x768xf32, #tpu.memory_space<vmem>>, vector<1x16xf32>,
          %parallel_loop3A_1300 = vector.shape_cast %parallel_loop3A_1299 : vector<1x16xf32> to vector<1x16xf32>
          %parallel_loop3A_1301 = vector.shape_cast %parallel_loop3A_1292 : vector<1x16xf32> to vector<1x16xf32>
          tpu.vector_store %parallel_loop3A_1296[%parallel_loop3A_1297, %parallel_loop3A_1298], %parallel_loop3A_1301 {strides = array<i32>} : memref<16x768xf32, #tpu.memory_space<vmem>>, vector<1x16xf32>,
          %parallel_loop3A_1302 = arith.constant 0 : i32
          %parallel_loop3A_1303 = arith.constant 0 : i32
          %parallel_loop3A_1304 = tpu.memref_slice %run_scoped3A_10[%rem3A_584, %parallel_loop3A_1302, %parallel_loop3A_1303] : memref<2x16x768xf32, #tpu.memory_space<vmem>> -> memref<1x16x768xf32, #tpu.memory_space<vmem>>
          %parallel_loop3A_1305 = tpu.memref_squeeze %parallel_loop3A_1304 : memref<1x16x768xf32, #tpu.memory_space<vmem>> -> memref<16x768xf32, #tpu.memory_space<vmem>>
          %parallel_loop3A_1306 = arith.constant 9 : index
          %parallel_loop3A_1307 = arith.index_cast %parallel_loop3A_905 : i32 to index
          %parallel_loop3A_1308 = tpu.vector_load %parallel_loop3A_1305[%parallel_loop3A_1306, %parallel_loop3A_1307] {strides = array<i32>} : memref<16x768xf32, #tpu.memory_space<vmem>>, vector<1x16xf32>,
          %parallel_loop3A_1309 = vector.shape_cast %parallel_loop3A_1308 : vector<1x16xf32> to vector<1x16xf32>
          %parallel_loop3A_1310 = arith.constant 0 : i32
          %parallel_loop3A_1311 = arith.constant 0 : i32
          %parallel_loop3A_1312 = tpu.memref_slice %run_scoped3A[%rem3A_580, %parallel_loop3A_1310, %parallel_loop3A_1311] : memref<2x16x768xf32, #tpu.memory_space<vmem>> -> memref<1x16x768xf32, #tpu.memory_space<vmem>>
          %parallel_loop3A_1313 = tpu.memref_squeeze %parallel_loop3A_1312 : memref<1x16x768xf32, #tpu.memory_space<vmem>> -> memref<16x768xf32, #tpu.memory_space<vmem>>
          %parallel_loop3A_1314 = arith.constant 9 : index
          %parallel_loop3A_1315 = arith.index_cast %parallel_loop3A_905 : i32 to index
          %parallel_loop3A_1316 = tpu.vector_load %parallel_loop3A_1313[%parallel_loop3A_1314, %parallel_loop3A_1315] {strides = array<i32>} : memref<16x768xf32, #tpu.memory_space<vmem>>, vector<1x16xf32>,
          %parallel_loop3A_1317 = vector.shape_cast %parallel_loop3A_1316 : vector<1x16xf32> to vector<1x16xf32>
          %parallel_loop3A_1318 = arith.addf %parallel_loop3A_1317, %parallel_loop3A_1309 : vector<1x16xf32>
          %parallel_loop3A_1319 = arith.constant 0 : i32
          %parallel_loop3A_1320 = arith.constant 0 : i32
          %parallel_loop3A_1321 = tpu.memref_slice %run_scoped3A_12[%rem3A_586, %parallel_loop3A_1319, %parallel_loop3A_1320] : memref<2x16x768xf32, #tpu.memory_space<vmem>> -> memref<1x16x768xf32, #tpu.memory_space<vmem>>
          %parallel_loop3A_1322 = tpu.memref_squeeze %parallel_loop3A_1321 : memref<1x16x768xf32, #tpu.memory_space<vmem>> -> memref<16x768xf32, #tpu.memory_space<vmem>>
          %parallel_loop3A_1323 = arith.constant 9 : index
          %parallel_loop3A_1324 = arith.index_cast %parallel_loop3A_905 : i32 to index
          %parallel_loop3A_1325 = tpu.vector_load %parallel_loop3A_1322[%parallel_loop3A_1323, %parallel_loop3A_1324] {strides = array<i32>} : memref<16x768xf32, #tpu.memory_space<vmem>>, vector<1x16xf32>,
          %parallel_loop3A_1326 = vector.shape_cast %parallel_loop3A_1325 : vector<1x16xf32> to vector<1x16xf32>
          %parallel_loop3A_1327 = vector.shape_cast %parallel_loop3A_1318 : vector<1x16xf32> to vector<1x16xf32>
          tpu.vector_store %parallel_loop3A_1322[%parallel_loop3A_1323, %parallel_loop3A_1324], %parallel_loop3A_1327 {strides = array<i32>} : memref<16x768xf32, #tpu.memory_space<vmem>>, vector<1x16xf32>,
          %parallel_loop3A_1328 = arith.constant 0 : i32
          %parallel_loop3A_1329 = arith.constant 0 : i32
          %parallel_loop3A_1330 = tpu.memref_slice %run_scoped3A_8[%rem3A_582, %parallel_loop3A_1328, %parallel_loop3A_1329] : memref<2x16x768xf32, #tpu.memory_space<vmem>> -> memref<1x16x768xf32, #tpu.memory_space<vmem>>
          %parallel_loop3A_1331 = tpu.memref_squeeze %parallel_loop3A_1330 : memref<1x16x768xf32, #tpu.memory_space<vmem>> -> memref<16x768xf32, #tpu.memory_space<vmem>>
          %parallel_loop3A_1332 = arith.constant 9 : index
          %parallel_loop3A_1333 = arith.index_cast %parallel_loop3A_905 : i32 to index
          %parallel_loop3A_1334 = tpu.vector_load %parallel_loop3A_1331[%parallel_loop3A_1332, %parallel_loop3A_1333] {strides = array<i32>} : memref<16x768xf32, #tpu.memory_space<vmem>>, vector<1x16xf32>,
          %parallel_loop3A_1335 = vector.shape_cast %parallel_loop3A_1334 : vector<1x16xf32> to vector<1x16xf32>
          %parallel_loop3A_1336 = arith.addf %parallel_loop3A_1335, %parallel_loop3A_1309 : vector<1x16xf32>
          %parallel_loop3A_1337 = arith.constant 0 : i32
          %parallel_loop3A_1338 = arith.constant 0 : i32
          %parallel_loop3A_1339 = tpu.memref_slice %run_scoped3A_14[%rem3A_588, %parallel_loop3A_1337, %parallel_loop3A_1338] : memref<2x16x768xf32, #tpu.memory_space<vmem>> -> memref<1x16x768xf32, #tpu.memory_space<vmem>>
          %parallel_loop3A_1340 = tpu.memref_squeeze %parallel_loop3A_1339 : memref<1x16x768xf32, #tpu.memory_space<vmem>> -> memref<16x768xf32, #tpu.memory_space<vmem>>
          %parallel_loop3A_1341 = arith.constant 9 : index
          %parallel_loop3A_1342 = arith.index_cast %parallel_loop3A_905 : i32 to index
          %parallel_loop3A_1343 = tpu.vector_load %parallel_loop3A_1340[%parallel_loop3A_1341, %parallel_loop3A_1342] {strides = array<i32>} : memref<16x768xf32, #tpu.memory_space<vmem>>, vector<1x16xf32>,
          %parallel_loop3A_1344 = vector.shape_cast %parallel_loop3A_1343 : vector<1x16xf32> to vector<1x16xf32>
          %parallel_loop3A_1345 = vector.shape_cast %parallel_loop3A_1336 : vector<1x16xf32> to vector<1x16xf32>
          tpu.vector_store %parallel_loop3A_1340[%parallel_loop3A_1341, %parallel_loop3A_1342], %parallel_loop3A_1345 {strides = array<i32>} : memref<16x768xf32, #tpu.memory_space<vmem>>, vector<1x16xf32>,
          %parallel_loop3A_1346 = arith.constant 0 : i32
          %parallel_loop3A_1347 = arith.constant 0 : i32
          %parallel_loop3A_1348 = tpu.memref_slice %run_scoped3A_10[%rem3A_584, %parallel_loop3A_1346, %parallel_loop3A_1347] : memref<2x16x768xf32, #tpu.memory_space<vmem>> -> memref<1x16x768xf32, #tpu.memory_space<vmem>>
          %parallel_loop3A_1349 = tpu.memref_squeeze %parallel_loop3A_1348 : memref<1x16x768xf32, #tpu.memory_space<vmem>> -> memref<16x768xf32, #tpu.memory_space<vmem>>
          %parallel_loop3A_1350 = arith.constant 10 : index
          %parallel_loop3A_1351 = arith.index_cast %parallel_loop3A_905 : i32 to index
          %parallel_loop3A_1352 = tpu.vector_load %parallel_loop3A_1349[%parallel_loop3A_1350, %parallel_loop3A_1351] {strides = array<i32>} : memref<16x768xf32, #tpu.memory_space<vmem>>, vector<1x16xf32>,
          %parallel_loop3A_1353 = vector.shape_cast %parallel_loop3A_1352 : vector<1x16xf32> to vector<1x16xf32>
          %parallel_loop3A_1354 = arith.constant 0 : i32
          %parallel_loop3A_1355 = arith.constant 0 : i32
          %parallel_loop3A_1356 = tpu.memref_slice %run_scoped3A[%rem3A_580, %parallel_loop3A_1354, %parallel_loop3A_1355] : memref<2x16x768xf32, #tpu.memory_space<vmem>> -> memref<1x16x768xf32, #tpu.memory_space<vmem>>
          %parallel_loop3A_1357 = tpu.memref_squeeze %parallel_loop3A_1356 : memref<1x16x768xf32, #tpu.memory_space<vmem>> -> memref<16x768xf32, #tpu.memory_space<vmem>>
          %parallel_loop3A_1358 = arith.constant 10 : index
          %parallel_loop3A_1359 = arith.index_cast %parallel_loop3A_905 : i32 to index
          %parallel_loop3A_1360 = tpu.vector_load %parallel_loop3A_1357[%parallel_loop3A_1358, %parallel_loop3A_1359] {strides = array<i32>} : memref<16x768xf32, #tpu.memory_space<vmem>>, vector<1x16xf32>,
          %parallel_loop3A_1361 = vector.shape_cast %parallel_loop3A_1360 : vector<1x16xf32> to vector<1x16xf32>
          %parallel_loop3A_1362 = arith.addf %parallel_loop3A_1361, %parallel_loop3A_1353 : vector<1x16xf32>
          %parallel_loop3A_1363 = arith.constant 0 : i32
          %parallel_loop3A_1364 = arith.constant 0 : i32
          %parallel_loop3A_1365 = tpu.memref_slice %run_scoped3A_12[%rem3A_586, %parallel_loop3A_1363, %parallel_loop3A_1364] : memref<2x16x768xf32, #tpu.memory_space<vmem>> -> memref<1x16x768xf32, #tpu.memory_space<vmem>>
          %parallel_loop3A_1366 = tpu.memref_squeeze %parallel_loop3A_1365 : memref<1x16x768xf32, #tpu.memory_space<vmem>> -> memref<16x768xf32, #tpu.memory_space<vmem>>
          %parallel_loop3A_1367 = arith.constant 10 : index
          %parallel_loop3A_1368 = arith.index_cast %parallel_loop3A_905 : i32 to index
          %parallel_loop3A_1369 = tpu.vector_load %parallel_loop3A_1366[%parallel_loop3A_1367, %parallel_loop3A_1368] {strides = array<i32>} : memref<16x768xf32, #tpu.memory_space<vmem>>, vector<1x16xf32>,
          %parallel_loop3A_1370 = vector.shape_cast %parallel_loop3A_1369 : vector<1x16xf32> to vector<1x16xf32>
          %parallel_loop3A_1371 = vector.shape_cast %parallel_loop3A_1362 : vector<1x16xf32> to vector<1x16xf32>
          tpu.vector_store %parallel_loop3A_1366[%parallel_loop3A_1367, %parallel_loop3A_1368], %parallel_loop3A_1371 {strides = array<i32>} : memref<16x768xf32, #tpu.memory_space<vmem>>, vector<1x16xf32>,
          %parallel_loop3A_1372 = arith.constant 0 : i32
          %parallel_loop3A_1373 = arith.constant 0 : i32
          %parallel_loop3A_1374 = tpu.memref_slice %run_scoped3A_8[%rem3A_582, %parallel_loop3A_1372, %parallel_loop3A_1373] : memref<2x16x768xf32, #tpu.memory_space<vmem>> -> memref<1x16x768xf32, #tpu.memory_space<vmem>>
          %parallel_loop3A_1375 = tpu.memref_squeeze %parallel_loop3A_1374 : memref<1x16x768xf32, #tpu.memory_space<vmem>> -> memref<16x768xf32, #tpu.memory_space<vmem>>
          %parallel_loop3A_1376 = arith.constant 10 : index
          %parallel_loop3A_1377 = arith.index_cast %parallel_loop3A_905 : i32 to index
          %parallel_loop3A_1378 = tpu.vector_load %parallel_loop3A_1375[%parallel_loop3A_1376, %parallel_loop3A_1377] {strides = array<i32>} : memref<16x768xf32, #tpu.memory_space<vmem>>, vector<1x16xf32>,
          %parallel_loop3A_1379 = vector.shape_cast %parallel_loop3A_1378 : vector<1x16xf32> to vector<1x16xf32>
          %parallel_loop3A_1380 = arith.addf %parallel_loop3A_1379, %parallel_loop3A_1353 : vector<1x16xf32>
          %parallel_loop3A_1381 = arith.constant 0 : i32
          %parallel_loop3A_1382 = arith.constant 0 : i32
          %parallel_loop3A_1383 = tpu.memref_slice %run_scoped3A_14[%rem3A_588, %parallel_loop3A_1381, %parallel_loop3A_1382] : memref<2x16x768xf32, #tpu.memory_space<vmem>> -> memref<1x16x768xf32, #tpu.memory_space<vmem>>
          %parallel_loop3A_1384 = tpu.memref_squeeze %parallel_loop3A_1383 : memref<1x16x768xf32, #tpu.memory_space<vmem>> -> memref<16x768xf32, #tpu.memory_space<vmem>>
          %parallel_loop3A_1385 = arith.constant 10 : index
          %parallel_loop3A_1386 = arith.index_cast %parallel_loop3A_905 : i32 to index
          %parallel_loop3A_1387 = tpu.vector_load %parallel_loop3A_1384[%parallel_loop3A_1385, %parallel_loop3A_1386] {strides = array<i32>} : memref<16x768xf32, #tpu.memory_space<vmem>>, vector<1x16xf32>,
          %parallel_loop3A_1388 = vector.shape_cast %parallel_loop3A_1387 : vector<1x16xf32> to vector<1x16xf32>
          %parallel_loop3A_1389 = vector.shape_cast %parallel_loop3A_1380 : vector<1x16xf32> to vector<1x16xf32>
          tpu.vector_store %parallel_loop3A_1384[%parallel_loop3A_1385, %parallel_loop3A_1386], %parallel_loop3A_1389 {strides = array<i32>} : memref<16x768xf32, #tpu.memory_space<vmem>>, vector<1x16xf32>,
          %parallel_loop3A_1390 = arith.constant 0 : i32
          %parallel_loop3A_1391 = arith.constant 0 : i32
          %parallel_loop3A_1392 = tpu.memref_slice %run_scoped3A_10[%rem3A_584, %parallel_loop3A_1390, %parallel_loop3A_1391] : memref<2x16x768xf32, #tpu.memory_space<vmem>> -> memref<1x16x768xf32, #tpu.memory_space<vmem>>
          %parallel_loop3A_1393 = tpu.memref_squeeze %parallel_loop3A_1392 : memref<1x16x768xf32, #tpu.memory_space<vmem>> -> memref<16x768xf32, #tpu.memory_space<vmem>>
          %parallel_loop3A_1394 = arith.constant 11 : index
          %parallel_loop3A_1395 = arith.index_cast %parallel_loop3A_905 : i32 to index
          %parallel_loop3A_1396 = tpu.vector_load %parallel_loop3A_1393[%parallel_loop3A_1394, %parallel_loop3A_1395] {strides = array<i32>} : memref<16x768xf32, #tpu.memory_space<vmem>>, vector<1x16xf32>,
          %parallel_loop3A_1397 = vector.shape_cast %parallel_loop3A_1396 : vector<1x16xf32> to vector<1x16xf32>
          %parallel_loop3A_1398 = arith.constant 0 : i32
          %parallel_loop3A_1399 = arith.constant 0 : i32
          %parallel_loop3A_1400 = tpu.memref_slice %run_scoped3A[%rem3A_580, %parallel_loop3A_1398, %parallel_loop3A_1399] : memref<2x16x768xf32, #tpu.memory_space<vmem>> -> memref<1x16x768xf32, #tpu.memory_space<vmem>>
          %parallel_loop3A_1401 = tpu.memref_squeeze %parallel_loop3A_1400 : memref<1x16x768xf32, #tpu.memory_space<vmem>> -> memref<16x768xf32, #tpu.memory_space<vmem>>
          %parallel_loop3A_1402 = arith.constant 11 : index
          %parallel_loop3A_1403 = arith.index_cast %parallel_loop3A_905 : i32 to index
          %parallel_loop3A_1404 = tpu.vector_load %parallel_loop3A_1401[%parallel_loop3A_1402, %parallel_loop3A_1403] {strides = array<i32>} : memref<16x768xf32, #tpu.memory_space<vmem>>, vector<1x16xf32>,
          %parallel_loop3A_1405 = vector.shape_cast %parallel_loop3A_1404 : vector<1x16xf32> to vector<1x16xf32>
          %parallel_loop3A_1406 = arith.addf %parallel_loop3A_1405, %parallel_loop3A_1397 : vector<1x16xf32>
          %parallel_loop3A_1407 = arith.constant 0 : i32
          %parallel_loop3A_1408 = arith.constant 0 : i32
          %parallel_loop3A_1409 = tpu.memref_slice %run_scoped3A_12[%rem3A_586, %parallel_loop3A_1407, %parallel_loop3A_1408] : memref<2x16x768xf32, #tpu.memory_space<vmem>> -> memref<1x16x768xf32, #tpu.memory_space<vmem>>
          %parallel_loop3A_1410 = tpu.memref_squeeze %parallel_loop3A_1409 : memref<1x16x768xf32, #tpu.memory_space<vmem>> -> memref<16x768xf32, #tpu.memory_space<vmem>>
          %parallel_loop3A_1411 = arith.constant 11 : index
          %parallel_loop3A_1412 = arith.index_cast %parallel_loop3A_905 : i32 to index
          %parallel_loop3A_1413 = tpu.vector_load %parallel_loop3A_1410[%parallel_loop3A_1411, %parallel_loop3A_1412] {strides = array<i32>} : memref<16x768xf32, #tpu.memory_space<vmem>>, vector<1x16xf32>,
          %parallel_loop3A_1414 = vector.shape_cast %parallel_loop3A_1413 : vector<1x16xf32> to vector<1x16xf32>
          %parallel_loop3A_1415 = vector.shape_cast %parallel_loop3A_1406 : vector<1x16xf32> to vector<1x16xf32>
          tpu.vector_store %parallel_loop3A_1410[%parallel_loop3A_1411, %parallel_loop3A_1412], %parallel_loop3A_1415 {strides = array<i32>} : memref<16x768xf32, #tpu.memory_space<vmem>>, vector<1x16xf32>,
          %parallel_loop3A_1416 = arith.constant 0 : i32
          %parallel_loop3A_1417 = arith.constant 0 : i32
          %parallel_loop3A_1418 = tpu.memref_slice %run_scoped3A_8[%rem3A_582, %parallel_loop3A_1416, %parallel_loop3A_1417] : memref<2x16x768xf32, #tpu.memory_space<vmem>> -> memref<1x16x768xf32, #tpu.memory_space<vmem>>
          %parallel_loop3A_1419 = tpu.memref_squeeze %parallel_loop3A_1418 : memref<1x16x768xf32, #tpu.memory_space<vmem>> -> memref<16x768xf32, #tpu.memory_space<vmem>>
          %parallel_loop3A_1420 = arith.constant 11 : index
          %parallel_loop3A_1421 = arith.index_cast %parallel_loop3A_905 : i32 to index
          %parallel_loop3A_1422 = tpu.vector_load %parallel_loop3A_1419[%parallel_loop3A_1420, %parallel_loop3A_1421] {strides = array<i32>} : memref<16x768xf32, #tpu.memory_space<vmem>>, vector<1x16xf32>,
          %parallel_loop3A_1423 = vector.shape_cast %parallel_loop3A_1422 : vector<1x16xf32> to vector<1x16xf32>
          %parallel_loop3A_1424 = arith.addf %parallel_loop3A_1423, %parallel_loop3A_1397 : vector<1x16xf32>
          %parallel_loop3A_1425 = arith.constant 0 : i32
          %parallel_loop3A_1426 = arith.constant 0 : i32
          %parallel_loop3A_1427 = tpu.memref_slice %run_scoped3A_14[%rem3A_588, %parallel_loop3A_1425, %parallel_loop3A_1426] : memref<2x16x768xf32, #tpu.memory_space<vmem>> -> memref<1x16x768xf32, #tpu.memory_space<vmem>>
          %parallel_loop3A_1428 = tpu.memref_squeeze %parallel_loop3A_1427 : memref<1x16x768xf32, #tpu.memory_space<vmem>> -> memref<16x768xf32, #tpu.memory_space<vmem>>
          %parallel_loop3A_1429 = arith.constant 11 : index
          %parallel_loop3A_1430 = arith.index_cast %parallel_loop3A_905 : i32 to index
          %parallel_loop3A_1431 = tpu.vector_load %parallel_loop3A_1428[%parallel_loop3A_1429, %parallel_loop3A_1430] {strides = array<i32>} : memref<16x768xf32, #tpu.memory_space<vmem>>, vector<1x16xf32>,
          %parallel_loop3A_1432 = vector.shape_cast %parallel_loop3A_1431 : vector<1x16xf32> to vector<1x16xf32>
          %parallel_loop3A_1433 = vector.shape_cast %parallel_loop3A_1424 : vector<1x16xf32> to vector<1x16xf32>
          tpu.vector_store %parallel_loop3A_1428[%parallel_loop3A_1429, %parallel_loop3A_1430], %parallel_loop3A_1433 {strides = array<i32>} : memref<16x768xf32, #tpu.memory_space<vmem>>, vector<1x16xf32>,
          %parallel_loop3A_1434 = arith.constant 0 : i32
          %parallel_loop3A_1435 = arith.constant 0 : i32
          %parallel_loop3A_1436 = tpu.memref_slice %run_scoped3A_10[%rem3A_584, %parallel_loop3A_1434, %parallel_loop3A_1435] : memref<2x16x768xf32, #tpu.memory_space<vmem>> -> memref<1x16x768xf32, #tpu.memory_space<vmem>>
          %parallel_loop3A_1437 = tpu.memref_squeeze %parallel_loop3A_1436 : memref<1x16x768xf32, #tpu.memory_space<vmem>> -> memref<16x768xf32, #tpu.memory_space<vmem>>
          %parallel_loop3A_1438 = arith.constant 12 : index
          %parallel_loop3A_1439 = arith.index_cast %parallel_loop3A_905 : i32 to index
          %parallel_loop3A_1440 = tpu.vector_load %parallel_loop3A_1437[%parallel_loop3A_1438, %parallel_loop3A_1439] {strides = array<i32>} : memref<16x768xf32, #tpu.memory_space<vmem>>, vector<1x16xf32>,
          %parallel_loop3A_1441 = vector.shape_cast %parallel_loop3A_1440 : vector<1x16xf32> to vector<1x16xf32>
          %parallel_loop3A_1442 = arith.constant 0 : i32
          %parallel_loop3A_1443 = arith.constant 0 : i32
          %parallel_loop3A_1444 = tpu.memref_slice %run_scoped3A[%rem3A_580, %parallel_loop3A_1442, %parallel_loop3A_1443] : memref<2x16x768xf32, #tpu.memory_space<vmem>> -> memref<1x16x768xf32, #tpu.memory_space<vmem>>
          %parallel_loop3A_1445 = tpu.memref_squeeze %parallel_loop3A_1444 : memref<1x16x768xf32, #tpu.memory_space<vmem>> -> memref<16x768xf32, #tpu.memory_space<vmem>>
          %parallel_loop3A_1446 = arith.constant 12 : index
          %parallel_loop3A_1447 = arith.index_cast %parallel_loop3A_905 : i32 to index
          %parallel_loop3A_1448 = tpu.vector_load %parallel_loop3A_1445[%parallel_loop3A_1446, %parallel_loop3A_1447] {strides = array<i32>} : memref<16x768xf32, #tpu.memory_space<vmem>>, vector<1x16xf32>,
          %parallel_loop3A_1449 = vector.shape_cast %parallel_loop3A_1448 : vector<1x16xf32> to vector<1x16xf32>
          %parallel_loop3A_1450 = arith.addf %parallel_loop3A_1449, %parallel_loop3A_1441 : vector<1x16xf32>
          %parallel_loop3A_1451 = arith.constant 0 : i32
          %parallel_loop3A_1452 = arith.constant 0 : i32
          %parallel_loop3A_1453 = tpu.memref_slice %run_scoped3A_12[%rem3A_586, %parallel_loop3A_1451, %parallel_loop3A_1452] : memref<2x16x768xf32, #tpu.memory_space<vmem>> -> memref<1x16x768xf32, #tpu.memory_space<vmem>>
          %parallel_loop3A_1454 = tpu.memref_squeeze %parallel_loop3A_1453 : memref<1x16x768xf32, #tpu.memory_space<vmem>> -> memref<16x768xf32, #tpu.memory_space<vmem>>
          %parallel_loop3A_1455 = arith.constant 12 : index
          %parallel_loop3A_1456 = arith.index_cast %parallel_loop3A_905 : i32 to index
          %parallel_loop3A_1457 = tpu.vector_load %parallel_loop3A_1454[%parallel_loop3A_1455, %parallel_loop3A_1456] {strides = array<i32>} : memref<16x768xf32, #tpu.memory_space<vmem>>, vector<1x16xf32>,
          %parallel_loop3A_1458 = vector.shape_cast %parallel_loop3A_1457 : vector<1x16xf32> to vector<1x16xf32>
          %parallel_loop3A_1459 = vector.shape_cast %parallel_loop3A_1450 : vector<1x16xf32> to vector<1x16xf32>
          tpu.vector_store %parallel_loop3A_1454[%parallel_loop3A_1455, %parallel_loop3A_1456], %parallel_loop3A_1459 {strides = array<i32>} : memref<16x768xf32, #tpu.memory_space<vmem>>, vector<1x16xf32>,
          %parallel_loop3A_1460 = arith.constant 0 : i32
          %parallel_loop3A_1461 = arith.constant 0 : i32
          %parallel_loop3A_1462 = tpu.memref_slice %run_scoped3A_8[%rem3A_582, %parallel_loop3A_1460, %parallel_loop3A_1461] : memref<2x16x768xf32, #tpu.memory_space<vmem>> -> memref<1x16x768xf32, #tpu.memory_space<vmem>>
          %parallel_loop3A_1463 = tpu.memref_squeeze %parallel_loop3A_1462 : memref<1x16x768xf32, #tpu.memory_space<vmem>> -> memref<16x768xf32, #tpu.memory_space<vmem>>
          %parallel_loop3A_1464 = arith.constant 12 : index
          %parallel_loop3A_1465 = arith.index_cast %parallel_loop3A_905 : i32 to index
          %parallel_loop3A_1466 = tpu.vector_load %parallel_loop3A_1463[%parallel_loop3A_1464, %parallel_loop3A_1465] {strides = array<i32>} : memref<16x768xf32, #tpu.memory_space<vmem>>, vector<1x16xf32>,
          %parallel_loop3A_1467 = vector.shape_cast %parallel_loop3A_1466 : vector<1x16xf32> to vector<1x16xf32>
          %parallel_loop3A_1468 = arith.addf %parallel_loop3A_1467, %parallel_loop3A_1441 : vector<1x16xf32>
          %parallel_loop3A_1469 = arith.constant 0 : i32
          %parallel_loop3A_1470 = arith.constant 0 : i32
          %parallel_loop3A_1471 = tpu.memref_slice %run_scoped3A_14[%rem3A_588, %parallel_loop3A_1469, %parallel_loop3A_1470] : memref<2x16x768xf32, #tpu.memory_space<vmem>> -> memref<1x16x768xf32, #tpu.memory_space<vmem>>
          %parallel_loop3A_1472 = tpu.memref_squeeze %parallel_loop3A_1471 : memref<1x16x768xf32, #tpu.memory_space<vmem>> -> memref<16x768xf32, #tpu.memory_space<vmem>>
          %parallel_loop3A_1473 = arith.constant 12 : index
          %parallel_loop3A_1474 = arith.index_cast %parallel_loop3A_905 : i32 to index
          %parallel_loop3A_1475 = tpu.vector_load %parallel_loop3A_1472[%parallel_loop3A_1473, %parallel_loop3A_1474] {strides = array<i32>} : memref<16x768xf32, #tpu.memory_space<vmem>>, vector<1x16xf32>,
          %parallel_loop3A_1476 = vector.shape_cast %parallel_loop3A_1475 : vector<1x16xf32> to vector<1x16xf32>
          %parallel_loop3A_1477 = vector.shape_cast %parallel_loop3A_1468 : vector<1x16xf32> to vector<1x16xf32>
          tpu.vector_store %parallel_loop3A_1472[%parallel_loop3A_1473, %parallel_loop3A_1474], %parallel_loop3A_1477 {strides = array<i32>} : memref<16x768xf32, #tpu.memory_space<vmem>>, vector<1x16xf32>,
          %parallel_loop3A_1478 = arith.constant 0 : i32
          %parallel_loop3A_1479 = arith.constant 0 : i32
          %parallel_loop3A_1480 = tpu.memref_slice %run_scoped3A_10[%rem3A_584, %parallel_loop3A_1478, %parallel_loop3A_1479] : memref<2x16x768xf32, #tpu.memory_space<vmem>> -> memref<1x16x768xf32, #tpu.memory_space<vmem>>
          %parallel_loop3A_1481 = tpu.memref_squeeze %parallel_loop3A_1480 : memref<1x16x768xf32, #tpu.memory_space<vmem>> -> memref<16x768xf32, #tpu.memory_space<vmem>>
          %parallel_loop3A_1482 = arith.constant 13 : index
          %parallel_loop3A_1483 = arith.index_cast %parallel_loop3A_905 : i32 to index
          %parallel_loop3A_1484 = tpu.vector_load %parallel_loop3A_1481[%parallel_loop3A_1482, %parallel_loop3A_1483] {strides = array<i32>} : memref<16x768xf32, #tpu.memory_space<vmem>>, vector<1x16xf32>,
          %parallel_loop3A_1485 = vector.shape_cast %parallel_loop3A_1484 : vector<1x16xf32> to vector<1x16xf32>
          %parallel_loop3A_1486 = arith.constant 0 : i32
          %parallel_loop3A_1487 = arith.constant 0 : i32
          %parallel_loop3A_1488 = tpu.memref_slice %run_scoped3A[%rem3A_580, %parallel_loop3A_1486, %parallel_loop3A_1487] : memref<2x16x768xf32, #tpu.memory_space<vmem>> -> memref<1x16x768xf32, #tpu.memory_space<vmem>>
          %parallel_loop3A_1489 = tpu.memref_squeeze %parallel_loop3A_1488 : memref<1x16x768xf32, #tpu.memory_space<vmem>> -> memref<16x768xf32, #tpu.memory_space<vmem>>
          %parallel_loop3A_1490 = arith.constant 13 : index
          %parallel_loop3A_1491 = arith.index_cast %parallel_loop3A_905 : i32 to index
          %parallel_loop3A_1492 = tpu.vector_load %parallel_loop3A_1489[%parallel_loop3A_1490, %parallel_loop3A_1491] {strides = array<i32>} : memref<16x768xf32, #tpu.memory_space<vmem>>, vector<1x16xf32>,
          %parallel_loop3A_1493 = vector.shape_cast %parallel_loop3A_1492 : vector<1x16xf32> to vector<1x16xf32>
          %parallel_loop3A_1494 = arith.addf %parallel_loop3A_1493, %parallel_loop3A_1485 : vector<1x16xf32>
          %parallel_loop3A_1495 = arith.constant 0 : i32
          %parallel_loop3A_1496 = arith.constant 0 : i32
          %parallel_loop3A_1497 = tpu.memref_slice %run_scoped3A_12[%rem3A_586, %parallel_loop3A_1495, %parallel_loop3A_1496] : memref<2x16x768xf32, #tpu.memory_space<vmem>> -> memref<1x16x768xf32, #tpu.memory_space<vmem>>
          %parallel_loop3A_1498 = tpu.memref_squeeze %parallel_loop3A_1497 : memref<1x16x768xf32, #tpu.memory_space<vmem>> -> memref<16x768xf32, #tpu.memory_space<vmem>>
          %parallel_loop3A_1499 = arith.constant 13 : index
          %parallel_loop3A_1500 = arith.index_cast %parallel_loop3A_905 : i32 to index
          %parallel_loop3A_1501 = tpu.vector_load %parallel_loop3A_1498[%parallel_loop3A_1499, %parallel_loop3A_1500] {strides = array<i32>} : memref<16x768xf32, #tpu.memory_space<vmem>>, vector<1x16xf32>,
          %parallel_loop3A_1502 = vector.shape_cast %parallel_loop3A_1501 : vector<1x16xf32> to vector<1x16xf32>
          %parallel_loop3A_1503 = vector.shape_cast %parallel_loop3A_1494 : vector<1x16xf32> to vector<1x16xf32>
          tpu.vector_store %parallel_loop3A_1498[%parallel_loop3A_1499, %parallel_loop3A_1500], %parallel_loop3A_1503 {strides = array<i32>} : memref<16x768xf32, #tpu.memory_space<vmem>>, vector<1x16xf32>,
          %parallel_loop3A_1504 = arith.constant 0 : i32
          %parallel_loop3A_1505 = arith.constant 0 : i32
          %parallel_loop3A_1506 = tpu.memref_slice %run_scoped3A_8[%rem3A_582, %parallel_loop3A_1504, %parallel_loop3A_1505] : memref<2x16x768xf32, #tpu.memory_space<vmem>> -> memref<1x16x768xf32, #tpu.memory_space<vmem>>
          %parallel_loop3A_1507 = tpu.memref_squeeze %parallel_loop3A_1506 : memref<1x16x768xf32, #tpu.memory_space<vmem>> -> memref<16x768xf32, #tpu.memory_space<vmem>>
          %parallel_loop3A_1508 = arith.constant 13 : index
          %parallel_loop3A_1509 = arith.index_cast %parallel_loop3A_905 : i32 to index
          %parallel_loop3A_1510 = tpu.vector_load %parallel_loop3A_1507[%parallel_loop3A_1508, %parallel_loop3A_1509] {strides = array<i32>} : memref<16x768xf32, #tpu.memory_space<vmem>>, vector<1x16xf32>,
          %parallel_loop3A_1511 = vector.shape_cast %parallel_loop3A_1510 : vector<1x16xf32> to vector<1x16xf32>
          %parallel_loop3A_1512 = arith.addf %parallel_loop3A_1511, %parallel_loop3A_1485 : vector<1x16xf32>
          %parallel_loop3A_1513 = arith.constant 0 : i32
          %parallel_loop3A_1514 = arith.constant 0 : i32
          %parallel_loop3A_1515 = tpu.memref_slice %run_scoped3A_14[%rem3A_588, %parallel_loop3A_1513, %parallel_loop3A_1514] : memref<2x16x768xf32, #tpu.memory_space<vmem>> -> memref<1x16x768xf32, #tpu.memory_space<vmem>>
          %parallel_loop3A_1516 = tpu.memref_squeeze %parallel_loop3A_1515 : memref<1x16x768xf32, #tpu.memory_space<vmem>> -> memref<16x768xf32, #tpu.memory_space<vmem>>
          %parallel_loop3A_1517 = arith.constant 13 : index
          %parallel_loop3A_1518 = arith.index_cast %parallel_loop3A_905 : i32 to index
          %parallel_loop3A_1519 = tpu.vector_load %parallel_loop3A_1516[%parallel_loop3A_1517, %parallel_loop3A_1518] {strides = array<i32>} : memref<16x768xf32, #tpu.memory_space<vmem>>, vector<1x16xf32>,
          %parallel_loop3A_1520 = vector.shape_cast %parallel_loop3A_1519 : vector<1x16xf32> to vector<1x16xf32>
          %parallel_loop3A_1521 = vector.shape_cast %parallel_loop3A_1512 : vector<1x16xf32> to vector<1x16xf32>
          tpu.vector_store %parallel_loop3A_1516[%parallel_loop3A_1517, %parallel_loop3A_1518], %parallel_loop3A_1521 {strides = array<i32>} : memref<16x768xf32, #tpu.memory_space<vmem>>, vector<1x16xf32>,
          %parallel_loop3A_1522 = arith.constant 0 : i32
          %parallel_loop3A_1523 = arith.constant 0 : i32
          %parallel_loop3A_1524 = tpu.memref_slice %run_scoped3A_10[%rem3A_584, %parallel_loop3A_1522, %parallel_loop3A_1523] : memref<2x16x768xf32, #tpu.memory_space<vmem>> -> memref<1x16x768xf32, #tpu.memory_space<vmem>>
          %parallel_loop3A_1525 = tpu.memref_squeeze %parallel_loop3A_1524 : memref<1x16x768xf32, #tpu.memory_space<vmem>> -> memref<16x768xf32, #tpu.memory_space<vmem>>
          %parallel_loop3A_1526 = arith.constant 14 : index
          %parallel_loop3A_1527 = arith.index_cast %parallel_loop3A_905 : i32 to index
          %parallel_loop3A_1528 = tpu.vector_load %parallel_loop3A_1525[%parallel_loop3A_1526, %parallel_loop3A_1527] {strides = array<i32>} : memref<16x768xf32, #tpu.memory_space<vmem>>, vector<1x16xf32>,
          %parallel_loop3A_1529 = vector.shape_cast %parallel_loop3A_1528 : vector<1x16xf32> to vector<1x16xf32>
          %parallel_loop3A_1530 = arith.constant 0 : i32
          %parallel_loop3A_1531 = arith.constant 0 : i32
          %parallel_loop3A_1532 = tpu.memref_slice %run_scoped3A[%rem3A_580, %parallel_loop3A_1530, %parallel_loop3A_1531] : memref<2x16x768xf32, #tpu.memory_space<vmem>> -> memref<1x16x768xf32, #tpu.memory_space<vmem>>
          %parallel_loop3A_1533 = tpu.memref_squeeze %parallel_loop3A_1532 : memref<1x16x768xf32, #tpu.memory_space<vmem>> -> memref<16x768xf32, #tpu.memory_space<vmem>>
          %parallel_loop3A_1534 = arith.constant 14 : index
          %parallel_loop3A_1535 = arith.index_cast %parallel_loop3A_905 : i32 to index
          %parallel_loop3A_1536 = tpu.vector_load %parallel_loop3A_1533[%parallel_loop3A_1534, %parallel_loop3A_1535] {strides = array<i32>} : memref<16x768xf32, #tpu.memory_space<vmem>>, vector<1x16xf32>,
          %parallel_loop3A_1537 = vector.shape_cast %parallel_loop3A_1536 : vector<1x16xf32> to vector<1x16xf32>
          %parallel_loop3A_1538 = arith.addf %parallel_loop3A_1537, %parallel_loop3A_1529 : vector<1x16xf32>
          %parallel_loop3A_1539 = arith.constant 0 : i32
          %parallel_loop3A_1540 = arith.constant 0 : i32
          %parallel_loop3A_1541 = tpu.memref_slice %run_scoped3A_12[%rem3A_586, %parallel_loop3A_1539, %parallel_loop3A_1540] : memref<2x16x768xf32, #tpu.memory_space<vmem>> -> memref<1x16x768xf32, #tpu.memory_space<vmem>>
          %parallel_loop3A_1542 = tpu.memref_squeeze %parallel_loop3A_1541 : memref<1x16x768xf32, #tpu.memory_space<vmem>> -> memref<16x768xf32, #tpu.memory_space<vmem>>
          %parallel_loop3A_1543 = arith.constant 14 : index
          %parallel_loop3A_1544 = arith.index_cast %parallel_loop3A_905 : i32 to index
          %parallel_loop3A_1545 = tpu.vector_load %parallel_loop3A_1542[%parallel_loop3A_1543, %parallel_loop3A_1544] {strides = array<i32>} : memref<16x768xf32, #tpu.memory_space<vmem>>, vector<1x16xf32>,
          %parallel_loop3A_1546 = vector.shape_cast %parallel_loop3A_1545 : vector<1x16xf32> to vector<1x16xf32>
          %parallel_loop3A_1547 = vector.shape_cast %parallel_loop3A_1538 : vector<1x16xf32> to vector<1x16xf32>
          tpu.vector_store %parallel_loop3A_1542[%parallel_loop3A_1543, %parallel_loop3A_1544], %parallel_loop3A_1547 {strides = array<i32>} : memref<16x768xf32, #tpu.memory_space<vmem>>, vector<1x16xf32>,
          %parallel_loop3A_1548 = arith.constant 0 : i32
          %parallel_loop3A_1549 = arith.constant 0 : i32
          %parallel_loop3A_1550 = tpu.memref_slice %run_scoped3A_8[%rem3A_582, %parallel_loop3A_1548, %parallel_loop3A_1549] : memref<2x16x768xf32, #tpu.memory_space<vmem>> -> memref<1x16x768xf32, #tpu.memory_space<vmem>>
          %parallel_loop3A_1551 = tpu.memref_squeeze %parallel_loop3A_1550 : memref<1x16x768xf32, #tpu.memory_space<vmem>> -> memref<16x768xf32, #tpu.memory_space<vmem>>
          %parallel_loop3A_1552 = arith.constant 14 : index
          %parallel_loop3A_1553 = arith.index_cast %parallel_loop3A_905 : i32 to index
          %parallel_loop3A_1554 = tpu.vector_load %parallel_loop3A_1551[%parallel_loop3A_1552, %parallel_loop3A_1553] {strides = array<i32>} : memref<16x768xf32, #tpu.memory_space<vmem>>, vector<1x16xf32>,
          %parallel_loop3A_1555 = vector.shape_cast %parallel_loop3A_1554 : vector<1x16xf32> to vector<1x16xf32>
          %parallel_loop3A_1556 = arith.addf %parallel_loop3A_1555, %parallel_loop3A_1529 : vector<1x16xf32>
          %parallel_loop3A_1557 = arith.constant 0 : i32
          %parallel_loop3A_1558 = arith.constant 0 : i32
          %parallel_loop3A_1559 = tpu.memref_slice %run_scoped3A_14[%rem3A_588, %parallel_loop3A_1557, %parallel_loop3A_1558] : memref<2x16x768xf32, #tpu.memory_space<vmem>> -> memref<1x16x768xf32, #tpu.memory_space<vmem>>
          %parallel_loop3A_1560 = tpu.memref_squeeze %parallel_loop3A_1559 : memref<1x16x768xf32, #tpu.memory_space<vmem>> -> memref<16x768xf32, #tpu.memory_space<vmem>>
          %parallel_loop3A_1561 = arith.constant 14 : index
          %parallel_loop3A_1562 = arith.index_cast %parallel_loop3A_905 : i32 to index
          %parallel_loop3A_1563 = tpu.vector_load %parallel_loop3A_1560[%parallel_loop3A_1561, %parallel_loop3A_1562] {strides = array<i32>} : memref<16x768xf32, #tpu.memory_space<vmem>>, vector<1x16xf32>,
          %parallel_loop3A_1564 = vector.shape_cast %parallel_loop3A_1563 : vector<1x16xf32> to vector<1x16xf32>
          %parallel_loop3A_1565 = vector.shape_cast %parallel_loop3A_1556 : vector<1x16xf32> to vector<1x16xf32>
          tpu.vector_store %parallel_loop3A_1560[%parallel_loop3A_1561, %parallel_loop3A_1562], %parallel_loop3A_1565 {strides = array<i32>} : memref<16x768xf32, #tpu.memory_space<vmem>>, vector<1x16xf32>,
          %parallel_loop3A_1566 = arith.constant 0 : i32
          %parallel_loop3A_1567 = arith.constant 0 : i32
          %parallel_loop3A_1568 = tpu.memref_slice %run_scoped3A_10[%rem3A_584, %parallel_loop3A_1566, %parallel_loop3A_1567] : memref<2x16x768xf32, #tpu.memory_space<vmem>> -> memref<1x16x768xf32, #tpu.memory_space<vmem>>
          %parallel_loop3A_1569 = tpu.memref_squeeze %parallel_loop3A_1568 : memref<1x16x768xf32, #tpu.memory_space<vmem>> -> memref<16x768xf32, #tpu.memory_space<vmem>>
          %parallel_loop3A_1570 = arith.constant 15 : index
          %parallel_loop3A_1571 = arith.index_cast %parallel_loop3A_905 : i32 to index
          %parallel_loop3A_1572 = tpu.vector_load %parallel_loop3A_1569[%parallel_loop3A_1570, %parallel_loop3A_1571] {strides = array<i32>} : memref<16x768xf32, #tpu.memory_space<vmem>>, vector<1x16xf32>,
          %parallel_loop3A_1573 = vector.shape_cast %parallel_loop3A_1572 : vector<1x16xf32> to vector<1x16xf32>
          %parallel_loop3A_1574 = arith.constant 0 : i32
          %parallel_loop3A_1575 = arith.constant 0 : i32
          %parallel_loop3A_1576 = tpu.memref_slice %run_scoped3A[%rem3A_580, %parallel_loop3A_1574, %parallel_loop3A_1575] : memref<2x16x768xf32, #tpu.memory_space<vmem>> -> memref<1x16x768xf32, #tpu.memory_space<vmem>>
          %parallel_loop3A_1577 = tpu.memref_squeeze %parallel_loop3A_1576 : memref<1x16x768xf32, #tpu.memory_space<vmem>> -> memref<16x768xf32, #tpu.memory_space<vmem>>
          %parallel_loop3A_1578 = arith.constant 15 : index
          %parallel_loop3A_1579 = arith.index_cast %parallel_loop3A_905 : i32 to index
          %parallel_loop3A_1580 = tpu.vector_load %parallel_loop3A_1577[%parallel_loop3A_1578, %parallel_loop3A_1579] {strides = array<i32>} : memref<16x768xf32, #tpu.memory_space<vmem>>, vector<1x16xf32>,
          %parallel_loop3A_1581 = vector.shape_cast %parallel_loop3A_1580 : vector<1x16xf32> to vector<1x16xf32>
          %parallel_loop3A_1582 = arith.addf %parallel_loop3A_1581, %parallel_loop3A_1573 : vector<1x16xf32>
          %parallel_loop3A_1583 = arith.constant 0 : i32
          %parallel_loop3A_1584 = arith.constant 0 : i32
          %parallel_loop3A_1585 = tpu.memref_slice %run_scoped3A_12[%rem3A_586, %parallel_loop3A_1583, %parallel_loop3A_1584] : memref<2x16x768xf32, #tpu.memory_space<vmem>> -> memref<1x16x768xf32, #tpu.memory_space<vmem>>
          %parallel_loop3A_1586 = tpu.memref_squeeze %parallel_loop3A_1585 : memref<1x16x768xf32, #tpu.memory_space<vmem>> -> memref<16x768xf32, #tpu.memory_space<vmem>>
          %parallel_loop3A_1587 = arith.constant 15 : index
          %parallel_loop3A_1588 = arith.index_cast %parallel_loop3A_905 : i32 to index
          %parallel_loop3A_1589 = tpu.vector_load %parallel_loop3A_1586[%parallel_loop3A_1587, %parallel_loop3A_1588] {strides = array<i32>} : memref<16x768xf32, #tpu.memory_space<vmem>>, vector<1x16xf32>,
          %parallel_loop3A_1590 = vector.shape_cast %parallel_loop3A_1589 : vector<1x16xf32> to vector<1x16xf32>
          %parallel_loop3A_1591 = vector.shape_cast %parallel_loop3A_1582 : vector<1x16xf32> to vector<1x16xf32>
          tpu.vector_store %parallel_loop3A_1586[%parallel_loop3A_1587, %parallel_loop3A_1588], %parallel_loop3A_1591 {strides = array<i32>} : memref<16x768xf32, #tpu.memory_space<vmem>>, vector<1x16xf32>,
          %parallel_loop3A_1592 = arith.constant 0 : i32
          %parallel_loop3A_1593 = arith.constant 0 : i32
          %parallel_loop3A_1594 = tpu.memref_slice %run_scoped3A_8[%rem3A_582, %parallel_loop3A_1592, %parallel_loop3A_1593] : memref<2x16x768xf32, #tpu.memory_space<vmem>> -> memref<1x16x768xf32, #tpu.memory_space<vmem>>
          %parallel_loop3A_1595 = tpu.memref_squeeze %parallel_loop3A_1594 : memref<1x16x768xf32, #tpu.memory_space<vmem>> -> memref<16x768xf32, #tpu.memory_space<vmem>>
          %parallel_loop3A_1596 = arith.constant 15 : index
          %parallel_loop3A_1597 = arith.index_cast %parallel_loop3A_905 : i32 to index
          %parallel_loop3A_1598 = tpu.vector_load %parallel_loop3A_1595[%parallel_loop3A_1596, %parallel_loop3A_1597] {strides = array<i32>} : memref<16x768xf32, #tpu.memory_space<vmem>>, vector<1x16xf32>,
          %parallel_loop3A_1599 = vector.shape_cast %parallel_loop3A_1598 : vector<1x16xf32> to vector<1x16xf32>
          %parallel_loop3A_1600 = arith.addf %parallel_loop3A_1599, %parallel_loop3A_1573 : vector<1x16xf32>
          %parallel_loop3A_1601 = arith.constant 0 : i32
          %parallel_loop3A_1602 = arith.constant 0 : i32
          %parallel_loop3A_1603 = tpu.memref_slice %run_scoped3A_14[%rem3A_588, %parallel_loop3A_1601, %parallel_loop3A_1602] : memref<2x16x768xf32, #tpu.memory_space<vmem>> -> memref<1x16x768xf32, #tpu.memory_space<vmem>>
          %parallel_loop3A_1604 = tpu.memref_squeeze %parallel_loop3A_1603 : memref<1x16x768xf32, #tpu.memory_space<vmem>> -> memref<16x768xf32, #tpu.memory_space<vmem>>
          %parallel_loop3A_1605 = arith.constant 15 : index
          %parallel_loop3A_1606 = arith.index_cast %parallel_loop3A_905 : i32 to index
          %parallel_loop3A_1607 = tpu.vector_load %parallel_loop3A_1604[%parallel_loop3A_1605, %parallel_loop3A_1606] {strides = array<i32>} : memref<16x768xf32, #tpu.memory_space<vmem>>, vector<1x16xf32>,
          %parallel_loop3A_1608 = vector.shape_cast %parallel_loop3A_1607 : vector<1x16xf32> to vector<1x16xf32>
          %parallel_loop3A_1609 = vector.shape_cast %parallel_loop3A_1600 : vector<1x16xf32> to vector<1x16xf32>
          tpu.vector_store %parallel_loop3A_1604[%parallel_loop3A_1605, %parallel_loop3A_1606], %parallel_loop3A_1609 {strides = array<i32>} : memref<16x768xf32, #tpu.memory_space<vmem>>, vector<1x16xf32>,
        } {sc.loop_unroll_factor = 2 : i64, sc.parallel_access}
        "tpu.trace_stop"() : () -> ()
        %mul3A_591 = arith.constant 2 : i32
        %mul3A_592 = arith.muli %add3A_300, %mul3A_591 : i32
        %add3A_593 = arith.constant 0 : i32
        %add3A_594 = arith.addi %mul3A_592, %add3A_593 : i32
        %mul3A_595 = arith.constant 512 : i32
        %mul3A_596 = arith.muli %add3A_594, %mul3A_595 : i32
        %add3A_597 = arith.addi %mul3A_596, %add3A_298 : i32
        %mul3A_598 = arith.constant 2 : i32
        %mul3A_599 = arith.muli %add3A_336, %mul3A_598 : i32
        %add3A_600 = arith.constant 0 : i32
        %add3A_601 = arith.addi %mul3A_599, %add3A_600 : i32
        %mul3A_602 = arith.constant 512 : i32
        %mul3A_603 = arith.muli %add3A_601, %mul3A_602 : i32
        %add3A_604 = arith.addi %mul3A_603, %add3A_334 : i32
        %ne3A_605 = arith.cmpi ne, %add3A_597, %add3A_604 : i32
        %or3A_606 = arith.constant false
        %or3A_607 = arith.ori %or3A_606, %ne3A_605 : i1
        %or3A_608 = arith.constant false
        %or3A_609 = arith.ori %or3A_607, %or3A_608 : i1
        %or3A_610 = arith.ori %or3A_609, %eq3A_297 : i1
        %convert_element_type3A_611 = arith.extui %or3A_610 : i1 to i32
        %cond3A_612 = arith.constant 0 : i32
        %cond3A_613 = arith.cmpi ne, %convert_element_type3A_611, %cond3A_612 : i32
        scf.if %cond3A_613 {
        } else {
        }
        %and3A_614 = arith.constant false
        %and3A_615 = arith.andi %or3A_610, %and3A_614 : i1
        %mul3A_616 = arith.constant 2 : i32
        %mul3A_617 = arith.muli %add3A_300, %mul3A_616 : i32
        %add3A_618 = arith.constant 1 : i32
        %add3A_619 = arith.addi %mul3A_617, %add3A_618 : i32
        %mul3A_620 = arith.constant 512 : i32
        %mul3A_621 = arith.muli %add3A_619, %mul3A_620 : i32
        %add3A_622 = arith.addi %mul3A_621, %add3A_298 : i32
        %mul3A_623 = arith.constant 2 : i32
        %mul3A_624 = arith.muli %add3A_336, %mul3A_623 : i32
        %add3A_625 = arith.constant 1 : i32
        %add3A_626 = arith.addi %mul3A_624, %add3A_625 : i32
        %mul3A_627 = arith.constant 512 : i32
        %mul3A_628 = arith.muli %add3A_626, %mul3A_627 : i32
        %add3A_629 = arith.addi %mul3A_628, %add3A_334 : i32
        %ne3A_630 = arith.cmpi ne, %add3A_622, %add3A_629 : i32
        %or3A_631 = arith.constant false
        %or3A_632 = arith.ori %or3A_631, %ne3A_630 : i1
        %or3A_633 = arith.constant false
        %or3A_634 = arith.ori %or3A_632, %or3A_633 : i1
        %or3A_635 = arith.ori %or3A_634, %eq3A_297 : i1
        %convert_element_type3A_636 = arith.extui %or3A_635 : i1 to i32
        %cond3A_637 = arith.constant 0 : i32
        %cond3A_638 = arith.cmpi ne, %convert_element_type3A_636, %cond3A_637 : i32
        scf.if %cond3A_638 {
        } else {
        }
        %and3A_639 = arith.constant false
        %and3A_640 = arith.andi %or3A_635, %and3A_639 : i1
        %ne3A_641 = arith.cmpi ne, %add3A_298, %add3A_334 : i32
        %or3A_642 = arith.constant false
        %or3A_643 = arith.ori %or3A_642, %ne3A_641 : i1
        %or3A_644 = arith.constant false
        %or3A_645 = arith.ori %or3A_643, %or3A_644 : i1
        %or3A_646 = arith.ori %or3A_645, %eq3A_297 : i1
        %convert_element_type3A_647 = arith.extui %or3A_646 : i1 to i32
        %cond3A_648 = arith.constant 0 : i32
        %cond3A_649 = arith.cmpi ne, %convert_element_type3A_647, %cond3A_648 : i32
        scf.if %cond3A_649 {
        } else {
        }
        %and3A_650 = arith.constant false
        %and3A_651 = arith.andi %or3A_646, %and3A_650 : i1
        %mul3A_652 = arith.constant 2 : i32
        %mul3A_653 = arith.muli %add3A_300, %mul3A_652 : i32
        %add3A_654 = arith.constant 0 : i32
        %add3A_655 = arith.addi %mul3A_653, %add3A_654 : i32
        %mul3A_656 = arith.constant 512 : i32
        %mul3A_657 = arith.muli %add3A_655, %mul3A_656 : i32
        %add3A_658 = arith.addi %mul3A_657, %add3A_298 : i32
        %mul3A_659 = arith.constant 2 : i32
        %mul3A_660 = arith.muli %add3A_336, %mul3A_659 : i32
        %add3A_661 = arith.constant 0 : i32
        %add3A_662 = arith.addi %mul3A_660, %add3A_661 : i32
        %mul3A_663 = arith.constant 512 : i32
        %mul3A_664 = arith.muli %add3A_662, %mul3A_663 : i32
        %add3A_665 = arith.addi %mul3A_664, %add3A_334 : i32
        %ne3A_666 = arith.cmpi ne, %add3A_658, %add3A_665 : i32
        %or3A_667 = arith.constant false
        %or3A_668 = arith.ori %or3A_667, %ne3A_666 : i1
        %or3A_669 = arith.constant false
        %or3A_670 = arith.ori %or3A_668, %or3A_669 : i1
        %or3A_671 = arith.ori %or3A_670, %eq3A_297 : i1
        %convert_element_type3A_672 = arith.extui %or3A_671 : i1 to i32
        %cond3A_673 = arith.constant 0 : i32
        %cond3A_674 = arith.cmpi ne, %convert_element_type3A_672, %cond3A_673 : i32
        scf.if %cond3A_674 {
          "tpu.trace_start"() <{level = 10 : i32, message = "ep_copy_out"}> : () -> ()
          %rem3A_905 = arith.constant 2 : i32
          %rem3A_906 = arith.remui %scan3A_288, %rem3A_905 : i32
          %mul3A_907 = arith.constant 2 : i32
          %mul3A_908 = arith.muli %add3A_300, %mul3A_907 : i32
          %add3A_909 = arith.constant 0 : i32
          %add3A_910 = arith.addi %mul3A_908, %add3A_909 : i32
          %mul3A_911 = arith.constant 512 : i32
          %mul3A_912 = arith.muli %add3A_910, %mul3A_911 : i32
          %add3A_913 = arith.addi %mul3A_912, %add3A_298 : i32
          %mul3A_914 = arith.constant 16 : i32
          %mul3A_915 = arith.muli %mul3A_914, %add3A_913 : i32
          %dma_start3A_916 = arith.constant 0 : i32
          %dma_start3A_917 = arith.constant 0 : i32
          %dma_start3A_918 = tpu.memref_slice %run_scoped3A_12[%rem3A_906, %dma_start3A_916, %dma_start3A_917] : memref<2x16x768xf32, #tpu.memory_space<vmem>> -> memref<1x16x768xf32, #tpu.memory_space<vmem>>
          %dma_start3A_919 = tpu.memref_squeeze %dma_start3A_918 : memref<1x16x768xf32, #tpu.memory_space<vmem>> -> memref<16x768xf32, #tpu.memory_space<vmem>>
          %dma_start3A_920 = arith.constant 0 : i32
          %dma_start3A_921 = tpu.memref_slice %arg4[%mul3A_915, %dma_start3A_920] : memref<32768x768xf32, #tpu.memory_space<hbm>> -> memref<16x768xf32, #tpu.memory_space<hbm>>
          %dma_start3A_922 = tpu.memref_slice %run_scoped3A_13[%rem3A_906] : memref<2x!tpu.dma_semaphore, #tpu.memory_space<semaphore_mem>> -> memref<1x!tpu.dma_semaphore, #tpu.memory_space<semaphore_mem>>
          %dma_start3A_923 = tpu.memref_squeeze %dma_start3A_922 : memref<1x!tpu.dma_semaphore, #tpu.memory_space<semaphore_mem>> -> memref<!tpu.dma_semaphore, #tpu.memory_space<semaphore_mem>>
          %dma_start3A_924 = arith.constant 0 : i32
          %dma_start3A_925 = tpu.memref_slice %arg4[%mul3A_915, %dma_start3A_924] : memref<32768x768xf32, #tpu.memory_space<hbm>> -> memref<16x768xf32, #tpu.memory_space<hbm>>
          %dma_start3A_926 = arith.constant 0 : i32
          %dma_start3A_927 = arith.constant 0 : i32
          %dma_start3A_928 = tpu.memref_slice %run_scoped3A_12[%rem3A_906, %dma_start3A_926, %dma_start3A_927] : memref<2x16x768xf32, #tpu.memory_space<vmem>> -> memref<1x16x768xf32, #tpu.memory_space<vmem>>
          %dma_start3A_929 = tpu.memref_squeeze %dma_start3A_928 : memref<1x16x768xf32, #tpu.memory_space<vmem>> -> memref<16x768xf32, #tpu.memory_space<vmem>>
          tpu.enqueue_dma source(%dma_start3A_929 : memref<16x768xf32, #tpu.memory_space<vmem>>) target(%dma_start3A_925 : memref<16x768xf32, #tpu.memory_space<hbm>>) target_semaphore(%dma_start3A_923 : memref<!tpu.dma_semaphore, #tpu.memory_space<semaphore_mem>>)
          "tpu.trace_stop"() : () -> ()
        } else {
        }
        %and3A_675 = arith.constant true
        %and3A_676 = arith.andi %or3A_671, %and3A_675 : i1
        %add3A_677 = arith.constant 1 : i32
        %add3A_678 = arith.addi %scan3A_288, %add3A_677 : i32
        %select_n3A_679 = arith.select %and3A_676, %add3A_678, %scan3A_288 : i32
        %mul3A_680 = arith.constant 2 : i32
        %mul3A_681 = arith.muli %add3A_300, %mul3A_680 : i32
        %add3A_682 = arith.constant 1 : i32
        %add3A_683 = arith.addi %mul3A_681, %add3A_682 : i32
        %mul3A_684 = arith.constant 512 : i32
        %mul3A_685 = arith.muli %add3A_683, %mul3A_684 : i32
        %add3A_686 = arith.addi %mul3A_685, %add3A_298 : i32
        %mul3A_687 = arith.constant 2 : i32
        %mul3A_688 = arith.muli %add3A_336, %mul3A_687 : i32
        %add3A_689 = arith.constant 1 : i32
        %add3A_690 = arith.addi %mul3A_688, %add3A_689 : i32
        %mul3A_691 = arith.constant 512 : i32
        %mul3A_692 = arith.muli %add3A_690, %mul3A_691 : i32
        %add3A_693 = arith.addi %mul3A_692, %add3A_334 : i32
        %ne3A_694 = arith.cmpi ne, %add3A_686, %add3A_693 : i32
        %or3A_695 = arith.constant false
        %or3A_696 = arith.ori %or3A_695, %ne3A_694 : i1
        %or3A_697 = arith.constant false
        %or3A_698 = arith.ori %or3A_696, %or3A_697 : i1
        %or3A_699 = arith.ori %or3A_698, %eq3A_297 : i1
        %convert_element_type3A_700 = arith.extui %or3A_699 : i1 to i32
        %cond3A_701 = arith.constant 0 : i32
        %cond3A_702 = arith.cmpi ne, %convert_element_type3A_700, %cond3A_701 : i32
        scf.if %cond3A_702 {
          "tpu.trace_start"() <{level = 10 : i32, message = "ep_copy_out"}> : () -> ()
          %rem3A_905 = arith.constant 2 : i32
          %rem3A_906 = arith.remui %scan3A_290, %rem3A_905 : i32
          %mul3A_907 = arith.constant 2 : i32
          %mul3A_908 = arith.muli %add3A_300, %mul3A_907 : i32
          %add3A_909 = arith.constant 1 : i32
          %add3A_910 = arith.addi %mul3A_908, %add3A_909 : i32
          %mul3A_911 = arith.constant 512 : i32
          %mul3A_912 = arith.muli %add3A_910, %mul3A_911 : i32
          %add3A_913 = arith.addi %mul3A_912, %add3A_298 : i32
          %mul3A_914 = arith.constant 16 : i32
          %mul3A_915 = arith.muli %mul3A_914, %add3A_913 : i32
          %dma_start3A_916 = arith.constant 0 : i32
          %dma_start3A_917 = arith.constant 0 : i32
          %dma_start3A_918 = tpu.memref_slice %run_scoped3A_14[%rem3A_906, %dma_start3A_916, %dma_start3A_917] : memref<2x16x768xf32, #tpu.memory_space<vmem>> -> memref<1x16x768xf32, #tpu.memory_space<vmem>>
          %dma_start3A_919 = tpu.memref_squeeze %dma_start3A_918 : memref<1x16x768xf32, #tpu.memory_space<vmem>> -> memref<16x768xf32, #tpu.memory_space<vmem>>
          %dma_start3A_920 = arith.constant 0 : i32
          %dma_start3A_921 = tpu.memref_slice %arg4[%mul3A_915, %dma_start3A_920] : memref<32768x768xf32, #tpu.memory_space<hbm>> -> memref<16x768xf32, #tpu.memory_space<hbm>>
          %dma_start3A_922 = tpu.memref_slice %run_scoped3A_15[%rem3A_906] : memref<2x!tpu.dma_semaphore, #tpu.memory_space<semaphore_mem>> -> memref<1x!tpu.dma_semaphore, #tpu.memory_space<semaphore_mem>>
          %dma_start3A_923 = tpu.memref_squeeze %dma_start3A_922 : memref<1x!tpu.dma_semaphore, #tpu.memory_space<semaphore_mem>> -> memref<!tpu.dma_semaphore, #tpu.memory_space<semaphore_mem>>
          %dma_start3A_924 = arith.constant 0 : i32
          %dma_start3A_925 = tpu.memref_slice %arg4[%mul3A_915, %dma_start3A_924] : memref<32768x768xf32, #tpu.memory_space<hbm>> -> memref<16x768xf32, #tpu.memory_space<hbm>>
          %dma_start3A_926 = arith.constant 0 : i32
          %dma_start3A_927 = arith.constant 0 : i32
          %dma_start3A_928 = tpu.memref_slice %run_scoped3A_14[%rem3A_906, %dma_start3A_926, %dma_start3A_927] : memref<2x16x768xf32, #tpu.memory_space<vmem>> -> memref<1x16x768xf32, #tpu.memory_space<vmem>>
          %dma_start3A_929 = tpu.memref_squeeze %dma_start3A_928 : memref<1x16x768xf32, #tpu.memory_space<vmem>> -> memref<16x768xf32, #tpu.memory_space<vmem>>
          tpu.enqueue_dma source(%dma_start3A_929 : memref<16x768xf32, #tpu.memory_space<vmem>>) target(%dma_start3A_925 : memref<16x768xf32, #tpu.memory_space<hbm>>) target_semaphore(%dma_start3A_923 : memref<!tpu.dma_semaphore, #tpu.memory_space<semaphore_mem>>)
          "tpu.trace_stop"() : () -> ()
        } else {
        }
        %and3A_703 = arith.constant true
        %and3A_704 = arith.andi %or3A_699, %and3A_703 : i1
        %add3A_705 = arith.constant 1 : i32
        %add3A_706 = arith.addi %scan3A_290, %add3A_705 : i32
        %select_n3A_707 = arith.select %and3A_704, %add3A_706, %scan3A_290 : i32
        %mul3A_708 = arith.constant 2 : i32
        %mul3A_709 = arith.muli %add3A_300, %mul3A_708 : i32
        %add3A_710 = arith.constant 0 : i32
        %add3A_711 = arith.addi %mul3A_709, %add3A_710 : i32
        %mul3A_712 = arith.constant 512 : i32
        %mul3A_713 = arith.muli %add3A_711, %mul3A_712 : i32
        %add3A_714 = arith.addi %mul3A_713, %add3A_298 : i32
        %mul3A_715 = arith.constant 2 : i32
        %mul3A_716 = arith.muli %add3A_318, %mul3A_715 : i32
        %add3A_717 = arith.constant 0 : i32
        %add3A_718 = arith.addi %mul3A_716, %add3A_717 : i32
        %mul3A_719 = arith.constant 512 : i32
        %mul3A_720 = arith.muli %add3A_718, %mul3A_719 : i32
        %add3A_721 = arith.addi %mul3A_720, %add3A_316 : i32
        %ne3A_722 = arith.cmpi ne, %add3A_714, %add3A_721 : i32
        %or3A_723 = arith.constant false
        %or3A_724 = arith.ori %or3A_723, %ne3A_722 : i1
        %or3A_725 = arith.constant false
        %or3A_726 = arith.ori %or3A_724, %or3A_725 : i1
        %not3A_727 = arith.constant true
        %not3A_728 = arith.xori %eq3A_295, %not3A_727 : i1
        %and3A_729 = arith.andi %or3A_726, %not3A_728 : i1
        %convert_element_type3A_730 = arith.extui %and3A_729 : i1 to i32
        %cond3A_731 = arith.constant 0 : i32
        %cond3A_732 = arith.cmpi ne, %convert_element_type3A_730, %cond3A_731 : i32
        scf.if %cond3A_732 {
        } else {
        }
        %and3A_733 = arith.constant false
        %and3A_734 = arith.andi %and3A_729, %and3A_733 : i1
        %mul3A_735 = arith.constant 2 : i32
        %mul3A_736 = arith.muli %add3A_300, %mul3A_735 : i32
        %add3A_737 = arith.constant 1 : i32
        %add3A_738 = arith.addi %mul3A_736, %add3A_737 : i32
        %mul3A_739 = arith.constant 512 : i32
        %mul3A_740 = arith.muli %add3A_738, %mul3A_739 : i32
        %add3A_741 = arith.addi %mul3A_740, %add3A_298 : i32
        %mul3A_742 = arith.constant 2 : i32
        %mul3A_743 = arith.muli %add3A_318, %mul3A_742 : i32
        %add3A_744 = arith.constant 1 : i32
        %add3A_745 = arith.addi %mul3A_743, %add3A_744 : i32
        %mul3A_746 = arith.constant 512 : i32
        %mul3A_747 = arith.muli %add3A_745, %mul3A_746 : i32
        %add3A_748 = arith.addi %mul3A_747, %add3A_316 : i32
        %ne3A_749 = arith.cmpi ne, %add3A_741, %add3A_748 : i32
        %or3A_750 = arith.constant false
        %or3A_751 = arith.ori %or3A_750, %ne3A_749 : i1
        %or3A_752 = arith.constant false
        %or3A_753 = arith.ori %or3A_751, %or3A_752 : i1
        %not3A_754 = arith.constant true
        %not3A_755 = arith.xori %eq3A_295, %not3A_754 : i1
        %and3A_756 = arith.andi %or3A_753, %not3A_755 : i1
        %convert_element_type3A_757 = arith.extui %and3A_756 : i1 to i32
        %cond3A_758 = arith.constant 0 : i32
        %cond3A_759 = arith.cmpi ne, %convert_element_type3A_757, %cond3A_758 : i32
        scf.if %cond3A_759 {
        } else {
        }
        %and3A_760 = arith.constant false
        %and3A_761 = arith.andi %and3A_756, %and3A_760 : i1
        %ne3A_762 = arith.cmpi ne, %add3A_298, %add3A_316 : i32
        %or3A_763 = arith.constant false
        %or3A_764 = arith.ori %or3A_763, %ne3A_762 : i1
        %or3A_765 = arith.constant false
        %or3A_766 = arith.ori %or3A_764, %or3A_765 : i1
        %not3A_767 = arith.constant true
        %not3A_768 = arith.xori %eq3A_295, %not3A_767 : i1
        %and3A_769 = arith.andi %or3A_766, %not3A_768 : i1
        %convert_element_type3A_770 = arith.extui %and3A_769 : i1 to i32
        %cond3A_771 = arith.constant 0 : i32
        %cond3A_772 = arith.cmpi ne, %convert_element_type3A_770, %cond3A_771 : i32
        scf.if %cond3A_772 {
        } else {
        }
        %and3A_773 = arith.constant false
        %and3A_774 = arith.andi %and3A_769, %and3A_773 : i1
        %mul3A_775 = arith.constant 2 : i32
        %mul3A_776 = arith.muli %add3A_300, %mul3A_775 : i32
        %add3A_777 = arith.constant 0 : i32
        %add3A_778 = arith.addi %mul3A_776, %add3A_777 : i32
        %mul3A_779 = arith.constant 512 : i32
        %mul3A_780 = arith.muli %add3A_778, %mul3A_779 : i32
        %add3A_781 = arith.addi %mul3A_780, %add3A_298 : i32
        %mul3A_782 = arith.constant 2 : i32
        %mul3A_783 = arith.muli %add3A_318, %mul3A_782 : i32
        %add3A_784 = arith.constant 0 : i32
        %add3A_785 = arith.addi %mul3A_783, %add3A_784 : i32
        %mul3A_786 = arith.constant 512 : i32
        %mul3A_787 = arith.muli %add3A_785, %mul3A_786 : i32
        %add3A_788 = arith.addi %mul3A_787, %add3A_316 : i32
        %ne3A_789 = arith.cmpi ne, %add3A_781, %add3A_788 : i32
        %or3A_790 = arith.constant false
        %or3A_791 = arith.ori %or3A_790, %ne3A_789 : i1
        %or3A_792 = arith.constant false
        %or3A_793 = arith.ori %or3A_791, %or3A_792 : i1
        %not3A_794 = arith.constant true
        %not3A_795 = arith.xori %eq3A_295, %not3A_794 : i1
        %and3A_796 = arith.andi %or3A_793, %not3A_795 : i1
        %convert_element_type3A_797 = arith.extui %and3A_796 : i1 to i32
        %cond3A_798 = arith.constant 0 : i32
        %cond3A_799 = arith.cmpi ne, %convert_element_type3A_797, %cond3A_798 : i32
        scf.if %cond3A_799 {
          "tpu.trace_start"() <{level = 10 : i32, message = "ep_wait_out"}> : () -> ()
          %rem3A_905 = arith.constant 2 : i32
          %rem3A_906 = arith.remui %scan3A_289, %rem3A_905 : i32
          %mul3A_907 = arith.constant 2 : i32
          %mul3A_908 = arith.muli %add3A_318, %mul3A_907 : i32
          %add3A_909 = arith.constant 0 : i32
          %add3A_910 = arith.addi %mul3A_908, %add3A_909 : i32
          %mul3A_911 = arith.constant 512 : i32
          %mul3A_912 = arith.muli %add3A_910, %mul3A_911 : i32
          %add3A_913 = arith.addi %mul3A_912, %add3A_316 : i32
          %mul3A_914 = arith.constant 16 : i32
          %mul3A_915 = arith.muli %mul3A_914, %add3A_913 : i32
          %dma_wait3A_916 = arith.constant 0 : i32
          %dma_wait3A_917 = arith.constant 0 : i32
          %dma_wait3A_918 = tpu.memref_slice %run_scoped3A_12[%rem3A_906, %dma_wait3A_916, %dma_wait3A_917] : memref<2x16x768xf32, #tpu.memory_space<vmem>> -> memref<1x16x768xf32, #tpu.memory_space<vmem>>
          %dma_wait3A_919 = tpu.memref_squeeze %dma_wait3A_918 : memref<1x16x768xf32, #tpu.memory_space<vmem>> -> memref<16x768xf32, #tpu.memory_space<vmem>>
          %dma_wait3A_920 = arith.constant 0 : i32
          %dma_wait3A_921 = tpu.memref_slice %arg4[%mul3A_915, %dma_wait3A_920] : memref<32768x768xf32, #tpu.memory_space<hbm>> -> memref<16x768xf32, #tpu.memory_space<hbm>>
          %dma_wait3A_922 = tpu.memref_slice %run_scoped3A_13[%rem3A_906] : memref<2x!tpu.dma_semaphore, #tpu.memory_space<semaphore_mem>> -> memref<1x!tpu.dma_semaphore, #tpu.memory_space<semaphore_mem>>
          %dma_wait3A_923 = tpu.memref_squeeze %dma_wait3A_922 : memref<1x!tpu.dma_semaphore, #tpu.memory_space<semaphore_mem>> -> memref<!tpu.dma_semaphore, #tpu.memory_space<semaphore_mem>>
          %dma_wait3A_924 = arith.constant 0 : i32
          %dma_wait3A_925 = tpu.memref_slice %arg4[%mul3A_915, %dma_wait3A_924] : memref<32768x768xf32, #tpu.memory_space<hbm>> -> memref<16x768xf32, #tpu.memory_space<hbm>>
          %dma_wait3A_926 = arith.constant 0 : i32
          %dma_wait3A_927 = arith.constant 0 : i32
          %dma_wait3A_928 = tpu.memref_slice %run_scoped3A_12[%rem3A_906, %dma_wait3A_926, %dma_wait3A_927] : memref<2x16x768xf32, #tpu.memory_space<vmem>> -> memref<1x16x768xf32, #tpu.memory_space<vmem>>
          %dma_wait3A_929 = tpu.memref_squeeze %dma_wait3A_928 : memref<1x16x768xf32, #tpu.memory_space<vmem>> -> memref<16x768xf32, #tpu.memory_space<vmem>>
          tpu.wait_dma2 semaphore(%dma_wait3A_923 : memref<!tpu.dma_semaphore, #tpu.memory_space<semaphore_mem>>) src(%dma_wait3A_929 : memref<16x768xf32, #tpu.memory_space<vmem>>) dst(%dma_wait3A_925 : memref<16x768xf32, #tpu.memory_space<hbm>>)
          "tpu.trace_stop"() : () -> ()
        } else {
        }
        %and3A_800 = arith.constant true
        %and3A_801 = arith.andi %and3A_796, %and3A_800 : i1
        %add3A_802 = arith.constant 1 : i32
        %add3A_803 = arith.addi %scan3A_289, %add3A_802 : i32
        %select_n3A_804 = arith.select %and3A_801, %add3A_803, %scan3A_289 : i32
        %mul3A_805 = arith.constant 2 : i32
        %mul3A_806 = arith.muli %add3A_300, %mul3A_805 : i32
        %add3A_807 = arith.constant 1 : i32
        %add3A_808 = arith.addi %mul3A_806, %add3A_807 : i32
        %mul3A_809 = arith.constant 512 : i32
        %mul3A_810 = arith.muli %add3A_808, %mul3A_809 : i32
        %add3A_811 = arith.addi %mul3A_810, %add3A_298 : i32
        %mul3A_812 = arith.constant 2 : i32
        %mul3A_813 = arith.muli %add3A_318, %mul3A_812 : i32
        %add3A_814 = arith.constant 1 : i32
        %add3A_815 = arith.addi %mul3A_813, %add3A_814 : i32
        %mul3A_816 = arith.constant 512 : i32
        %mul3A_817 = arith.muli %add3A_815, %mul3A_816 : i32
        %add3A_818 = arith.addi %mul3A_817, %add3A_316 : i32
        %ne3A_819 = arith.cmpi ne, %add3A_811, %add3A_818 : i32
        %or3A_820 = arith.constant false
        %or3A_821 = arith.ori %or3A_820, %ne3A_819 : i1
        %or3A_822 = arith.constant false
        %or3A_823 = arith.ori %or3A_821, %or3A_822 : i1
        %not3A_824 = arith.constant true
        %not3A_825 = arith.xori %eq3A_295, %not3A_824 : i1
        %and3A_826 = arith.andi %or3A_823, %not3A_825 : i1
        %convert_element_type3A_827 = arith.extui %and3A_826 : i1 to i32
        %cond3A_828 = arith.constant 0 : i32
        %cond3A_829 = arith.cmpi ne, %convert_element_type3A_827, %cond3A_828 : i32
        scf.if %cond3A_829 {
          "tpu.trace_start"() <{level = 10 : i32, message = "ep_wait_out"}> : () -> ()
          %rem3A_905 = arith.constant 2 : i32
          %rem3A_906 = arith.remui %scan3A_291, %rem3A_905 : i32
          %mul3A_907 = arith.constant 2 : i32
          %mul3A_908 = arith.muli %add3A_318, %mul3A_907 : i32
          %add3A_909 = arith.constant 1 : i32
          %add3A_910 = arith.addi %mul3A_908, %add3A_909 : i32
          %mul3A_911 = arith.constant 512 : i32
          %mul3A_912 = arith.muli %add3A_910, %mul3A_911 : i32
          %add3A_913 = arith.addi %mul3A_912, %add3A_316 : i32
          %mul3A_914 = arith.constant 16 : i32
          %mul3A_915 = arith.muli %mul3A_914, %add3A_913 : i32
          %dma_wait3A_916 = arith.constant 0 : i32
          %dma_wait3A_917 = arith.constant 0 : i32
          %dma_wait3A_918 = tpu.memref_slice %run_scoped3A_14[%rem3A_906, %dma_wait3A_916, %dma_wait3A_917] : memref<2x16x768xf32, #tpu.memory_space<vmem>> -> memref<1x16x768xf32, #tpu.memory_space<vmem>>
          %dma_wait3A_919 = tpu.memref_squeeze %dma_wait3A_918 : memref<1x16x768xf32, #tpu.memory_space<vmem>> -> memref<16x768xf32, #tpu.memory_space<vmem>>
          %dma_wait3A_920 = arith.constant 0 : i32
          %dma_wait3A_921 = tpu.memref_slice %arg4[%mul3A_915, %dma_wait3A_920] : memref<32768x768xf32, #tpu.memory_space<hbm>> -> memref<16x768xf32, #tpu.memory_space<hbm>>
          %dma_wait3A_922 = tpu.memref_slice %run_scoped3A_15[%rem3A_906] : memref<2x!tpu.dma_semaphore, #tpu.memory_space<semaphore_mem>> -> memref<1x!tpu.dma_semaphore, #tpu.memory_space<semaphore_mem>>
          %dma_wait3A_923 = tpu.memref_squeeze %dma_wait3A_922 : memref<1x!tpu.dma_semaphore, #tpu.memory_space<semaphore_mem>> -> memref<!tpu.dma_semaphore, #tpu.memory_space<semaphore_mem>>
          %dma_wait3A_924 = arith.constant 0 : i32
          %dma_wait3A_925 = tpu.memref_slice %arg4[%mul3A_915, %dma_wait3A_924] : memref<32768x768xf32, #tpu.memory_space<hbm>> -> memref<16x768xf32, #tpu.memory_space<hbm>>
          %dma_wait3A_926 = arith.constant 0 : i32
          %dma_wait3A_927 = arith.constant 0 : i32
          %dma_wait3A_928 = tpu.memref_slice %run_scoped3A_14[%rem3A_906, %dma_wait3A_926, %dma_wait3A_927] : memref<2x16x768xf32, #tpu.memory_space<vmem>> -> memref<1x16x768xf32, #tpu.memory_space<vmem>>
          %dma_wait3A_929 = tpu.memref_squeeze %dma_wait3A_928 : memref<1x16x768xf32, #tpu.memory_space<vmem>> -> memref<16x768xf32, #tpu.memory_space<vmem>>
          tpu.wait_dma2 semaphore(%dma_wait3A_923 : memref<!tpu.dma_semaphore, #tpu.memory_space<semaphore_mem>>) src(%dma_wait3A_929 : memref<16x768xf32, #tpu.memory_space<vmem>>) dst(%dma_wait3A_925 : memref<16x768xf32, #tpu.memory_space<hbm>>)
          "tpu.trace_stop"() : () -> ()
        } else {
        }
        %and3A_830 = arith.constant true
        %and3A_831 = arith.andi %and3A_826, %and3A_830 : i1
        %add3A_832 = arith.constant 1 : i32
        %add3A_833 = arith.addi %scan3A_291, %add3A_832 : i32
        %select_n3A_834 = arith.select %and3A_831, %add3A_833, %scan3A_291 : i32
        %mul3A_835 = arith.constant 2 : i32
        %mul3A_836 = arith.muli %add3A_300, %mul3A_835 : i32
        %add3A_837 = arith.constant 0 : i32
        %add3A_838 = arith.addi %mul3A_836, %add3A_837 : i32
        %mul3A_839 = arith.constant 512 : i32
        %mul3A_840 = arith.muli %add3A_838, %mul3A_839 : i32
        %add3A_841 = arith.addi %mul3A_840, %add3A_298 : i32
        %mul3A_842 = arith.constant 2 : i32
        %mul3A_843 = arith.muli %add3A_336, %mul3A_842 : i32
        %add3A_844 = arith.constant 0 : i32
        %add3A_845 = arith.addi %mul3A_843, %add3A_844 : i32
        %mul3A_846 = arith.constant 512 : i32
        %mul3A_847 = arith.muli %add3A_845, %mul3A_846 : i32
        %add3A_848 = arith.addi %mul3A_847, %add3A_334 : i32
        %ne3A_849 = arith.cmpi ne, %add3A_841, %add3A_848 : i32
        %or3A_850 = arith.constant false
        %or3A_851 = arith.ori %or3A_850, %ne3A_849 : i1
        %or3A_852 = arith.constant false
        %or3A_853 = arith.ori %or3A_851, %or3A_852 : i1
        %or3A_854 = arith.ori %or3A_853, %eq3A_297 : i1
        %add3A_855 = arith.constant 1 : i32
        %add3A_856 = arith.addi %scan3A_283, %add3A_855 : i32
        %select_n3A_857 = arith.select %or3A_854, %add3A_856, %scan3A_283 : i32
        %mul3A_858 = arith.constant 2 : i32
        %mul3A_859 = arith.muli %add3A_300, %mul3A_858 : i32
        %add3A_860 = arith.constant 1 : i32
        %add3A_861 = arith.addi %mul3A_859, %add3A_860 : i32
        %mul3A_862 = arith.constant 512 : i32
        %mul3A_863 = arith.muli %add3A_861, %mul3A_862 : i32
        %add3A_864 = arith.addi %mul3A_863, %add3A_298 : i32
        %mul3A_865 = arith.constant 2 : i32
        %mul3A_866 = arith.muli %add3A_336, %mul3A_865 : i32
        %add3A_867 = arith.constant 1 : i32
        %add3A_868 = arith.addi %mul3A_866, %add3A_867 : i32
        %mul3A_869 = arith.constant 512 : i32
        %mul3A_870 = arith.muli %add3A_868, %mul3A_869 : i32
        %add3A_871 = arith.addi %mul3A_870, %add3A_334 : i32
        %ne3A_872 = arith.cmpi ne, %add3A_864, %add3A_871 : i32
        %or3A_873 = arith.constant false
        %or3A_874 = arith.ori %or3A_873, %ne3A_872 : i1
        %or3A_875 = arith.constant false
        %or3A_876 = arith.ori %or3A_874, %or3A_875 : i1
        %or3A_877 = arith.ori %or3A_876, %eq3A_297 : i1
        %add3A_878 = arith.constant 1 : i32
        %add3A_879 = arith.addi %scan3A_285, %add3A_878 : i32
        %select_n3A_880 = arith.select %or3A_877, %add3A_879, %scan3A_285 : i32
        %ne3A_881 = arith.cmpi ne, %add3A_298, %add3A_334 : i32
        %or3A_882 = arith.constant false
        %or3A_883 = arith.ori %or3A_882, %ne3A_881 : i1
        %or3A_884 = arith.constant false
        %or3A_885 = arith.ori %or3A_883, %or3A_884 : i1
        %or3A_886 = arith.ori %or3A_885, %eq3A_297 : i1
        %add3A_887 = arith.constant 1 : i32
        %add3A_888 = arith.addi %scan3A_287, %add3A_887 : i32
        %select_n3A_889 = arith.select %or3A_886, %add3A_888, %scan3A_287 : i32
        %add3A_890 = arith.constant 1 : i32
        %add3A_891 = arith.addi %scan3A_293, %add3A_890 : i32
        %select_n3A_892 = arith.constant true
        %select_n3A_893 = arith.select %select_n3A_892, %add3A_891, %scan3A_293 : i32
        %eq3A_894 = arith.constant 2 : i32
        %eq3A_895 = arith.cmpi eq, %select_n3A_893, %eq3A_894 : i32
        %select_n3A_896 = arith.constant 0 : i32
        %select_n3A_897 = arith.select %eq3A_895, %select_n3A_896, %select_n3A_893 : i32
        %add3A_898 = arith.constant 1 : i32
        %add3A_899 = arith.addi %scan3A_292, %add3A_898 : i32
        %select_n3A_900 = arith.select %eq3A_895, %add3A_899, %scan3A_292 : i32
        %eq3A_901 = arith.constant 16 : i32
        %eq3A_902 = arith.cmpi eq, %select_n3A_900, %eq3A_901 : i32
        %select_n3A_903 = arith.constant 0 : i32
        %select_n3A_904 = arith.select %eq3A_902, %select_n3A_903, %select_n3A_900 : i32
        scf.yield %select_n3A_379, %select_n3A_857, %select_n3A_411, %select_n3A_880, %select_n3A_429, %select_n3A_889, %select_n3A_679, %select_n3A_804, %select_n3A_707, %select_n3A_834, %select_n3A_904, %select_n3A_897 : i32, i32, i32, i32, i32, i32, i32, i32, i32, i32, i32, i32
      }
      %scan3A_160 = arith.constant 32 : i32
      %sub3A = arith.constant 1 : i32
      %sub3A_161 = arith.subi %scan3A_159#11, %sub3A : i32
      %select_n3A_162 = arith.constant true
      %select_n3A_163 = arith.select %select_n3A_162, %sub3A_161, %scan3A_159#11 : i32
      %eq3A_164 = arith.constant -1 : i32
      %eq3A_165 = arith.cmpi eq, %select_n3A_163, %eq3A_164 : i32
      %select_n3A_166 = arith.constant 1 : i32
      %select_n3A_167 = arith.select %eq3A_165, %select_n3A_166, %select_n3A_163 : i32
      %sub3A_168 = arith.constant 1 : i32
      %sub3A_169 = arith.subi %scan3A_159#10, %sub3A_168 : i32
      %select_n3A_170 = arith.select %eq3A_165, %sub3A_169, %scan3A_159#10 : i32
      %eq3A_171 = arith.constant -1 : i32
      %eq3A_172 = arith.cmpi eq, %select_n3A_170, %eq3A_171 : i32
      %select_n3A_173 = arith.constant 15 : i32
      %select_n3A_174 = arith.select %eq3A_172, %select_n3A_173, %select_n3A_170 : i32
      %add3A_175 = arith.addi %select_n3A_174, %mul3A_6 : i32
      %add3A_176 = arith.constant 0 : i32
      %add3A_177 = arith.addi %select_n3A_167, %add3A_176 : i32
      %sub3A_178 = arith.constant 1 : i32
      %sub3A_179 = arith.subi %select_n3A_167, %sub3A_178 : i32
      %select_n3A_180 = arith.constant true
      %select_n3A_181 = arith.select %select_n3A_180, %sub3A_179, %select_n3A_167 : i32
      %eq3A_182 = arith.constant -1 : i32
      %eq3A_183 = arith.cmpi eq, %select_n3A_181, %eq3A_182 : i32
      %select_n3A_184 = arith.constant 1 : i32
      %select_n3A_185 = arith.select %eq3A_183, %select_n3A_184, %select_n3A_181 : i32
      %sub3A_186 = arith.constant 1 : i32
      %sub3A_187 = arith.subi %select_n3A_174, %sub3A_186 : i32
      %select_n3A_188 = arith.select %eq3A_183, %sub3A_187, %select_n3A_174 : i32
      %eq3A_189 = arith.constant -1 : i32
      %eq3A_190 = arith.cmpi eq, %select_n3A_188, %eq3A_189 : i32
      %select_n3A_191 = arith.constant 15 : i32
      %select_n3A_192 = arith.select %eq3A_190, %select_n3A_191, %select_n3A_188 : i32
      %add3A_193 = arith.addi %select_n3A_192, %mul3A_6 : i32
      %add3A_194 = arith.constant 0 : i32
      %add3A_195 = arith.addi %select_n3A_185, %add3A_194 : i32
      %add3A_196 = arith.constant 1 : i32
      %add3A_197 = arith.addi %select_n3A_167, %add3A_196 : i32
      %select_n3A_198 = arith.constant true
      %select_n3A_199 = arith.select %select_n3A_198, %add3A_197, %select_n3A_167 : i32
      %eq3A_200 = arith.constant 2 : i32
      %eq3A_201 = arith.cmpi eq, %select_n3A_199, %eq3A_200 : i32
      %select_n3A_202 = arith.constant 0 : i32
      %select_n3A_203 = arith.select %eq3A_201, %select_n3A_202, %select_n3A_199 : i32
      %add3A_204 = arith.constant 1 : i32
      %add3A_205 = arith.addi %select_n3A_174, %add3A_204 : i32
      %select_n3A_206 = arith.select %eq3A_201, %add3A_205, %select_n3A_174 : i32
      %eq3A_207 = arith.constant 16 : i32
      %eq3A_208 = arith.cmpi eq, %select_n3A_206, %eq3A_207 : i32
      %select_n3A_209 = arith.constant 0 : i32
      %select_n3A_210 = arith.select %eq3A_208, %select_n3A_209, %select_n3A_206 : i32
      %add3A_211 = arith.addi %select_n3A_210, %mul3A_6 : i32
      %add3A_212 = arith.constant 0 : i32
      %add3A_213 = arith.addi %select_n3A_203, %add3A_212 : i32
      %add3A_214 = arith.constant 1 : i32
      %add3A_215 = arith.addi %select_n3A_203, %add3A_214 : i32
      %select_n3A_216 = arith.constant true
      %select_n3A_217 = arith.select %select_n3A_216, %add3A_215, %select_n3A_203 : i32
      %eq3A_218 = arith.constant 2 : i32
      %eq3A_219 = arith.cmpi eq, %select_n3A_217, %eq3A_218 : i32
      %select_n3A_220 = arith.constant 0 : i32
      %select_n3A_221 = arith.select %eq3A_219, %select_n3A_220, %select_n3A_217 : i32
      %add3A_222 = arith.constant 1 : i32
      %add3A_223 = arith.addi %select_n3A_210, %add3A_222 : i32
      %select_n3A_224 = arith.select %eq3A_219, %add3A_223, %select_n3A_210 : i32
      %eq3A_225 = arith.constant 16 : i32
      %eq3A_226 = arith.cmpi eq, %select_n3A_224, %eq3A_225 : i32
      %select_n3A_227 = arith.constant 0 : i32
      %select_n3A_228 = arith.select %eq3A_226, %select_n3A_227, %select_n3A_224 : i32
      %add3A_229 = arith.addi %select_n3A_228, %mul3A_6 : i32
      %add3A_230 = arith.constant 0 : i32
      %add3A_231 = arith.addi %select_n3A_221, %add3A_230 : i32
      "tpu.trace_start"() <{level = 10 : i32, message = "ep_finalize"}> : () -> ()
      %rem3A_232 = arith.constant 2 : i32
      %rem3A_233 = arith.remui %scan3A_159#7, %rem3A_232 : i32
      %mul3A_234 = arith.constant 2 : i32
      %mul3A_235 = arith.muli %add3A_177, %mul3A_234 : i32
      %add3A_236 = arith.constant 0 : i32
      %add3A_237 = arith.addi %mul3A_235, %add3A_236 : i32
      %mul3A_238 = arith.constant 512 : i32
      %mul3A_239 = arith.muli %add3A_237, %mul3A_238 : i32
      %add3A_240 = arith.addi %mul3A_239, %add3A_175 : i32
      %mul3A_241 = arith.constant 16 : i32
      %mul3A_242 = arith.muli %mul3A_241, %add3A_240 : i32
      %dma_wait3A = arith.constant 0 : i32
      %dma_wait3A_243 = arith.constant 0 : i32
      %dma_wait3A_244 = tpu.memref_slice %run_scoped3A_12[%rem3A_233, %dma_wait3A, %dma_wait3A_243] : memref<2x16x768xf32, #tpu.memory_space<vmem>> -> memref<1x16x768xf32, #tpu.memory_space<vmem>>
      %dma_wait3A_245 = tpu.memref_squeeze %dma_wait3A_244 : memref<1x16x768xf32, #tpu.memory_space<vmem>> -> memref<16x768xf32, #tpu.memory_space<vmem>>
      %dma_wait3A_246 = arith.constant 0 : i32
      %dma_wait3A_247 = tpu.memref_slice %arg4[%mul3A_242, %dma_wait3A_246] : memref<32768x768xf32, #tpu.memory_space<hbm>> -> memref<16x768xf32, #tpu.memory_space<hbm>>
      %dma_wait3A_248 = tpu.memref_slice %run_scoped3A_13[%rem3A_233] : memref<2x!tpu.dma_semaphore, #tpu.memory_space<semaphore_mem>> -> memref<1x!tpu.dma_semaphore, #tpu.memory_space<semaphore_mem>>
      %dma_wait3A_249 = tpu.memref_squeeze %dma_wait3A_248 : memref<1x!tpu.dma_semaphore, #tpu.memory_space<semaphore_mem>> -> memref<!tpu.dma_semaphore, #tpu.memory_space<semaphore_mem>>
      %dma_wait3A_250 = arith.constant 0 : i32
      %dma_wait3A_251 = tpu.memref_slice %arg4[%mul3A_242, %dma_wait3A_250] : memref<32768x768xf32, #tpu.memory_space<hbm>> -> memref<16x768xf32, #tpu.memory_space<hbm>>
      %dma_wait3A_252 = arith.constant 0 : i32
      %dma_wait3A_253 = arith.constant 0 : i32
      %dma_wait3A_254 = tpu.memref_slice %run_scoped3A_12[%rem3A_233, %dma_wait3A_252, %dma_wait3A_253] : memref<2x16x768xf32, #tpu.memory_space<vmem>> -> memref<1x16x768xf32, #tpu.memory_space<vmem>>
      %dma_wait3A_255 = tpu.memref_squeeze %dma_wait3A_254 : memref<1x16x768xf32, #tpu.memory_space<vmem>> -> memref<16x768xf32, #tpu.memory_space<vmem>>
      tpu.wait_dma2 semaphore(%dma_wait3A_249 : memref<!tpu.dma_semaphore, #tpu.memory_space<semaphore_mem>>) src(%dma_wait3A_255 : memref<16x768xf32, #tpu.memory_space<vmem>>) dst(%dma_wait3A_251 : memref<16x768xf32, #tpu.memory_space<hbm>>)
      %rem3A_256 = arith.constant 2 : i32
      %rem3A_257 = arith.remui %scan3A_159#9, %rem3A_256 : i32
      %mul3A_258 = arith.constant 2 : i32
      %mul3A_259 = arith.muli %add3A_177, %mul3A_258 : i32
      %add3A_260 = arith.constant 1 : i32
      %add3A_261 = arith.addi %mul3A_259, %add3A_260 : i32
      %mul3A_262 = arith.constant 512 : i32
      %mul3A_263 = arith.muli %add3A_261, %mul3A_262 : i32
      %add3A_264 = arith.addi %mul3A_263, %add3A_175 : i32
      %mul3A_265 = arith.constant 16 : i32
      %mul3A_266 = arith.muli %mul3A_265, %add3A_264 : i32
      %dma_wait3A_267 = arith.constant 0 : i32
      %dma_wait3A_268 = arith.constant 0 : i32
      %dma_wait3A_269 = tpu.memref_slice %run_scoped3A_14[%rem3A_257, %dma_wait3A_267, %dma_wait3A_268] : memref<2x16x768xf32, #tpu.memory_space<vmem>> -> memref<1x16x768xf32, #tpu.memory_space<vmem>>
      %dma_wait3A_270 = tpu.memref_squeeze %dma_wait3A_269 : memref<1x16x768xf32, #tpu.memory_space<vmem>> -> memref<16x768xf32, #tpu.memory_space<vmem>>
      %dma_wait3A_271 = arith.constant 0 : i32
      %dma_wait3A_272 = tpu.memref_slice %arg4[%mul3A_266, %dma_wait3A_271] : memref<32768x768xf32, #tpu.memory_space<hbm>> -> memref<16x768xf32, #tpu.memory_space<hbm>>
      %dma_wait3A_273 = tpu.memref_slice %run_scoped3A_15[%rem3A_257] : memref<2x!tpu.dma_semaphore, #tpu.memory_space<semaphore_mem>> -> memref<1x!tpu.dma_semaphore, #tpu.memory_space<semaphore_mem>>
      %dma_wait3A_274 = tpu.memref_squeeze %dma_wait3A_273 : memref<1x!tpu.dma_semaphore, #tpu.memory_space<semaphore_mem>> -> memref<!tpu.dma_semaphore, #tpu.memory_space<semaphore_mem>>
      %dma_wait3A_275 = arith.constant 0 : i32
      %dma_wait3A_276 = tpu.memref_slice %arg4[%mul3A_266, %dma_wait3A_275] : memref<32768x768xf32, #tpu.memory_space<hbm>> -> memref<16x768xf32, #tpu.memory_space<hbm>>
      %dma_wait3A_277 = arith.constant 0 : i32
      %dma_wait3A_278 = arith.constant 0 : i32
      %dma_wait3A_279 = tpu.memref_slice %run_scoped3A_14[%rem3A_257, %dma_wait3A_277, %dma_wait3A_278] : memref<2x16x768xf32, #tpu.memory_space<vmem>> -> memref<1x16x768xf32, #tpu.memory_space<vmem>>
      %dma_wait3A_280 = tpu.memref_squeeze %dma_wait3A_279 : memref<1x16x768xf32, #tpu.memory_space<vmem>> -> memref<16x768xf32, #tpu.memory_space<vmem>>
      tpu.wait_dma2 semaphore(%dma_wait3A_274 : memref<!tpu.dma_semaphore, #tpu.memory_space<semaphore_mem>>) src(%dma_wait3A_280 : memref<16x768xf32, #tpu.memory_space<vmem>>) dst(%dma_wait3A_276 : memref<16x768xf32, #tpu.memory_space<hbm>>)
      "tpu.trace_stop"() : () -> ()
      tpu.yield
    }) : () -> ()
    return
  }
}

</mosaic_0001>

<sc_bundles>
// kernel: kernel.3.cloned.1.call-start
scs
__scs_entry_jumppad:
0x0: {  	(pc) =	sbr.rel $0x88, $3  }
0x1: {  	(tag) =	ssettag $0x0;
	lr =	simm.s32 $0x1  }
0x2: {  	[smem:$0x3F9F] =	sst lr;
	_ =	strace $0xD0000000  }
0x3: {  	_ = 	snop  }
0x4: {  	_ = 	snop  }
0x5: {  	_ = 	snop  }
0x6: {  	_ = 	snop  }
0x7: {  	_ = 	snop  }
__scs_overlays_trampoline_lowered:
0x8: {  	[smem:$0x3FAE] =	sst s0  }
0x9: {  	[smem:$0x3FAF] =	sst s1  }
0xa: {  	[smem:$0x3FB0] =	sst s2  }
0xb: {  	[smem:$0x3FB1] =	sst s3  }
0xc: {  	[smem:$0x3FB2] =	sst s4  }
0xd: {  	[smem:$0x3FB3] =	sst s5  }
0xe: {  	[smem:$0x3FB4] =	sst s6  }
0xf: {  	[smem:$0x3FB5] =	sst s7  }
0x10: {  	[smem:$0x3FB6] =	sst s8  }
0x11: {  	[smem:$0x3FB7] =	sst s9;
	s0 =	simm.s32 @!p0 $0x0  }
0x12: {  	s1 =	sld [smem:$0x3F9D];
	s0 =	simm.s32 @p0 $0x1  }
0x13: {  	[smem:$0x3FB8] =	sst s0;
	s0 =	simm.s32 @!p1 $0x0  }
0x14: {  	s2 =	sld [smem:$0x3F9C];
	s0 =	simm.s32 @p1 $0x1  }
0x15: {  	[smem:$0x3FB9] =	sst s0;
	s0 =	simm.s32 @!p2 $0x0  }
0x16: {  	s3 =	sld [smem:$0x3FDB];
	s0 =	simm.s32 @p2 $0x1  }
0x17: {  	s4 =	simm.s32 $0x1BF5;
	[smem:$0x3FBB] =	sst s0  }
0x18: {  	s0 =	sld [smem:$0x3F9E];
	_ =	swait.ge [sflag:s4], $0x0  }
0x19: {  	s7 =	sld [smem:$0x3F9F]  }
0x1a: {  	s8 =	sadd.s32 $0xFFFFE003, lr  }
0x1b: {  	s9 =	sadd.s32 $0xFFFFFEF7, lr;
	s5 =	simm.s32 $0xFFFFFFFF;
	p2 =	slt.u32 s8, $0xFFFFF086  }
0x1c: {  	p1 =	slt.u32 s9, $0xF7A;
	s5 =	simm.s32 @!p2 $0x0  }
0x1d: {  	s5 =	simm.s32 @p1 $0x1;
	p0 =	seq.s32 s7, s2  }
0x1e: {  	s7 =	smul.u32 @!p0 $0xF7A, s2;
	p2 =	seq.s32 @!p0 s5, $0x0  }
0x1f: {  	s9 =	smul.u32 $0xF7A, s1;
	s8 =	simm.s32 @!p0 $0x1BF5;
	p2 =	por !p2, p0  }
0x20: {  	[sflag:s8] =	ssyncset.s32 @!p0 $0xFFFFF086;
	s6 =	sadd.s32 @!p0 s3, s7;
	s7 =	simm.s32 @!p0 $0x108  }
0x21: {  	s3 =	sadd.s32 s3, s9;
	s6 =	sadd.s32 @!p0 $0x88, s6;
	s7 =	simm.s32 @p2 $0x1082  }
0x22: {  	[simem:s7], [sflag:s8] =	dma.local @!p0 [hbm:s6], $0xF7A  }
0x23: {  	s9 =	sor.u32 $0xD0000000, s2;
	s6 =	simm.s32 $0x108;
	_ =	swait.ge @!p0 [sflag:s8], $0x0  }
0x24: {  	s3 =	sadd.s32 $0x88, s3;
	s6 =	simm.s32 @!p1 $0x1082;
	[sflag:s4] =	ssyncset.s32 $0xFFFFF086  }
0x25: {  	[simem:s6], [sflag:s4] =	dma.local [hbm:s3], $0xF7A  }
0x26: {  	[smem:$0x3F9F] =	sst s1;
	(tag) =	ssettag s2;
	_ =	strace s9  }
0x27: {  	s1 =	sld [smem:$0x3FAF]  }
0x28: {  	s2 =	sld [smem:$0x3FB0]  }
0x29: {  	s4 =	sld [smem:$0x3FB2]  }
0x2a: {  	p0 =	seq.s32 s5, $0x0;
	s5 =	sld [smem:$0x3FB3]  }
0x2b: {  	s6 =	sld [smem:$0x3FB4]  }
0x2c: {  	s7 =	sld [smem:$0x3FB5]  }
0x2d: {  	s3 =	simm.s32 $0x108;
	s8 =	sld [smem:$0x3FB6]  }
0x2e: {  	s3 =	simm.s32 @!p0 $0x1082;
	s9 =	sld [smem:$0x3FB7]  }
0x2f: {  	lr =	sadd.s32 s0, s3;
	s0 =	sld [smem:$0x3FAE]  }
0x30: {  	s3 =	sld [smem:$0x3FB1]  }
0x31: {  	[smem:$0x3FBA] =	sst s10  }
0x32: {  	s10 =	sld [smem:$0x3FB8];
	_ =	sdelay $0x3  }
0x33: {  	p0 =	seq.s32 s10, $0x1;
	s10 =	sld [smem:$0x3FBA];
	_ =	sdelay $0x3  }
0x34: {  	[smem:$0x3FBA] =	sst s10  }
0x35: {  	s10 =	sld [smem:$0x3FB9];
	_ =	sdelay $0x3  }
0x36: {  	p1 =	seq.s32 s10, $0x1;
	s10 =	sld [smem:$0x3FBA];
	_ =	sdelay $0x3  }
0x37: {  	[smem:$0x3FBA] =	sst s10  }
0x38: {  	s10 =	sld [smem:$0x3FBB]  }
0x39: {  	_ = 	snop;
	(pc) =	sbr.ind lr, $3  }
0x3a: {  	_ = 	snop  }
0x3b: {  	_ = 	snop  }
0x3c: {  	p2 =	seq.s32 s10, $0x1;
	s10 =	sld [smem:$0x3FBA]  }
0x3d: {  	_ =	shalt  }
0x3e: {  	_ =	shalt  }
0x3f: {  	_ =	shalt  }
0x40: {  	_ =	shalt  }
0x41: {  	_ =	shalt  }
0x42: {  	_ =	shalt  }
0x43: {  	_ =	shalt  }
0x44: {  	_ =	shalt  }
0x45: {  	_ =	shalt  }
0x46: {  	_ =	shalt  }
0x47: {  	_ =	shalt  }
0x48: {  	_ =	shalt  }
0x49: {  	_ =	shalt  }
0x4a: {  	_ =	shalt  }
0x4b: {  	_ =	shalt  }
0x4c: {  	_ =	shalt  }
0x4d: {  	_ =	shalt  }
0x4e: {  	_ =	shalt  }
0x4f: {  	_ =	shalt  }
0x50: {  	_ =	shalt  }
0x51: {  	_ =	shalt  }
0x52: {  	_ =	shalt  }
0x53: {  	_ =	shalt  }
0x54: {  	_ =	shalt  }
0x55: {  	_ =	shalt  }
0x56: {  	_ =	shalt  }
0x57: {  	_ =	shalt  }
0x58: {  	_ =	shalt  }
0x59: {  	_ =	shalt  }
0x5a: {  	_ =	shalt  }
0x5b: {  	_ =	shalt  }
0x5c: {  	_ =	shalt  }
0x5d: {  	_ =	shalt  }
0x5e: {  	_ =	shalt  }
0x5f: {  	_ =	shalt  }
0x60: {  	_ =	shalt  }
0x61: {  	_ =	shalt  }
0x62: {  	_ =	shalt  }
0x63: {  	_ =	shalt  }
0x64: {  	_ =	shalt  }
0x65: {  	_ =	shalt  }
0x66: {  	_ =	shalt  }
0x67: {  	_ =	shalt  }
0x68: {  	_ =	shalt  }
0x69: {  	_ =	shalt  }
0x6a: {  	_ =	shalt  }
0x6b: {  	_ =	shalt  }
0x6c: {  	_ =	shalt  }
0x6d: {  	_ =	shalt  }
0x6e: {  	_ =	shalt  }
0x6f: {  	_ =	shalt  }
0x70: {  	_ =	shalt  }
0x71: {  	_ =	shalt  }
0x72: {  	_ =	shalt  }
0x73: {  	_ =	shalt  }
0x74: {  	_ =	shalt  }
0x75: {  	_ =	shalt  }
0x76: {  	_ =	shalt  }
0x77: {  	_ =	shalt  }
0x78: {  	_ =	shalt  }
0x79: {  	_ =	shalt  }
0x7a: {  	_ =	shalt  }
0x7b: {  	_ =	shalt  }
0x7c: {  	_ =	shalt  }
0x7d: {  	_ =	shalt  }
0x7e: {  	_ =	shalt  }
0x7f: {  	_ =	shalt  }
0x80: {  	_ =	shalt  }
0x81: {  	_ =	shalt  }
0x82: {  	_ =	shalt  }
0x83: {  	_ =	shalt  }
0x84: {  	_ =	shalt  }
0x85: {  	_ =	shalt  }
0x86: {  	_ =	shalt  }
0x87: {  	_ =	shalt  }
.Lfunc_end0:
.L_simem_size_0:
called_computation_lowered:
.L_overlay_start_0:
0x88: {  	s2 =	sld [smem:$0x3FD9]  }
0x89: {  	s3 =	sld [smem:$0x3FFE];
	_ =	sdelay $0x1  }
0x8a: {  	s1 =	srdreg.scid  }
0x8b: {  	s0 =	sand.u32 $0x1, s1  }
0x8c: {  	s18 =	sshll.u32 s0, $0xA;
	s2 =	sadd.s32 s3, s2  }
0x8d: {  	s2 =	sadd.s32 s2, s18  }
0x8e: {  	[smem:$0x3FC6] =	sst s2  }
0x8f: {  	_ = 	snop  }
0x90: {  	s2 =	sld [smem:$0x3FC9]  }
0x91: {  	s19 =	sld [smem:$0x3FC8]  }
0x92: {  	s4 =	sld [smem:$0x3FD0];
	(tm) =	ssettm $0x1  }
0x93: {  	s5 =	sld [smem:$0x3FFB];
	_ =	sdelay $0x3  }
0x94: {  	_ =	strace s5  }
0x95: {  	s5 =	sld [smem:$0x3FFC];
	_ =	sdelay $0x3  }
0x96: {  	_ =	strace s5  }
0x97: {  	s5 =	sld [smem:$0x3FFD];
	_ =	sdelay $0x3  }
0x98: {  	_ =	strace s5  }
0x99: {  	_ =	strace $0x8FFFFFFF  }
0x9a: {  	s20 =	sld [smem:$0x3FDB];
	_ =	sdelay $0x1  }
0x9b: {  	s6 =	simm.s32 $_scs_section_size  }
0x9c: {  	s7 =	simm.s32 $_size__tile_overlayer_lowered;
	s8 =	simm.s32 $_tile_overlayer_lowered  }
0x9d: {  	s23 =	simm.s32 $0x1BFF;
	s22 =	sshll.u32 s8, $0x1;
	s5 =	sadd.s32 s6, s20  }
0x9e: {  	s9 =	simm.s32 $0x0;
	s21 =	sshll.u32 s7, $0x1;
	s7 =	sadd.s32 s22, s5  }
0x9f: {  	[timem:s9], [sflag:s23] =	dma.local [hbm:s7], s21  }
0xa0: {  	_ =	swait.ge [sflag:s23], s21  }
0xa1: {  	s6 =	ssub.s32 $0x0, s21;
	[sflag:s23] =	ssyncset.done $0x0  }
0xa2: {  	[sflag:s23] =	ssyncadd.s32 s6;
	_ =	sdelay $0x1  }
0xa3: {  	s24 =	simm.s32 $0x1B8B  }
0xa4: {  	_ =	swait.ge [sflag:s24], $0x1  }
0xa5: {  	[sflag:s24] =	ssyncset.done $0x0  }
0xa6: {  	s25 =	simm.s32 $0x1B8E;
	[sflag:s24] =	ssyncadd.s32 $0xFFFFFFFF  }
0xa7: {  	s26 =	simm.s32 $execute0_lowered;
	[smem:$0x3FD2] =	sst s25  }
0xa8: {  	s6 =	sshll.u32 s26, $0x1;
	_ =	strace $0x80000046;
	[dreg:$0x1] =	wrdreg $0xFFFFFFFF  }
0xa9: {  	s28 =	simm.s32 $_size_execute0_lowered;
	s5 =	sadd.s32 s5, s6;
	[dreg:$0x0] =	wrdreg $0x0  }
0xaa: {  	s6 =	sshll.u32 s28, $0x1;
	[dreg:$0x2] =	wrdreg s5  }
0xab: {  	[dreg:$0x3] =	wrdreg s6  }
0xac: {  	[dreg:$0x4] =	wrdreg $0xC0  }
0xad: {  	_ =	task [dreg:s9], $0x5FFFF  }
0xae: {  	[dreg:$0x1] =	wrdreg $0xFFFFFFFF  }
0xaf: {  	[dreg:$0x0] =	wrdreg $0x60  }
0xb0: {  	[dreg:$0x2] =	wrdreg s2  }
0xb1: {  	[dreg:$0x3] =	wrdreg s19  }
0xb2: {  	[dreg:$0x4] =	wrdreg s4  }
0xb3: {  	[dreg:$0x5] =	wrdreg $0x9  }
0xb4: {  	_ =	task.clear_ibuf [dreg:s9], $0x6FFFF;
	_ =	strace $0x90000046  }
0xb5: {  	s29 =	simm.s32 $0x9;
	_ =	strace $0x80000055  }
0xb6: {  	_ =	swait.ge [sflag:s29], $0x1  }
0xb7: {  	[sflag:s29] =	ssyncadd.s32 $0xFFFFFFFF  }
0xb8: {  	_ =	strace $0x90000055  }
0xb9: {  	_ =	sfence  }
0xba: {  	s30 =	sld [smem:$0x0];
	_ =	sdelay $0x2  }
0xbb: {  	s31 =	sshll.u32 s1, $0xD;
	s1 =	sshrl.u32 s1, $0x2  }
0xbc: {  	s3 =	sand.u32 $0x4000, s31;
	s1 =	sadd.s32 s1, s30  }
0xbd: {  	s0 =	sor.u32 s3, s0;
	s1 =	sshll.u32 s1, $0x11  }
0xbe: {  	s0 =	sor.u32 s1, s0  }
0xbf: {  	s0 =	sadd.s32 $0x8F2B, s0  }
0xc0: {  	[sflag:s0] =	ssyncadd.remote.s32 $0x1  }
0xc1: {  	_ =	sfence.sel $0xFFFF  }
0xc2: {  	[dreg:$0x0] =	wrdreg $0xFFFFFFFF;
	(pc) =	sbr.abs _section_cstart, $3  }
0xc3: {  	[dreg:$0x1] =	wrdreg $0xFFFFFFFF  }
0xc4: {  	_ =	task.clear_ibuf [dreg:s9], $0x2FFFF;
	_ =	strace $0x9FFFFFFF  }
0xc5: {  	(tm) =	ssettm $0x7FFFFFFF  }
tec
execute0_lowered:
.L_overlay_start_1:
0x0: {  	(tag) =	ssettag $0x1  }
0x1: {  	s4 =	rddreg [dreg:$0x0];
	s0 =	srdreg.scid  }
0x2: {  	s5 =	rddreg [dreg:$0x1];
	s2 =	stileid.u32;
	s0 =	sand.u32 $0x1, s0  }
0x3: {  	s3 =	simm.s32 $0x0;
	s1 =	sshll.u32 s0, $0x4;
	s0 =	ssub.s32 $0x2, s0  }
0x4: {  	[smem:$0x7FF] =	sst s3;
	s1 =	sor.u32 s2, s1;
	s29 =	sshrl.u32 s0, $0x1  }
0x5: {  	s2 =	smul.u32 $0x6000, s1;
	s0 =	ssub.s32 s0, s29;
	s1 =	sshll.u32 s1, $0x4  }
0x6: {  	_ =	strace $0x80000047;
	[dreg:$0xf] =	wrdreg s1;
	s0 =	smax.u32 s0, $0x1  }
0x7: {  	s30 =	sadd.s32 s4, s2;
	[dreg:$0x13] =	wrdreg s0  }
0x8: {  	s31 =	sadd.s32 s5, s2;
	[dreg:$0x10] =	wrdreg s30  }
0x9: {  	s1 =	sadd.s32 $0xC0000, s30;
	[dreg:$0x12] =	wrdreg s31  }
0xa: {  	[dreg:$0x11] =	wrdreg s1;
	s1 =	simm.s32 $0x0  }
.LBB2_1:
0xb: {  	[dreg:$0x14] =	wrdreg s1  }
0xc: {  	s0 =	simm.s32 $0x0;
	s2 =	simm.s32 $0x6000;
	s29 =	simm.s32 $0xC000  }
0xd: {  	s1 =	simm.s32 $0x0;
	s12 =	simm.s32 $0x0;
	_ =	strace $0x80000048  }
0xe: {  	s3 =	simm.s32 $0x0;
	s13 =	simm.s32 $0x0;
	s25 =	rddreg [dreg:$0x10]  }
0xf: {  	[tilespmem:s0], [sflag:$0x1] =	stream.linear.gather [hbm4b:s25+s0], $0x3000, $0x200038;
	[tilespmem:$0x1E000] =	vst v63  }
0x10: {  	s14 =	simm.s32 $0x0;
	s4 =	simm.s32 $0x1;
	s26 =	rddreg [dreg:$0x11]  }
0x11: {  	[tilespmem:s2], [sflag:$0x3] =	stream.linear.gather [hbm4b:s26+s0], $0x3000, $0x200038;
	[tilespmem:$0x1E000] =	vst v63  }
0x12: {  	s15 =	simm.s32 $0x0;
	s30 =	simm.s32 $0x1;
	s28 =	rddreg [dreg:$0x12]  }
0x13: {  	[tilespmem:s29], [sflag:$0x5] =	stream.linear.gather [hbm4b:s28+s0], $0x3000, $0x200038;
	[tilespmem:$0x1E000] =	vst v63  }
0x14: {  	s16 =	simm.s32 $0x0;
	_ =	strace $0x90000048;
	[dreg:$0x1b] =	wrdreg s4  }
0x15: {  	s31 =	simm.s32 $0x1;
	s17 =	simm.s32 $0x0;
	[dreg:$0x1d] =	wrdreg s30  }
0x16: {  	s2 =	simm.s32 $0x0;
	s0 =	simm.s32 $0x0;
	[dreg:$0x1f] =	wrdreg s31  }
.LBB2_2:
0x17: {  	s5 =	sadd.s32 $0x1, s1  }
0x18: {  	s26 =	smov.u32 s1;
	s1 =	simm.s32 $0x1;
	p0 =	seq.s32 s5, $0x2  }
0x19: {  	s1 =	simm.s32 @!p0 $0x0  }
0x1a: {  	s11 =	rddreg [dreg:$0xf];
	s18 =	sadd.s32 s1, s0  }
0x1b: {  	[dreg:$0x17] =	wrdreg s3;
	s29 =	sadd.s32 s11, s0;
	p1 =	seq.s32 s18, $0x10  }
0x1c: {  	s4 =	sshll.u32 s26, $0xA;
	s5 =	simm.s32 @p0 $0x0;
	s18 =	simm.s32 @p1 $0x0  }
0x1d: {  	[dreg:$0x16] =	wrdreg s5;
	s5 =	sshll.u32 s5, $0xA;
	s3 =	sadd.s32 s11, s18  }
0x1e: {  	s19 =	sadd.s32 s29, s4;
	s5 =	sadd.s32 s5, s3  }
0x1f: {  	p4 =	sne.s32 s17, $0x1F;
	p1 =	sne.s32 s19, s5  }
0x20: {  	[dreg:$0x15] =	wrdreg s2;
	p5 =	por !p4, !p1  }
0x21: {  	s6 =	rddreg [dreg:$0x1f];
	p2 =	por !p5, !p5  }
0x22: {  	s1 =	sadd.s32 s4, s29;
	s6 =	sand.u32 @p2 $0x1, s6;
	s8 =	smul.u32 @p2 $0x600, s5  }
0x23: {  	p6 =	sne.s32 s1, s5;
	_ =	strace @p2 $0x80000049;
	s7 =	smul.u32 @p2 $0xC000, s6  }
0x24: {  	p0 =	por !p4, !p6;
	s9 =	simm.s32 @p2 $0x0;
	s10 =	rddreg [dreg:$0x0]  }
0x25: {  	s6 =	sadd.s32 @p2 $0x1, s6;
	s8 =	sadd.s32 @p2 s10, s8;
	s7 =	sshrl.u32 @p2 s7, $0x2  }
0x26: {  	[tilespmem:s7], [sflag:s6] =	stream.linear.gather @p2 [hbm4b:s8+s9], $0x3000, $0x200038;
	[tilespmem:$0x1E000] =	vst v63  }
0x27: {  	p3 =	por !p0, !p0;
	s6 =	rddreg [dreg:$0x1d]  }
0x28: {  	s6 =	sand.u32 @p3 $0x1, s6  }
0x29: {  	s2 =	simm.s32 $0x1;
	s7 =	smul.u32 @p3 $0xC000, s6  }
0x2a: {  	p0 =	sne.s32 s0, s18;
	s8 =	sadd.s32 $0x200, s5;
	_ =	strace @p2 $0x90000049  }
0x2b: {  	[smem:$0x7FB] =	sst s8;
	s5 =	sshrl.u32 @p3 s7, $0x2;
	s7 =	smul.u32 @p3 $0x600, s8  }
0x2c: {  	p4 =	por !p4, !p0;
	_ =	strace @p3 $0x8000004A;
	s6 =	sadd.s32 @p3 $0x3, s6  }
0x2d: {  	s8 =	simm.s32 @p3 $0x0;
	s5 =	sadd.s32 @p3 $0x6000, s5;
	s7 =	sadd.s32 @p3 s10, s7  }
0x2e: {  	[tilespmem:s5], [sflag:s6] =	stream.linear.gather @p3 [hbm4b:s7+s8], $0x3000, $0x200038;
	[tilespmem:$0x1E000] =	vst v63  }
0x2f: {  	p5 =	seq.s32 s26, $0x0;
	p4 =	por !p4, !p4;
	s5 =	rddreg [dreg:$0x1b]  }
0x30: {  	s2 =	simm.s32 @!p5 $0x0;
	[smem:$0x7FC] =	sst s18;
	s5 =	sand.u32 @p4 $0x1, s5  }
0x31: {  	s2 =	ssub.s32 s0, s2;
	_ =	strace @p3 $0x9000004A;
	s6 =	smul.u32 @p4 $0xC000, s5  }
0x32: {  	s3 =	smul.u32 @p4 $0x600, s3;
	p6 =	seq.s32 s2, $0xFFFFFFFF;
	_ =	strace @p4 $0x8000004B  }
0x33: {  	s5 =	sadd.s32 @p4 $0x5, s5;
	s7 =	rddreg [dreg:$0x1];
	s6 =	sshrl.u32 @p4 s6, $0x2  }
0x34: {  	s3 =	sadd.s32 @p4 s7, s3;
	s7 =	simm.s32 @p4 $0x0;
	s6 =	sor.u32 @p4 $0xC000, s6  }
0x35: {  	[tilespmem:s6], [sflag:s5] =	stream.linear.gather @p4 [hbm4b:s3+s7], $0x3000, $0x200038;
	[tilespmem:$0x1E000] =	vst v63  }
0x36: {  	s2 =	simm.s32 @p6 $0xF;
	s3 =	sadd.s32 $0xFFFFFC00, s4  }
0x37: {  	s20 =	sadd.s32 s11, s2;
	s3 =	simm.s32 @p5 $0x400  }
0x38: {  	p5 =	seq.s32 s17, $0x0;
	s5 =	sadd.s32 s3, s20  }
0x39: {  	[smem:$0x7FD] =	sst s19;
	p6 =	seq.s32 @!p5 s19, s5  }
0x3a: {  	s4 =	sand.u32 $0x1, s16;
	_ =	strace @p4 $0x9000004B;
	p6 =	por p5, !p6  }
0x3b: {  	_ =	strace @p6 $0x8000004C;
	s3 =	sadd.s32 @p6 $0x1, s4  }
0x3c: {  	_ =	swait.ge @p6 [sflag:s3], $0x3000  }
0x3d: {  	[sflag:s3] =	ssyncset.done @p6 $0x0  }
0x3e: {  	s1 =	sadd.s32 $0x200, s1;
	[sflag:s3] =	ssyncadd.s32 @p6 $0xFFFFD000;
	s3 =	sadd.s32 $0x200, s5  }
0x3f: {  	_ =	strace @p6 $0x9000004C;
	[smem:$0x7F9] =	sst s1;
	p6 =	seq.s32 @!p5 s1, s3  }
0x40: {  	[smem:$0x7FA] =	sst s3;
	s3 =	sand.u32 $0x1, s15;
	p6 =	por p5, !p6  }
0x41: {  	_ =	strace @p6 $0x8000004D;
	s1 =	sadd.s32 @p6 $0x3, s3  }
0x42: {  	_ =	swait.ge @p6 [sflag:s1], $0x3000  }
0x43: {  	[sflag:s1] =	ssyncset.done @p6 $0x0  }
0x44: {  	[sflag:s1] =	ssyncadd.s32 @p6 $0xFFFFD000  }
0x45: {  	_ =	strace @p6 $0x9000004D;
	[smem:$0x7F7] =	sst s5  }
0x46: {  	[smem:$0x7F8] =	sst s17  }
0x47: {  	[dreg:$0x1e] =	wrdreg s16  }
0x48: {  	[dreg:$0x1c] =	wrdreg s15;
	p6 =	seq.s32 @!p5 s0, s2  }
0x49: {  	[dreg:$0x1a] =	wrdreg s14;
	s0 =	sand.u32 $0x1, s14;
	p5 =	por p5, !p6  }
0x4a: {  	_ =	strace @p5 $0x8000004E;
	s1 =	sadd.s32 @p5 $0x5, s0  }
0x4b: {  	_ =	swait.ge @p5 [sflag:s1], $0x3000  }
0x4c: {  	[sflag:s1] =	ssyncset.done @p5 $0x0  }
0x4d: {  	[sflag:s1] =	ssyncadd.s32 @p5 $0xFFFFD000  }
0x4e: {  	_ =	strace @p5 $0x9000004E;
	p5 =	seq.s32 s0, $0x1;
	s0 =	simm.s32 $0xF000  }
0x4f: {  	s1 =	simm.s32 $0x3000;
	s0 =	simm.s32 @!p5 $0xC000;
	p5 =	seq.s32 s4, $0x1  }
0x50: {  	s1 =	simm.s32 @!p5 $0x0;
	v4 =	vmov s0  }
0x51: {  	s21 =	sand.u32 $0x1, s13;
	s2 =	simm.s32 $0x0;
	v3 =	vmov s1  }
0x52: {  	s5 =	smul.u32 $0xC000, s21;
	s22 =	sand.u32 $0x60, s2;
	s4 =	simm.s32 $0x0  }
0x53: {  	[dreg:$0x19] =	wrdreg s13;
	s0 =	sor.u32 $0x10, s22;
	s1 =	sand.u32 $0x1C00, s4  }
0x54: {  	_ =	strace $0x8000004F;
	[smem:$0x7F2] =	sst s21;
	s23 =	sor.u32 s0, s1  }
0x55: {  	v5 =	vld.idx.msk [tilespmem:v4+s23+$0x0 ss:$0x1], $0xffff  }
0x56: {  	s5 =	sshrl.u32 s5, $0x2;
	v0 =	vld.idx.msk [tilespmem:v3+s23+$0x0 ss:$0x1], $0xffff  }
0x57: {  	s5 =	sadd.s32 $0x12000, s5;
	p5 =	seq.s32 s3, $0x1;
	s3 =	simm.s32 $0x9000  }
0x58: {  	v2 =	vmov s5;
	s3 =	simm.s32 @!p5 $0x6000  }
0x59: {  	v1 =	vmov s3  }
0x5a: {  	s26 =	sand.u32 $0x1, s12;
	[smem:$0x7F3] =	sst s5  }
0x5b: {  	s3 =	smul.u32 $0xC000, s26;
	[dreg:$0x18] =	wrdreg s12;
	v0 =	vadd.f32 v0, v5  }
0x5c: {  	[smem:$0x7F4] =	sst s26  }
0x5d: {  	s3 =	sshrl.u32 s3, $0x2;
	[tilespmem:v2+s23+$0x0 ss:$0x1] =	vst.idx.msk $0xffff, v0  }
0x5e: {  	s29 =	sor.u32 s22, s1;
	s3 =	sor.u32 $0x18000, s3;
	v6 =	vld.idx.msk [tilespmem:v1+s23+$0x0 ss:$0x1], $0xffff  }
0x5f: {  	v7 =	vld.idx.msk [tilespmem:v4+s29+$0x0 ss:$0x1], $0xffff;
	[smem:$0x7F5] =	sst s3  }
0x60: {  	v0 =	vmov s3;
	v8 =	vld.idx.msk [tilespmem:v3+s29+$0x0 ss:$0x1], $0xffff;
	_ =	sdelay $0x2  }
0x61: {  	v5 =	vadd.f32 v6, v5;
	_ =	sdelay $0x1  }
0x62: {  	s8 =	sor.u32 $0x80, s23;
	v6 =	vadd.f32 v8, v7;
	[tilespmem:v0+s23+$0x0 ss:$0x1] =	vst.idx.msk $0xffff, v5  }
0x63: {  	v5 =	vld.idx.msk [tilespmem:v4+s8+$0x0 ss:$0x1], $0xffff  }
0x64: {  	[tilespmem:v2+s29+$0x0 ss:$0x1] =	vst.idx.msk $0xffff, v6;
	v6 =	vld.idx.msk [tilespmem:v3+s8+$0x0 ss:$0x1], $0xffff  }
0x65: {  	v8 =	vld.idx.msk [tilespmem:v1+s29+$0x0 ss:$0x1], $0xffff;
	_ =	sdelay $0x3  }
0x66: {  	v6 =	vadd.f32 v6, v5  }
0x67: {  	v7 =	vadd.f32 v8, v7  }
0x68: {  	[tilespmem:v2+s8+$0x0 ss:$0x1] =	vst.idx.msk $0xffff, v6  }
0x69: {  	s9 =	sor.u32 $0x80, s29;
	[tilespmem:v0+s29+$0x0 ss:$0x1] =	vst.idx.msk $0xffff, v7;
	v6 =	vld.idx.msk [tilespmem:v1+s8+$0x0 ss:$0x1], $0xffff  }
0x6a: {  	v7 =	vld.idx.msk [tilespmem:v4+s9+$0x0 ss:$0x1], $0xffff  }
0x6b: {  	v8 =	vld.idx.msk [tilespmem:v3+s9+$0x0 ss:$0x1], $0xffff;
	_ =	sdelay $0x2  }
0x6c: {  	v5 =	vadd.f32 v6, v5;
	_ =	sdelay $0x1  }
0x6d: {  	s10 =	sor.u32 $0x100, s23;
	v6 =	vadd.f32 v8, v7;
	[tilespmem:v0+s8+$0x0 ss:$0x1] =	vst.idx.msk $0xffff, v5  }
0x6e: {  	v5 =	vld.idx.msk [tilespmem:v4+s10+$0x0 ss:$0x1], $0xffff  }
0x6f: {  	[tilespmem:v2+s9+$0x0 ss:$0x1] =	vst.idx.msk $0xffff, v6;
	v6 =	vld.idx.msk [tilespmem:v3+s10+$0x0 ss:$0x1], $0xffff  }
0x70: {  	v8 =	vld.idx.msk [tilespmem:v1+s9+$0x0 ss:$0x1], $0xffff;
	_ =	sdelay $0x3  }
0x71: {  	v6 =	vadd.f32 v6, v5  }
0x72: {  	v7 =	vadd.f32 v8, v7  }
0x73: {  	[tilespmem:v2+s10+$0x0 ss:$0x1] =	vst.idx.msk $0xffff, v6  }
0x74: {  	s11 =	sor.u32 $0x100, s29;
	[tilespmem:v0+s9+$0x0 ss:$0x1] =	vst.idx.msk $0xffff, v7;
	v6 =	vld.idx.msk [tilespmem:v1+s10+$0x0 ss:$0x1], $0xffff  }
0x75: {  	v7 =	vld.idx.msk [tilespmem:v4+s11+$0x0 ss:$0x1], $0xffff  }
0x76: {  	v8 =	vld.idx.msk [tilespmem:v3+s11+$0x0 ss:$0x1], $0xffff;
	_ =	sdelay $0x2  }
0x77: {  	v5 =	vadd.f32 v6, v5;
	_ =	sdelay $0x1  }
0x78: {  	s12 =	sor.u32 $0x180, s23;
	v6 =	vadd.f32 v8, v7;
	[tilespmem:v0+s10+$0x0 ss:$0x1] =	vst.idx.msk $0xffff, v5  }
0x79: {  	v5 =	vld.idx.msk [tilespmem:v4+s12+$0x0 ss:$0x1], $0xffff  }
0x7a: {  	[tilespmem:v2+s11+$0x0 ss:$0x1] =	vst.idx.msk $0xffff, v6;
	v6 =	vld.idx.msk [tilespmem:v3+s12+$0x0 ss:$0x1], $0xffff  }
0x7b: {  	v8 =	vld.idx.msk [tilespmem:v1+s11+$0x0 ss:$0x1], $0xffff;
	_ =	sdelay $0x3  }
0x7c: {  	v6 =	vadd.f32 v6, v5  }
0x7d: {  	v7 =	vadd.f32 v8, v7  }
0x7e: {  	[tilespmem:v2+s12+$0x0 ss:$0x1] =	vst.idx.msk $0xffff, v6  }
0x7f: {  	s13 =	sor.u32 $0x180, s29;
	[tilespmem:v0+s11+$0x0 ss:$0x1] =	vst.idx.msk $0xffff, v7;
	v6 =	vld.idx.msk [tilespmem:v1+s12+$0x0 ss:$0x1], $0xffff  }
0x80: {  	v7 =	vld.idx.msk [tilespmem:v4+s13+$0x0 ss:$0x1], $0xffff  }
0x81: {  	v8 =	vld.idx.msk [tilespmem:v3+s13+$0x0 ss:$0x1], $0xffff;
	_ =	sdelay $0x2  }
0x82: {  	v5 =	vadd.f32 v6, v5;
	_ =	sdelay $0x1  }
0x83: {  	s14 =	sor.u32 $0x200, s23;
	v6 =	vadd.f32 v8, v7;
	[tilespmem:v0+s12+$0x0 ss:$0x1] =	vst.idx.msk $0xffff, v5  }
0x84: {  	v5 =	vld.idx.msk [tilespmem:v4+s14+$0x0 ss:$0x1], $0xffff  }
0x85: {  	[tilespmem:v2+s13+$0x0 ss:$0x1] =	vst.idx.msk $0xffff, v6;
	v6 =	vld.idx.msk [tilespmem:v3+s14+$0x0 ss:$0x1], $0xffff  }
0x86: {  	v8 =	vld.idx.msk [tilespmem:v1+s13+$0x0 ss:$0x1], $0xffff;
	_ =	sdelay $0x3  }
0x87: {  	v6 =	vadd.f32 v6, v5  }
0x88: {  	v7 =	vadd.f32 v8, v7  }
0x89: {  	[tilespmem:v2+s14+$0x0 ss:$0x1] =	vst.idx.msk $0xffff, v6  }
0x8a: {  	s15 =	sor.u32 $0x200, s29;
	[tilespmem:v0+s13+$0x0 ss:$0x1] =	vst.idx.msk $0xffff, v7;
	v6 =	vld.idx.msk [tilespmem:v1+s14+$0x0 ss:$0x1], $0xffff  }
0x8b: {  	v7 =	vld.idx.msk [tilespmem:v4+s15+$0x0 ss:$0x1], $0xffff  }
0x8c: {  	s3 =	simm.s32 $0x20;
	v8 =	vld.idx.msk [tilespmem:v3+s15+$0x0 ss:$0x1], $0xffff  }
0x8d: {  	s5 =	simm.s32 $0x100;
	s25 =	sand.u32 $0x60, s3  }
0x8e: {  	s24 =	sor.u32 $0x10, s25;
	s11 =	sand.u32 $0x1C00, s5  }
0x8f: {  	s12 =	sor.u32 s24, s11;
	v5 =	vadd.f32 v6, v5  }
0x90: {  	v9 =	vld.idx.msk [tilespmem:v3+s12+$0x0 ss:$0x1], $0xffff  }
0x91: {  	s16 =	sor.u32 $0x280, s23;
	v6 =	vld.idx.msk [tilespmem:v4+s12+$0x0 ss:$0x1], $0xffff;
	v8 =	vadd.f32 v8, v7;
	[tilespmem:v0+s14+$0x0 ss:$0x1] =	vst.idx.msk $0xffff, v5  }
0x92: {  	v5 =	vld.idx.msk [tilespmem:v4+s16+$0x0 ss:$0x1], $0xffff  }
0x93: {  	[tilespmem:v2+s15+$0x0 ss:$0x1] =	vst.idx.msk $0xffff, v8;
	v8 =	vld.idx.msk [tilespmem:v3+s16+$0x0 ss:$0x1], $0xffff  }
0x94: {  	v10 =	vld.idx.msk [tilespmem:v1+s15+$0x0 ss:$0x1], $0xffff;
	_ =	sdelay $0x1  }
0x95: {  	s6 =	sor.u32 s25, s11;
	v9 =	vadd.f32 v9, v6  }
0x96: {  	v11 =	vld.idx.msk [tilespmem:v4+s6+$0x0 ss:$0x1], $0xffff  }
0x97: {  	v12 =	vld.idx.msk [tilespmem:v3+s6+$0x0 ss:$0x1], $0xffff;
	[tilespmem:v2+s12+$0x0 ss:$0x1] =	vst.idx.msk $0xffff, v9;
	v8 =	vadd.f32 v8, v5  }
0x98: {  	v9 =	vld.idx.msk [tilespmem:v1+s12+$0x0 ss:$0x1], $0xffff;
	v7 =	vadd.f32 v10, v7  }
0x99: {  	[tilespmem:v2+s16+$0x0 ss:$0x1] =	vst.idx.msk $0xffff, v8  }
0x9a: {  	s7 =	sor.u32 $0x280, s29;
	[tilespmem:v0+s15+$0x0 ss:$0x1] =	vst.idx.msk $0xffff, v7;
	v7 =	vld.idx.msk [tilespmem:v1+s16+$0x0 ss:$0x1], $0xffff  }
0x9b: {  	v10 =	vld.idx.msk [tilespmem:v4+s7+$0x0 ss:$0x1], $0xffff  }
0x9c: {  	v8 =	vadd.f32 v12, v11;
	v12 =	vld.idx.msk [tilespmem:v3+s7+$0x0 ss:$0x1], $0xffff  }
0x9d: {  	s17 =	sand.u32 $0x3, s4;
	v6 =	vadd.f32 v9, v6  }
0x9e: {  	s9 =	sshll.u32 s17, $0x5;
	[tilespmem:v2+s6+$0x0 ss:$0x1] =	vst.idx.msk $0xffff, v8  }
0x9f: {  	s9 =	sadd.s32 $0x0, s9;
	s18 =	sor.u32 $0x80, s12;
	v8 =	vld.idx.msk [tilespmem:v1+s6+$0x0 ss:$0x1], $0xffff;
	[tilespmem:v0+s12+$0x0 ss:$0x1] =	vst.idx.msk $0xffff, v6;
	v5 =	vadd.f32 v7, v5  }
0xa0: {  	s19 =	sadd.s32 $0x10, s9;
	v6 =	vld.idx.msk [tilespmem:v4+s18+$0x0 ss:$0x1], $0xffff  }
0xa1: {  	s20 =	sor.u32 $0x300, s19;
	v9 =	vld.idx.msk [tilespmem:v3+s18+$0x0 ss:$0x1], $0xffff;
	v7 =	vadd.f32 v12, v10;
	[tilespmem:v0+s16+$0x0 ss:$0x1] =	vst.idx.msk $0xffff, v5  }
0xa2: {  	v5 =	vld.idx.msk [tilespmem:v4+s20+$0x0 ss:$0x1], $0xffff  }
0xa3: {  	[tilespmem:v2+s7+$0x0 ss:$0x1] =	vst.idx.msk $0xffff, v7;
	v7 =	vld.idx.msk [tilespmem:v3+s20+$0x0 ss:$0x1], $0xffff  }
0xa4: {  	v8 =	vadd.f32 v8, v11;
	v11 =	vld.idx.msk [tilespmem:v1+s7+$0x0 ss:$0x1], $0xffff;
	_ =	sdelay $0x1  }
0xa5: {  	s21 =	sor.u32 $0x80, s6;
	[tilespmem:v0+s6+$0x0 ss:$0x1] =	vst.idx.msk $0xffff, v8;
	v9 =	vadd.f32 v9, v6  }
0xa6: {  	v8 =	vld.idx.msk [tilespmem:v4+s21+$0x0 ss:$0x1], $0xffff  }
0xa7: {  	v12 =	vld.idx.msk [tilespmem:v3+s21+$0x0 ss:$0x1], $0xffff;
	[tilespmem:v2+s18+$0x0 ss:$0x1] =	vst.idx.msk $0xffff, v9;
	v7 =	vadd.f32 v7, v5  }
0xa8: {  	v9 =	vadd.f32 v11, v10;
	v10 =	vld.idx.msk [tilespmem:v1+s18+$0x0 ss:$0x1], $0xffff  }
0xa9: {  	[tilespmem:v2+s20+$0x0 ss:$0x1] =	vst.idx.msk $0xffff, v7  }
0xaa: {  	s9 =	sor.u32 $0x300, s9;
	[tilespmem:v0+s7+$0x0 ss:$0x1] =	vst.idx.msk $0xffff, v9;
	v7 =	vld.idx.msk [tilespmem:v1+s20+$0x0 ss:$0x1], $0xffff  }
0xab: {  	v11 =	vld.idx.msk [tilespmem:v4+s9+$0x0 ss:$0x1], $0xffff  }
0xac: {  	v9 =	vadd.f32 v12, v8;
	v12 =	vld.idx.msk [tilespmem:v3+s9+$0x0 ss:$0x1], $0xffff  }
0xad: {  	v6 =	vadd.f32 v10, v6  }
0xae: {  	[tilespmem:v2+s21+$0x0 ss:$0x1] =	vst.idx.msk $0xffff, v9  }
0xaf: {  	s23 =	sor.u32 $0x100, s12;
	v9 =	vld.idx.msk [tilespmem:v1+s21+$0x0 ss:$0x1], $0xffff;
	[tilespmem:v0+s18+$0x0 ss:$0x1] =	vst.idx.msk $0xffff, v6;
	v5 =	vadd.f32 v7, v5  }
0xb0: {  	v6 =	vld.idx.msk [tilespmem:v4+s23+$0x0 ss:$0x1], $0xffff  }
0xb1: {  	s26 =	sor.u32 $0x380, s19;
	v7 =	vadd.f32 v12, v11;
	v10 =	vld.idx.msk [tilespmem:v3+s23+$0x0 ss:$0x1], $0xffff;
	[tilespmem:v0+s20+$0x0 ss:$0x1] =	vst.idx.msk $0xffff, v5  }
0xb2: {  	v5 =	vld.idx.msk [tilespmem:v4+s26+$0x0 ss:$0x1], $0xffff  }
0xb3: {  	[tilespmem:v2+s9+$0x0 ss:$0x1] =	vst.idx.msk $0xffff, v7;
	v7 =	vld.idx.msk [tilespmem:v3+s26+$0x0 ss:$0x1], $0xffff  }
0xb4: {  	v8 =	vadd.f32 v9, v8;
	v9 =	vld.idx.msk [tilespmem:v1+s9+$0x0 ss:$0x1], $0xffff;
	_ =	sdelay $0x1  }
0xb5: {  	s29 =	sor.u32 $0x100, s6;
	[tilespmem:v0+s21+$0x0 ss:$0x1] =	vst.idx.msk $0xffff, v8  }
0xb6: {  	v8 =	vld.idx.msk [tilespmem:v4+s29+$0x0 ss:$0x1], $0xffff;
	v10 =	vadd.f32 v10, v6  }
0xb7: {  	v12 =	vld.idx.msk [tilespmem:v3+s29+$0x0 ss:$0x1], $0xffff;
	v7 =	vadd.f32 v7, v5  }
0xb8: {  	[tilespmem:v2+s23+$0x0 ss:$0x1] =	vst.idx.msk $0xffff, v10;
	v9 =	vadd.f32 v9, v11  }
0xb9: {  	v10 =	vld.idx.msk [tilespmem:v1+s23+$0x0 ss:$0x1], $0xffff;
	[tilespmem:v2+s26+$0x0 ss:$0x1] =	vst.idx.msk $0xffff, v7  }
0xba: {  	s2 =	sor.u32 s4, s2;
	[tilespmem:v0+s9+$0x0 ss:$0x1] =	vst.idx.msk $0xffff, v9  }
0xbb: {  	s2 =	sor.u32 $0x380, s2;
	v7 =	vld.idx.msk [tilespmem:v1+s26+$0x0 ss:$0x1], $0xffff  }
0xbc: {  	v9 =	vadd.f32 v12, v8;
	v11 =	vld.idx.msk [tilespmem:v4+s2+$0x0 ss:$0x1], $0xffff  }
0xbd: {  	v12 =	vld.idx.msk [tilespmem:v3+s2+$0x0 ss:$0x1], $0xffff  }
0xbe: {  	[tilespmem:v2+s29+$0x0 ss:$0x1] =	vst.idx.msk $0xffff, v9;
	v6 =	vadd.f32 v10, v6  }
0xbf: {  	v9 =	vld.idx.msk [tilespmem:v1+s29+$0x0 ss:$0x1], $0xffff  }
0xc0: {  	s13 =	sor.u32 $0x180, s12;
	[tilespmem:v0+s23+$0x0 ss:$0x1] =	vst.idx.msk $0xffff, v6;
	v5 =	vadd.f32 v7, v5  }
0xc1: {  	s14 =	sadd.s32 $0x1800, s1;
	v6 =	vld.idx.msk [tilespmem:v4+s13+$0x0 ss:$0x1], $0xffff  }
0xc2: {  	s15 =	sor.u32 s0, s14;
	v7 =	vadd.f32 v12, v11;
	v10 =	vld.idx.msk [tilespmem:v3+s13+$0x0 ss:$0x1], $0xffff;
	[tilespmem:v0+s26+$0x0 ss:$0x1] =	vst.idx.msk $0xffff, v5  }
0xc3: {  	v5 =	vld.idx.msk [tilespmem:v4+s15+$0x0 ss:$0x1], $0xffff  }
0xc4: {  	v8 =	vadd.f32 v9, v8;
	[tilespmem:v2+s2+$0x0 ss:$0x1] =	vst.idx.msk $0xffff, v7;
	v7 =	vld.idx.msk [tilespmem:v3+s15+$0x0 ss:$0x1], $0xffff  }
0xc5: {  	v9 =	vld.idx.msk [tilespmem:v1+s2+$0x0 ss:$0x1], $0xffff  }
0xc6: {  	s16 =	sor.u32 $0x180, s6;
	[tilespmem:v0+s29+$0x0 ss:$0x1] =	vst.idx.msk $0xffff, v8  }
0xc7: {  	v8 =	vld.idx.msk [tilespmem:v4+s16+$0x0 ss:$0x1], $0xffff;
	v10 =	vadd.f32 v10, v6  }
0xc8: {  	v12 =	vld.idx.msk [tilespmem:v3+s16+$0x0 ss:$0x1], $0xffff  }
0xc9: {  	[tilespmem:v2+s13+$0x0 ss:$0x1] =	vst.idx.msk $0xffff, v10;
	v7 =	vadd.f32 v7, v5  }
0xca: {  	v9 =	vadd.f32 v9, v11;
	v10 =	vld.idx.msk [tilespmem:v1+s13+$0x0 ss:$0x1], $0xffff  }
0xcb: {  	[tilespmem:v2+s15+$0x0 ss:$0x1] =	vst.idx.msk $0xffff, v7  }
0xcc: {  	s7 =	sor.u32 s22, s14;
	[tilespmem:v0+s2+$0x0 ss:$0x1] =	vst.idx.msk $0xffff, v9;
	v7 =	vld.idx.msk [tilespmem:v1+s15+$0x0 ss:$0x1], $0xffff  }
0xcd: {  	v9 =	vadd.f32 v12, v8;
	v11 =	vld.idx.msk [tilespmem:v4+s7+$0x0 ss:$0x1], $0xffff  }
0xce: {  	v12 =	vld.idx.msk [tilespmem:v3+s7+$0x0 ss:$0x1], $0xffff  }
0xcf: {  	[tilespmem:v2+s16+$0x0 ss:$0x1] =	vst.idx.msk $0xffff, v9;
	v6 =	vadd.f32 v10, v6  }
0xd0: {  	v9 =	vld.idx.msk [tilespmem:v1+s16+$0x0 ss:$0x1], $0xffff  }
0xd1: {  	s17 =	sor.u32 $0x200, s12;
	[tilespmem:v0+s13+$0x0 ss:$0x1] =	vst.idx.msk $0xffff, v6;
	v5 =	vadd.f32 v7, v5  }
0xd2: {  	s18 =	sadd.s32 $0x1880, s1;
	v6 =	vld.idx.msk [tilespmem:v4+s17+$0x0 ss:$0x1], $0xffff  }
0xd3: {  	s19 =	sor.u32 s0, s18;
	v7 =	vadd.f32 v12, v11;
	v10 =	vld.idx.msk [tilespmem:v3+s17+$0x0 ss:$0x1], $0xffff;
	[tilespmem:v0+s15+$0x0 ss:$0x1] =	vst.idx.msk $0xffff, v5  }
0xd4: {  	v5 =	vld.idx.msk [tilespmem:v4+s19+$0x0 ss:$0x1], $0xffff  }
0xd5: {  	v8 =	vadd.f32 v9, v8;
	[tilespmem:v2+s7+$0x0 ss:$0x1] =	vst.idx.msk $0xffff, v7;
	v7 =	vld.idx.msk [tilespmem:v3+s19+$0x0 ss:$0x1], $0xffff  }
0xd6: {  	v9 =	vld.idx.msk [tilespmem:v1+s7+$0x0 ss:$0x1], $0xffff  }
0xd7: {  	s21 =	sor.u32 $0x200, s6;
	[tilespmem:v0+s16+$0x0 ss:$0x1] =	vst.idx.msk $0xffff, v8  }
0xd8: {  	v8 =	vld.idx.msk [tilespmem:v4+s21+$0x0 ss:$0x1], $0xffff  }
0xd9: {  	v12 =	vld.idx.msk [tilespmem:v3+s21+$0x0 ss:$0x1], $0xffff;
	v10 =	vadd.f32 v10, v6  }
0xda: {  	v7 =	vadd.f32 v7, v5  }
0xdb: {  	[tilespmem:v2+s17+$0x0 ss:$0x1] =	vst.idx.msk $0xffff, v10;
	v9 =	vadd.f32 v9, v11  }
0xdc: {  	s2 =	simm.s32 $0x40;
	v10 =	vld.idx.msk [tilespmem:v1+s17+$0x0 ss:$0x1], $0xffff;
	[tilespmem:v2+s19+$0x0 ss:$0x1] =	vst.idx.msk $0xffff, v7  }
0xdd: {  	s4 =	simm.s32 $0x200;
	s10 =	sand.u32 $0x60, s2;
	s13 =	sor.u32 s22, s18;
	[tilespmem:v0+s7+$0x0 ss:$0x1] =	vst.idx.msk $0xffff, v9;
	v9 =	vld.idx.msk [tilespmem:v1+s19+$0x0 ss:$0x1], $0xffff  }
0xde: {  	s20 =	sor.u32 $0x10, s10;
	v7 =	vadd.f32 v12, v8;
	s7 =	sand.u32 $0x1C00, s4;
	v11 =	vld.idx.msk [tilespmem:v4+s13+$0x0 ss:$0x1], $0xffff  }
0xdf: {  	v12 =	vld.idx.msk [tilespmem:v3+s13+$0x0 ss:$0x1], $0xffff;
	s8 =	sor.u32 s20, s7  }
0xe0: {  	[tilespmem:v2+s21+$0x0 ss:$0x1] =	vst.idx.msk $0xffff, v7;
	v13 =	vld.idx.msk [tilespmem:v3+s8+$0x0 ss:$0x1], $0xffff  }
0xe1: {  	s18 =	sor.u32 s10, s7;
	v7 =	vld.idx.msk [tilespmem:v1+s21+$0x0 ss:$0x1], $0xffff;
	v6 =	vadd.f32 v10, v6  }
0xe2: {  	v14 =	vld.idx.msk [tilespmem:v4+s18+$0x0 ss:$0x1], $0xffff  }
0xe3: {  	s12 =	sor.u32 $0x280, s12;
	v10 =	vld.idx.msk [tilespmem:v4+s8+$0x0 ss:$0x1], $0xffff;
	[tilespmem:v0+s17+$0x0 ss:$0x1] =	vst.idx.msk $0xffff, v6;
	v5 =	vadd.f32 v9, v5  }
0xe4: {  	s9 =	sadd.s32 $0x1900, s1;
	v6 =	vld.idx.msk [tilespmem:v4+s12+$0x0 ss:$0x1], $0xffff  }
0xe5: {  	s23 =	sor.u32 s0, s9;
	v9 =	vld.idx.msk [tilespmem:v3+s12+$0x0 ss:$0x1], $0xffff;
	[tilespmem:v0+s19+$0x0 ss:$0x1] =	vst.idx.msk $0xffff, v5  }
0xe6: {  	v7 =	vadd.f32 v7, v8;
	v5 =	vld.idx.msk [tilespmem:v4+s23+$0x0 ss:$0x1], $0xffff  }
0xe7: {  	v8 =	vld.idx.msk [tilespmem:v3+s23+$0x0 ss:$0x1], $0xffff  }
0xe8: {  	s15 =	sor.u32 $0x280, s6;
	v13 =	vadd.f32 v13, v10;
	[tilespmem:v0+s21+$0x0 ss:$0x1] =	vst.idx.msk $0xffff, v7;
	v7 =	vld.idx.msk [tilespmem:v3+s18+$0x0 ss:$0x1], $0xffff  }
0xe9: {  	v15 =	vld.idx.msk [tilespmem:v4+s15+$0x0 ss:$0x1], $0xffff  }
0xea: {  	[tilespmem:v2+s8+$0x0 ss:$0x1] =	vst.idx.msk $0xffff, v13;
	v13 =	vld.idx.msk [tilespmem:v3+s15+$0x0 ss:$0x1], $0xffff;
	v9 =	vadd.f32 v9, v6  }
0xeb: {  	v16 =	vld.idx.msk [tilespmem:v1+s8+$0x0 ss:$0x1], $0xffff  }
0xec: {  	[tilespmem:v2+s12+$0x0 ss:$0x1] =	vst.idx.msk $0xffff, v9;
	v8 =	vadd.f32 v8, v5  }
0xed: {  	v9 =	vadd.f32 v12, v11;
	v12 =	vld.idx.msk [tilespmem:v1+s12+$0x0 ss:$0x1], $0xffff  }
0xee: {  	v7 =	vadd.f32 v7, v14;
	[tilespmem:v2+s23+$0x0 ss:$0x1] =	vst.idx.msk $0xffff, v8  }
0xef: {  	s17 =	simm.s32 $0x1;
	[tilespmem:v2+s13+$0x0 ss:$0x1] =	vst.idx.msk $0xffff, v9;
	v9 =	vadd.f32 v13, v15;
	v8 =	vld.idx.msk [tilespmem:v1+s23+$0x0 ss:$0x1], $0xffff  }
0xf0: {  	s6 =	sand.u32 $0x3, s17;
	v13 =	vld.idx.msk [tilespmem:v1+s13+$0x0 ss:$0x1], $0xffff;
	[tilespmem:v2+s18+$0x0 ss:$0x1] =	vst.idx.msk $0xffff, v7;
	v7 =	vadd.f32 v16, v10  }
0xf1: {  	s6 =	sshll.u32 s6, $0x5;
	v10 =	vld.idx.msk [tilespmem:v1+s18+$0x0 ss:$0x1], $0xffff;
	[tilespmem:v2+s15+$0x0 ss:$0x1] =	vst.idx.msk $0xffff, v9  }
0xf2: {  	s19 =	sor.u32 $0x80, s8;
	s26 =	sadd.s32 $0x100, s6;
	[tilespmem:v0+s8+$0x0 ss:$0x1] =	vst.idx.msk $0xffff, v7;
	v7 =	vld.idx.msk [tilespmem:v1+s15+$0x0 ss:$0x1], $0xffff;
	v6 =	vadd.f32 v12, v6  }
0xf3: {  	s29 =	sadd.s32 $0x10, s26;
	v9 =	vld.idx.msk [tilespmem:v4+s19+$0x0 ss:$0x1], $0xffff  }
0xf4: {  	s21 =	sor.u32 $0x300, s29;
	[tilespmem:v0+s12+$0x0 ss:$0x1] =	vst.idx.msk $0xffff, v6;
	v6 =	vld.idx.msk [tilespmem:v3+s19+$0x0 ss:$0x1], $0xffff;
	v5 =	vadd.f32 v8, v5  }
0xf5: {  	s6 =	sadd.s32 $0x1980, s1;
	v8 =	vld.idx.msk [tilespmem:v4+s21+$0x0 ss:$0x1], $0xffff  }
0xf6: {  	s14 =	sor.u32 s0, s6;
	[tilespmem:v0+s23+$0x0 ss:$0x1] =	vst.idx.msk $0xffff, v5;
	v5 =	vadd.f32 v10, v14;
	v10 =	vld.idx.msk [tilespmem:v3+s21+$0x0 ss:$0x1], $0xffff  }
0xf7: {  	v12 =	vld.idx.msk [tilespmem:v4+s14+$0x0 ss:$0x1], $0xffff  }
0xf8: {  	s23 =	sor.u32 $0x80, s18;
	[tilespmem:v0+s18+$0x0 ss:$0x1] =	vst.idx.msk $0xffff, v5;
	v5 =	vadd.f32 v7, v15;
	v7 =	vld.idx.msk [tilespmem:v3+s14+$0x0 ss:$0x1], $0xffff  }
0xf9: {  	v14 =	vld.idx.msk [tilespmem:v4+s23+$0x0 ss:$0x1], $0xffff  }
0xfa: {  	v6 =	vadd.f32 v6, v9;
	[tilespmem:v0+s15+$0x0 ss:$0x1] =	vst.idx.msk $0xffff, v5;
	s15 =	sor.u32 $0x300, s26;
	v5 =	vld.idx.msk [tilespmem:v3+s23+$0x0 ss:$0x1], $0xffff  }
0xfb: {  	v15 =	vld.idx.msk [tilespmem:v4+s15+$0x0 ss:$0x1], $0xffff  }
0xfc: {  	[tilespmem:v2+s19+$0x0 ss:$0x1] =	vst.idx.msk $0xffff, v6;
	v6 =	vld.idx.msk [tilespmem:v3+s15+$0x0 ss:$0x1], $0xffff;
	v10 =	vadd.f32 v10, v8  }
0xfd: {  	v11 =	vadd.f32 v13, v11;
	v13 =	vld.idx.msk [tilespmem:v1+s19+$0x0 ss:$0x1], $0xffff  }
0xfe: {  	[tilespmem:v2+s21+$0x0 ss:$0x1] =	vst.idx.msk $0xffff, v10;
	v7 =	vadd.f32 v7, v12  }
0xff: {  	s12 =	sor.u32 s22, s9;
	[tilespmem:v0+s13+$0x0 ss:$0x1] =	vst.idx.msk $0xffff, v11;
	v10 =	vld.idx.msk [tilespmem:v1+s21+$0x0 ss:$0x1], $0xffff  }
0x100: {  	v11 =	vld.idx.msk [tilespmem:v4+s12+$0x0 ss:$0x1], $0xffff;
	v5 =	vadd.f32 v5, v14;
	[tilespmem:v2+s14+$0x0 ss:$0x1] =	vst.idx.msk $0xffff, v7  }
0x101: {  	v7 =	vld.idx.msk [tilespmem:v1+s14+$0x0 ss:$0x1], $0xffff;
	v6 =	vadd.f32 v6, v15  }
0x102: {  	v16 =	vld.idx.msk [tilespmem:v3+s12+$0x0 ss:$0x1], $0xffff;
	[tilespmem:v2+s23+$0x0 ss:$0x1] =	vst.idx.msk $0xffff, v5;
	v5 =	vadd.f32 v13, v9  }
0x103: {  	v9 =	vld.idx.msk [tilespmem:v1+s23+$0x0 ss:$0x1], $0xffff;
	[tilespmem:v2+s15+$0x0 ss:$0x1] =	vst.idx.msk $0xffff, v6  }
0x104: {  	s26 =	sor.u32 $0x100, s8;
	[tilespmem:v0+s19+$0x0 ss:$0x1] =	vst.idx.msk $0xffff, v5;
	v5 =	vld.idx.msk [tilespmem:v1+s15+$0x0 ss:$0x1], $0xffff;
	v6 =	vadd.f32 v10, v8  }
0x105: {  	v8 =	vld.idx.msk [tilespmem:v4+s26+$0x0 ss:$0x1], $0xffff  }
0x106: {  	s29 =	sor.u32 $0x380, s29;
	[tilespmem:v0+s21+$0x0 ss:$0x1] =	vst.idx.msk $0xffff, v6;
	v6 =	vld.idx.msk [tilespmem:v3+s26+$0x0 ss:$0x1], $0xffff;
	v7 =	vadd.f32 v7, v12  }
0x107: {  	s21 =	sadd.s32 $0x1A00, s1;
	v10 =	vld.idx.msk [tilespmem:v4+s29+$0x0 ss:$0x1], $0xffff  }
0x108: {  	s16 =	sor.u32 s0, s21;
	[tilespmem:v0+s14+$0x0 ss:$0x1] =	vst.idx.msk $0xffff, v7;
	v7 =	vadd.f32 v9, v14;
	v9 =	vld.idx.msk [tilespmem:v3+s29+$0x0 ss:$0x1], $0xffff  }
0x109: {  	v12 =	vld.idx.msk [tilespmem:v4+s16+$0x0 ss:$0x1], $0xffff  }
0x10a: {  	s17 =	sor.u32 $0x100, s18;
	v5 =	vadd.f32 v5, v15;
	[tilespmem:v0+s23+$0x0 ss:$0x1] =	vst.idx.msk $0xffff, v7;
	v7 =	vld.idx.msk [tilespmem:v3+s16+$0x0 ss:$0x1], $0xffff  }
0x10b: {  	s3 =	sor.u32 s5, s3;
	v13 =	vld.idx.msk [tilespmem:v4+s17+$0x0 ss:$0x1], $0xffff  }
0x10c: {  	s3 =	sor.u32 $0x380, s3;
	v14 =	vld.idx.msk [tilespmem:v3+s17+$0x0 ss:$0x1], $0xffff;
	v6 =	vadd.f32 v6, v8;
	[tilespmem:v0+s15+$0x0 ss:$0x1] =	vst.idx.msk $0xffff, v5  }
0x10d: {  	v5 =	vld.idx.msk [tilespmem:v4+s3+$0x0 ss:$0x1], $0xffff  }
0x10e: {  	[tilespmem:v2+s26+$0x0 ss:$0x1] =	vst.idx.msk $0xffff, v6;
	v6 =	vld.idx.msk [tilespmem:v3+s3+$0x0 ss:$0x1], $0xffff;
	v9 =	vadd.f32 v9, v10  }
0x10f: {  	v15 =	vld.idx.msk [tilespmem:v1+s26+$0x0 ss:$0x1], $0xffff  }
0x110: {  	[tilespmem:v2+s29+$0x0 ss:$0x1] =	vst.idx.msk $0xffff, v9;
	v7 =	vadd.f32 v7, v12  }
0x111: {  	v9 =	vadd.f32 v16, v11;
	v16 =	vld.idx.msk [tilespmem:v1+s29+$0x0 ss:$0x1], $0xffff  }
0x112: {  	v14 =	vadd.f32 v14, v13;
	[tilespmem:v2+s16+$0x0 ss:$0x1] =	vst.idx.msk $0xffff, v7  }
0x113: {  	[tilespmem:v2+s12+$0x0 ss:$0x1] =	vst.idx.msk $0xffff, v9;
	v7 =	vld.idx.msk [tilespmem:v1+s16+$0x0 ss:$0x1], $0xffff;
	v6 =	vadd.f32 v6, v5  }
0x114: {  	v9 =	vld.idx.msk [tilespmem:v1+s12+$0x0 ss:$0x1], $0xffff;
	[tilespmem:v2+s17+$0x0 ss:$0x1] =	vst.idx.msk $0xffff, v14;
	v8 =	vadd.f32 v15, v8  }
0x115: {  	v14 =	vld.idx.msk [tilespmem:v1+s17+$0x0 ss:$0x1], $0xffff;
	[tilespmem:v2+s3+$0x0 ss:$0x1] =	vst.idx.msk $0xffff, v6  }
0x116: {  	s5 =	sor.u32 $0x180, s8;
	[tilespmem:v0+s26+$0x0 ss:$0x1] =	vst.idx.msk $0xffff, v8;
	v6 =	vld.idx.msk [tilespmem:v1+s3+$0x0 ss:$0x1], $0xffff;
	v8 =	vadd.f32 v16, v10  }
0x117: {  	s23 =	sadd.s32 $0x1800, s11;
	v10 =	vld.idx.msk [tilespmem:v4+s5+$0x0 ss:$0x1], $0xffff  }
0x118: {  	v15 =	vld.idx.msk [tilespmem:v3+s5+$0x0 ss:$0x1], $0xffff;
	[tilespmem:v0+s29+$0x0 ss:$0x1] =	vst.idx.msk $0xffff, v8;
	s29 =	sor.u32 s24, s23;
	v7 =	vadd.f32 v7, v12  }
0x119: {  	s19 =	sadd.s32 $0x1A80, s1;
	v8 =	vld.idx.msk [tilespmem:v4+s29+$0x0 ss:$0x1], $0xffff  }
0x11a: {  	s15 =	sor.u32 s0, s19;
	v12 =	vld.idx.msk [tilespmem:v3+s29+$0x0 ss:$0x1], $0xffff;
	[tilespmem:v0+s16+$0x0 ss:$0x1] =	vst.idx.msk $0xffff, v7;
	v7 =	vadd.f32 v14, v13  }
0x11b: {  	v13 =	vld.idx.msk [tilespmem:v4+s15+$0x0 ss:$0x1], $0xffff  }
0x11c: {  	v5 =	vadd.f32 v6, v5;
	v6 =	vld.idx.msk [tilespmem:v3+s15+$0x0 ss:$0x1], $0xffff;
	[tilespmem:v0+s17+$0x0 ss:$0x1] =	vst.idx.msk $0xffff, v7;
	s17 =	sor.u32 $0x180, s18  }
0x11d: {  	v7 =	vld.idx.msk [tilespmem:v4+s17+$0x0 ss:$0x1], $0xffff  }
0x11e: {  	s9 =	sor.u32 s25, s23;
	v14 =	vadd.f32 v15, v10;
	[tilespmem:v0+s3+$0x0 ss:$0x1] =	vst.idx.msk $0xffff, v5;
	v5 =	vld.idx.msk [tilespmem:v3+s17+$0x0 ss:$0x1], $0xffff  }
0x11f: {  	v15 =	vld.idx.msk [tilespmem:v4+s9+$0x0 ss:$0x1], $0xffff  }
0x120: {  	[tilespmem:v2+s5+$0x0 ss:$0x1] =	vst.idx.msk $0xffff, v14;
	v14 =	vld.idx.msk [tilespmem:v3+s9+$0x0 ss:$0x1], $0xffff;
	v12 =	vadd.f32 v12, v8  }
0x121: {  	v9 =	vadd.f32 v9, v11;
	v11 =	vld.idx.msk [tilespmem:v1+s5+$0x0 ss:$0x1], $0xffff  }
0x122: {  	[tilespmem:v2+s29+$0x0 ss:$0x1] =	vst.idx.msk $0xffff, v12;
	v6 =	vadd.f32 v6, v13  }
0x123: {  	s26 =	smov.u32 s25;
	s25 =	sor.u32 s22, s6;
	[tilespmem:v0+s12+$0x0 ss:$0x1] =	vst.idx.msk $0xffff, v9;
	v9 =	vld.idx.msk [tilespmem:v1+s29+$0x0 ss:$0x1], $0xffff  }
0x124: {  	v16 =	vld.idx.msk [tilespmem:v3+s25+$0x0 ss:$0x1], $0xffff;
	v5 =	vadd.f32 v5, v7;
	[tilespmem:v2+s15+$0x0 ss:$0x1] =	vst.idx.msk $0xffff, v6  }
0x125: {  	v6 =	vld.idx.msk [tilespmem:v1+s15+$0x0 ss:$0x1], $0xffff;
	v14 =	vadd.f32 v14, v15  }
0x126: {  	v12 =	vld.idx.msk [tilespmem:v4+s25+$0x0 ss:$0x1], $0xffff;
	[tilespmem:v2+s17+$0x0 ss:$0x1] =	vst.idx.msk $0xffff, v5;
	v5 =	vadd.f32 v11, v10  }
0x127: {  	v10 =	vld.idx.msk [tilespmem:v1+s17+$0x0 ss:$0x1], $0xffff;
	[tilespmem:v2+s9+$0x0 ss:$0x1] =	vst.idx.msk $0xffff, v14  }
0x128: {  	[tilespmem:v0+s5+$0x0 ss:$0x1] =	vst.idx.msk $0xffff, v5;
	s5 =	sor.u32 $0x200, s8;
	v5 =	vld.idx.msk [tilespmem:v1+s9+$0x0 ss:$0x1], $0xffff;
	v8 =	vadd.f32 v9, v8  }
0x129: {  	s23 =	sadd.s32 $0x1880, s11;
	v9 =	vld.idx.msk [tilespmem:v4+s5+$0x0 ss:$0x1], $0xffff  }
0x12a: {  	s16 =	sor.u32 s24, s23;
	v11 =	vld.idx.msk [tilespmem:v3+s5+$0x0 ss:$0x1], $0xffff;
	[tilespmem:v0+s29+$0x0 ss:$0x1] =	vst.idx.msk $0xffff, v8;
	v6 =	vadd.f32 v6, v13  }
0x12b: {  	s6 =	sadd.s32 $0x1B00, s1;
	v8 =	vld.idx.msk [tilespmem:v4+s16+$0x0 ss:$0x1], $0xffff  }
0x12c: {  	s28 =	sor.u32 s0, s6;
	[tilespmem:v0+s15+$0x0 ss:$0x1] =	vst.idx.msk $0xffff, v6;
	v6 =	vadd.f32 v10, v7;
	v7 =	vld.idx.msk [tilespmem:v3+s16+$0x0 ss:$0x1], $0xffff  }
0x12d: {  	v10 =	vld.idx.msk [tilespmem:v4+s28+$0x0 ss:$0x1], $0xffff  }
0x12e: {  	s29 =	sor.u32 $0x200, s18;
	[tilespmem:v0+s17+$0x0 ss:$0x1] =	vst.idx.msk $0xffff, v6;
	v6 =	vld.idx.msk [tilespmem:v3+s28+$0x0 ss:$0x1], $0xffff  }
0x12f: {  	v13 =	vld.idx.msk [tilespmem:v4+s29+$0x0 ss:$0x1], $0xffff  }
0x130: {  	v5 =	vadd.f32 v5, v15;
	v14 =	vld.idx.msk [tilespmem:v3+s29+$0x0 ss:$0x1], $0xffff  }
0x131: {  	v11 =	vadd.f32 v11, v9  }
0x132: {  	s23 =	sor.u32 s26, s23;
	[tilespmem:v0+s9+$0x0 ss:$0x1] =	vst.idx.msk $0xffff, v5;
	v7 =	vadd.f32 v7, v8  }
0x133: {  	v5 =	vld.idx.msk [tilespmem:v4+s23+$0x0 ss:$0x1], $0xffff;
	[tilespmem:v2+s5+$0x0 ss:$0x1] =	vst.idx.msk $0xffff, v11  }
0x134: {  	v15 =	vadd.f32 v16, v12;
	v11 =	vld.idx.msk [tilespmem:v1+s5+$0x0 ss:$0x1], $0xffff;
	[tilespmem:v2+s16+$0x0 ss:$0x1] =	vst.idx.msk $0xffff, v7  }
0x135: {  	s13 =	smov.u32 s26;
	s26 =	simm.s32 $0x60;
	v6 =	vadd.f32 v6, v10;
	v7 =	vadd.f32 v14, v13;
	v14 =	vld.idx.msk [tilespmem:v1+s16+$0x0 ss:$0x1], $0xffff  }
0x136: {  	s15 =	simm.s32 $0x300;
	s17 =	sand.u32 $0x60, s26;
	[tilespmem:v2+s25+$0x0 ss:$0x1] =	vst.idx.msk $0xffff, v15;
	v16 =	vld.idx.msk [tilespmem:v3+s23+$0x0 ss:$0x1], $0xffff  }
0x137: {  	s31 =	sand.u32 $0x1C00, s15;
	s14 =	sor.u32 $0x10, s17;
	v15 =	vld.idx.msk [tilespmem:v1+s25+$0x0 ss:$0x1], $0xffff;
	[tilespmem:v2+s28+$0x0 ss:$0x1] =	vst.idx.msk $0xffff, v6  }
0x138: {  	s12 =	sor.u32 s14, s31;
	v6 =	vld.idx.msk [tilespmem:v1+s28+$0x0 ss:$0x1], $0xffff  }
0x139: {  	[tilespmem:v2+s29+$0x0 ss:$0x1] =	vst.idx.msk $0xffff, v7;
	v9 =	vadd.f32 v11, v9;
	v11 =	vld.idx.msk [tilespmem:v4+s12+$0x0 ss:$0x1], $0xffff  }
0x13a: {  	v7 =	vld.idx.msk [tilespmem:v1+s29+$0x0 ss:$0x1], $0xffff;
	v8 =	vadd.f32 v14, v8  }
0x13b: {  	s3 =	sor.u32 $0x280, s8;
	[tilespmem:v0+s5+$0x0 ss:$0x1] =	vst.idx.msk $0xffff, v9;
	v9 =	vld.idx.msk [tilespmem:v3+s12+$0x0 ss:$0x1], $0xffff  }
0x13c: {  	s1 =	sadd.s32 $0x1B80, s1;
	s26 =	sadd.s32 $0x1900, s11;
	v14 =	vld.idx.msk [tilespmem:v4+s3+$0x0 ss:$0x1], $0xffff;
	[tilespmem:v0+s16+$0x0 ss:$0x1] =	vst.idx.msk $0xffff, v8  }
0x13d: {  	s9 =	sor.u32 s24, s26;
	v8 =	vld.idx.msk [tilespmem:v3+s3+$0x0 ss:$0x1], $0xffff;
	[smem:$0x7F6] =	sst s1  }
0x13e: {  	v6 =	vadd.f32 v6, v10;
	v10 =	vld.idx.msk [tilespmem:v4+s9+$0x0 ss:$0x1], $0xffff  }
0x13f: {  	s16 =	sor.u32 s17, s31;
	v7 =	vadd.f32 v7, v13;
	v13 =	vld.idx.msk [tilespmem:v3+s9+$0x0 ss:$0x1], $0xffff  }
0x140: {  	s8 =	sor.u32 s0, s1;
	[tilespmem:v0+s28+$0x0 ss:$0x1] =	vst.idx.msk $0xffff, v6;
	v18 =	vld.idx.msk [tilespmem:v4+s16+$0x0 ss:$0x1], $0xffff  }
0x141: {  	v6 =	vld.idx.msk [tilespmem:v4+s8+$0x0 ss:$0x1], $0xffff  }
0x142: {  	s0 =	sor.u32 $0x280, s18;
	v9 =	vadd.f32 v9, v11;
	v17 =	vld.idx.msk [tilespmem:v3+s8+$0x0 ss:$0x1], $0xffff;
	[tilespmem:v0+s29+$0x0 ss:$0x1] =	vst.idx.msk $0xffff, v7  }
0x143: {  	v19 =	vld.idx.msk [tilespmem:v4+s0+$0x0 ss:$0x1], $0xffff  }
0x144: {  	v16 =	vadd.f32 v16, v5;
	[tilespmem:v2+s12+$0x0 ss:$0x1] =	vst.idx.msk $0xffff, v9;
	v9 =	vld.idx.msk [tilespmem:v3+s0+$0x0 ss:$0x1], $0xffff  }
0x145: {  	v7 =	vld.idx.msk [tilespmem:v3+s16+$0x0 ss:$0x1], $0xffff;
	v8 =	vadd.f32 v8, v14  }
0x146: {  	v12 =	vadd.f32 v15, v12;
	[tilespmem:v2+s23+$0x0 ss:$0x1] =	vst.idx.msk $0xffff, v16;
	v16 =	vld.idx.msk [tilespmem:v1+s12+$0x0 ss:$0x1], $0xffff  }
0x147: {  	[tilespmem:v2+s3+$0x0 ss:$0x1] =	vst.idx.msk $0xffff, v8;
	v8 =	vld.idx.msk [tilespmem:v1+s23+$0x0 ss:$0x1], $0xffff;
	v13 =	vadd.f32 v13, v10  }
0x148: {  	s18 =	sor.u32 s22, s21;
	[tilespmem:v0+s25+$0x0 ss:$0x1] =	vst.idx.msk $0xffff, v12;
	v17 =	vadd.f32 v17, v6;
	v15 =	vld.idx.msk [tilespmem:v1+s3+$0x0 ss:$0x1], $0xffff  }
0x149: {  	[tilespmem:v2+s9+$0x0 ss:$0x1] =	vst.idx.msk $0xffff, v13;
	v9 =	vadd.f32 v9, v19;
	v13 =	vld.idx.msk [tilespmem:v4+s18+$0x0 ss:$0x1], $0xffff  }
0x14a: {  	[tilespmem:v2+s8+$0x0 ss:$0x1] =	vst.idx.msk $0xffff, v17;
	v17 =	vadd.f32 v7, v18;
	v12 =	vld.idx.msk [tilespmem:v1+s9+$0x0 ss:$0x1], $0xffff  }
0x14b: {  	s29 =	simm.s32 $0x2;
	v7 =	vld.idx.msk [tilespmem:v1+s8+$0x0 ss:$0x1], $0xffff;
	[tilespmem:v2+s0+$0x0 ss:$0x1] =	vst.idx.msk $0xffff, v9  }
0x14c: {  	s1 =	sand.u32 $0x3, s29;
	v11 =	vadd.f32 v16, v11;
	v9 =	vld.idx.msk [tilespmem:v3+s18+$0x0 ss:$0x1], $0xffff;
	[tilespmem:v2+s16+$0x0 ss:$0x1] =	vst.idx.msk $0xffff, v17  }
0x14d: {  	s1 =	sshll.u32 s1, $0x5;
	v17 =	vld.idx.msk [tilespmem:v1+s16+$0x0 ss:$0x1], $0xffff  }
0x14e: {  	s25 =	sor.u32 $0x80, s12;
	s21 =	sadd.s32 $0x200, s1;
	[tilespmem:v0+s12+$0x0 ss:$0x1] =	vst.idx.msk $0xffff, v11;
	v11 =	vld.idx.msk [tilespmem:v1+s0+$0x0 ss:$0x1], $0xffff;
	v14 =	vadd.f32 v15, v14  }
0x14f: {  	s28 =	sadd.s32 $0x10, s21;
	v15 =	vld.idx.msk [tilespmem:v4+s25+$0x0 ss:$0x1], $0xffff  }
0x150: {  	[tilespmem:v0+s3+$0x0 ss:$0x1] =	vst.idx.msk $0xffff, v14;
	v14 =	vld.idx.msk [tilespmem:v3+s25+$0x0 ss:$0x1], $0xffff;
	v10 =	vadd.f32 v12, v10;
	s3 =	sor.u32 $0x300, s28  }
0x151: {  	s1 =	sadd.s32 $0x1980, s11;
	v12 =	vld.idx.msk [tilespmem:v4+s3+$0x0 ss:$0x1], $0xffff  }
0x152: {  	v16 =	vld.idx.msk [tilespmem:v3+s3+$0x0 ss:$0x1], $0xffff;
	[tilespmem:v0+s9+$0x0 ss:$0x1] =	vst.idx.msk $0xffff, v10;
	s9 =	sor.u32 s24, s1;
	v10 =	vadd.f32 v17, v18  }
0x153: {  	v17 =	vld.idx.msk [tilespmem:v4+s9+$0x0 ss:$0x1], $0xffff  }
0x154: {  	s29 =	sor.u32 $0x80, s16;
	[tilespmem:v0+s16+$0x0 ss:$0x1] =	vst.idx.msk $0xffff, v10;
	v10 =	vadd.f32 v11, v19;
	v11 =	vld.idx.msk [tilespmem:v3+s9+$0x0 ss:$0x1], $0xffff  }
0x155: {  	v18 =	vld.idx.msk [tilespmem:v4+s29+$0x0 ss:$0x1], $0xffff  }
0x156: {  	s30 =	sor.u32 $0x300, s21;
	v14 =	vadd.f32 v14, v15;
	[tilespmem:v0+s0+$0x0 ss:$0x1] =	vst.idx.msk $0xffff, v10;
	v10 =	vld.idx.msk [tilespmem:v3+s29+$0x0 ss:$0x1], $0xffff  }
0x157: {  	v5 =	vadd.f32 v8, v5;
	v8 =	vld.idx.msk [tilespmem:v4+s30+$0x0 ss:$0x1], $0xffff  }
0x158: {  	v16 =	vadd.f32 v16, v12;
	[tilespmem:v2+s25+$0x0 ss:$0x1] =	vst.idx.msk $0xffff, v14;
	v14 =	vld.idx.msk [tilespmem:v3+s30+$0x0 ss:$0x1], $0xffff  }
0x159: {  	s21 =	sor.u32 s13, s26;
	[tilespmem:v0+s23+$0x0 ss:$0x1] =	vst.idx.msk $0xffff, v5;
	v5 =	vld.idx.msk [tilespmem:v1+s25+$0x0 ss:$0x1], $0xffff  }
0x15a: {  	v20 =	vld.idx.msk [tilespmem:v3+s21+$0x0 ss:$0x1], $0xffff;
	[tilespmem:v2+s3+$0x0 ss:$0x1] =	vst.idx.msk $0xffff, v16;
	v11 =	vadd.f32 v11, v17  }
0x15b: {  	v9 =	vadd.f32 v9, v13;
	v19 =	vld.idx.msk [tilespmem:v1+s3+$0x0 ss:$0x1], $0xffff  }
0x15c: {  	v16 =	vld.idx.msk [tilespmem:v4+s21+$0x0 ss:$0x1], $0xffff;
	v10 =	vadd.f32 v10, v18;
	[tilespmem:v2+s9+$0x0 ss:$0x1] =	vst.idx.msk $0xffff, v11  }
0x15d: {  	[tilespmem:v2+s18+$0x0 ss:$0x1] =	vst.idx.msk $0xffff, v9;
	v9 =	vld.idx.msk [tilespmem:v1+s9+$0x0 ss:$0x1], $0xffff;
	v11 =	vadd.f32 v14, v8  }
0x15e: {  	v5 =	vadd.f32 v5, v15;
	[tilespmem:v2+s29+$0x0 ss:$0x1] =	vst.idx.msk $0xffff, v10;
	v10 =	vld.idx.msk [tilespmem:v1+s18+$0x0 ss:$0x1], $0xffff  }
0x15f: {  	v14 =	vld.idx.msk [tilespmem:v1+s29+$0x0 ss:$0x1], $0xffff;
	[tilespmem:v2+s30+$0x0 ss:$0x1] =	vst.idx.msk $0xffff, v11  }
0x160: {  	s26 =	sor.u32 $0x100, s12;
	[tilespmem:v0+s25+$0x0 ss:$0x1] =	vst.idx.msk $0xffff, v5;
	v11 =	vadd.f32 v19, v12;
	v5 =	vld.idx.msk [tilespmem:v1+s30+$0x0 ss:$0x1], $0xffff  }
0x161: {  	v12 =	vld.idx.msk [tilespmem:v4+s26+$0x0 ss:$0x1], $0xffff  }
0x162: {  	s5 =	sor.u32 $0x380, s28;
	[tilespmem:v0+s3+$0x0 ss:$0x1] =	vst.idx.msk $0xffff, v11;
	v11 =	vld.idx.msk [tilespmem:v3+s26+$0x0 ss:$0x1], $0xffff;
	v9 =	vadd.f32 v9, v17  }
0x163: {  	s3 =	sadd.s32 $0x1A00, s11;
	v15 =	vld.idx.msk [tilespmem:v4+s5+$0x0 ss:$0x1], $0xffff  }
0x164: {  	s25 =	sor.u32 s24, s3;
	[tilespmem:v0+s9+$0x0 ss:$0x1] =	vst.idx.msk $0xffff, v9;
	v9 =	vadd.f32 v14, v18;
	v14 =	vld.idx.msk [tilespmem:v3+s5+$0x0 ss:$0x1], $0xffff  }
0x165: {  	v17 =	vld.idx.msk [tilespmem:v4+s25+$0x0 ss:$0x1], $0xffff  }
0x166: {  	s0 =	sor.u32 $0x100, s16;
	v5 =	vadd.f32 v5, v8;
	v8 =	vld.idx.msk [tilespmem:v3+s25+$0x0 ss:$0x1], $0xffff;
	[tilespmem:v0+s29+$0x0 ss:$0x1] =	vst.idx.msk $0xffff, v9  }
0x167: {  	s2 =	sor.u32 s4, s2;
	v9 =	vld.idx.msk [tilespmem:v4+s0+$0x0 ss:$0x1], $0xffff  }
0x168: {  	s4 =	sor.u32 $0x380, s2;
	v11 =	vadd.f32 v11, v12;
	[tilespmem:v0+s30+$0x0 ss:$0x1] =	vst.idx.msk $0xffff, v5;
	v5 =	vld.idx.msk [tilespmem:v3+s0+$0x0 ss:$0x1], $0xffff  }
0x169: {  	v18 =	vadd.f32 v20, v16;
	v19 =	vld.idx.msk [tilespmem:v4+s4+$0x0 ss:$0x1], $0xffff  }
0x16a: {  	[tilespmem:v2+s26+$0x0 ss:$0x1] =	vst.idx.msk $0xffff, v11;
	v11 =	vld.idx.msk [tilespmem:v3+s4+$0x0 ss:$0x1], $0xffff;
	v14 =	vadd.f32 v14, v15  }
0x16b: {  	v10 =	vadd.f32 v10, v13;
	[tilespmem:v2+s21+$0x0 ss:$0x1] =	vst.idx.msk $0xffff, v18;
	v13 =	vld.idx.msk [tilespmem:v1+s26+$0x0 ss:$0x1], $0xffff  }
0x16c: {  	v8 =	vadd.f32 v8, v17;
	[tilespmem:v2+s5+$0x0 ss:$0x1] =	vst.idx.msk $0xffff, v14;
	v14 =	vld.idx.msk [tilespmem:v1+s21+$0x0 ss:$0x1], $0xffff  }
0x16d: {  	s2 =	sor.u32 s22, s19;
	[tilespmem:v0+s18+$0x0 ss:$0x1] =	vst.idx.msk $0xffff, v10;
	v10 =	vld.idx.msk [tilespmem:v1+s5+$0x0 ss:$0x1], $0xffff  }
0x16e: {  	v5 =	vadd.f32 v5, v9;
	[tilespmem:v2+s25+$0x0 ss:$0x1] =	vst.idx.msk $0xffff, v8;
	v8 =	vld.idx.msk [tilespmem:v4+s2+$0x0 ss:$0x1], $0xffff  }
0x16f: {  	v18 =	vld.idx.msk [tilespmem:v1+s25+$0x0 ss:$0x1], $0xffff;
	v11 =	vadd.f32 v11, v19  }
0x170: {  	[tilespmem:v2+s0+$0x0 ss:$0x1] =	vst.idx.msk $0xffff, v5;
	v5 =	vld.idx.msk [tilespmem:v3+s2+$0x0 ss:$0x1], $0xffff;
	v12 =	vadd.f32 v13, v12  }
0x171: {  	v13 =	vld.idx.msk [tilespmem:v1+s0+$0x0 ss:$0x1], $0xffff;
	[tilespmem:v2+s4+$0x0 ss:$0x1] =	vst.idx.msk $0xffff, v11  }
0x172: {  	s19 =	sor.u32 $0x180, s12;
	[tilespmem:v0+s26+$0x0 ss:$0x1] =	vst.idx.msk $0xffff, v12;
	v11 =	vld.idx.msk [tilespmem:v1+s4+$0x0 ss:$0x1], $0xffff;
	v10 =	vadd.f32 v10, v15  }
0x173: {  	s26 =	sadd.s32 $0x1800, s7;
	v12 =	vld.idx.msk [tilespmem:v4+s19+$0x0 ss:$0x1], $0xffff  }
0x174: {  	v15 =	vadd.f32 v18, v17;
	[tilespmem:v0+s5+$0x0 ss:$0x1] =	vst.idx.msk $0xffff, v10;
	v10 =	vld.idx.msk [tilespmem:v3+s19+$0x0 ss:$0x1], $0xffff;
	s5 =	sor.u32 s20, s26  }
0x175: {  	s18 =	sadd.s32 $0x1A80, s11;
	v17 =	vld.idx.msk [tilespmem:v4+s5+$0x0 ss:$0x1], $0xffff  }
0x176: {  	s29 =	sor.u32 s24, s18;
	[tilespmem:v0+s25+$0x0 ss:$0x1] =	vst.idx.msk $0xffff, v15;
	v9 =	vadd.f32 v13, v9;
	v13 =	vld.idx.msk [tilespmem:v3+s5+$0x0 ss:$0x1], $0xffff  }
0x177: {  	v15 =	vld.idx.msk [tilespmem:v4+s29+$0x0 ss:$0x1], $0xffff  }
0x178: {  	[tilespmem:v0+s0+$0x0 ss:$0x1] =	vst.idx.msk $0xffff, v9;
	v9 =	vadd.f32 v11, v19;
	v11 =	vld.idx.msk [tilespmem:v3+s29+$0x0 ss:$0x1], $0xffff;
	s0 =	sor.u32 $0x180, s16  }
0x179: {  	v18 =	vld.idx.msk [tilespmem:v4+s0+$0x0 ss:$0x1], $0xffff  }
0x17a: {  	s23 =	sor.u32 s10, s26;
	[tilespmem:v0+s4+$0x0 ss:$0x1] =	vst.idx.msk $0xffff, v9;
	v9 =	vld.idx.msk [tilespmem:v3+s0+$0x0 ss:$0x1], $0xffff;
	v10 =	vadd.f32 v10, v12  }
0x17b: {  	v14 =	vadd.f32 v14, v16;
	v16 =	vld.idx.msk [tilespmem:v4+s23+$0x0 ss:$0x1], $0xffff  }
0x17c: {  	v13 =	vadd.f32 v13, v17;
	[tilespmem:v2+s19+$0x0 ss:$0x1] =	vst.idx.msk $0xffff, v10;
	v10 =	vld.idx.msk [tilespmem:v3+s23+$0x0 ss:$0x1], $0xffff  }
0x17d: {  	[tilespmem:v0+s21+$0x0 ss:$0x1] =	vst.idx.msk $0xffff, v14;
	s4 =	sor.u32 s13, s1;
	v14 =	vld.idx.msk [tilespmem:v1+s19+$0x0 ss:$0x1], $0xffff  }
0x17e: {  	v46 =	vld.idx.msk [tilespmem:v3+s4+$0x0 ss:$0x1], $0xffff;
	[tilespmem:v2+s5+$0x0 ss:$0x1] =	vst.idx.msk $0xffff, v13;
	v11 =	vadd.f32 v11, v15  }
0x17f: {  	v5 =	vadd.f32 v5, v8;
	v19 =	vld.idx.msk [tilespmem:v1+s5+$0x0 ss:$0x1], $0xffff  }
0x180: {  	v13 =	vld.idx.msk [tilespmem:v4+s4+$0x0 ss:$0x1], $0xffff;
	v9 =	vadd.f32 v9, v18;
	[tilespmem:v2+s29+$0x0 ss:$0x1] =	vst.idx.msk $0xffff, v11  }
0x181: {  	[tilespmem:v2+s2+$0x0 ss:$0x1] =	vst.idx.msk $0xffff, v5;
	v5 =	vld.idx.msk [tilespmem:v1+s29+$0x0 ss:$0x1], $0xffff;
	v10 =	vadd.f32 v10, v16  }
0x182: {  	[tilespmem:v2+s0+$0x0 ss:$0x1] =	vst.idx.msk $0xffff, v9;
	v9 =	vld.idx.msk [tilespmem:v1+s2+$0x0 ss:$0x1], $0xffff;
	v11 =	vadd.f32 v14, v12  }
0x183: {  	v12 =	vld.idx.msk [tilespmem:v1+s0+$0x0 ss:$0x1], $0xffff;
	[tilespmem:v2+s23+$0x0 ss:$0x1] =	vst.idx.msk $0xffff, v10  }
0x184: {  	s21 =	sor.u32 $0x200, s12;
	[tilespmem:v0+s19+$0x0 ss:$0x1] =	vst.idx.msk $0xffff, v11;
	v10 =	vld.idx.msk [tilespmem:v1+s23+$0x0 ss:$0x1], $0xffff;
	v11 =	vadd.f32 v19, v17  }
0x185: {  	s26 =	sadd.s32 $0x1880, s7;
	v14 =	vld.idx.msk [tilespmem:v4+s21+$0x0 ss:$0x1], $0xffff  }
0x186: {  	v5 =	vadd.f32 v5, v15;
	[tilespmem:v0+s5+$0x0 ss:$0x1] =	vst.idx.msk $0xffff, v11;
	v11 =	vld.idx.msk [tilespmem:v3+s21+$0x0 ss:$0x1], $0xffff;
	s5 =	sor.u32 s20, s26  }
0x187: {  	s19 =	sadd.s32 $0x1B00, s11;
	v15 =	vld.idx.msk [tilespmem:v4+s5+$0x0 ss:$0x1], $0xffff  }
0x188: {  	s9 =	sor.u32 s24, s19;
	[tilespmem:v0+s29+$0x0 ss:$0x1] =	vst.idx.msk $0xffff, v5;
	v5 =	vadd.f32 v12, v18;
	v12 =	vld.idx.msk [tilespmem:v3+s5+$0x0 ss:$0x1], $0xffff  }
0x189: {  	v17 =	vld.idx.msk [tilespmem:v4+s9+$0x0 ss:$0x1], $0xffff  }
0x18a: {  	s28 =	sor.u32 $0x200, s16;
	[tilespmem:v0+s0+$0x0 ss:$0x1] =	vst.idx.msk $0xffff, v5;
	v5 =	vadd.f32 v10, v16;
	v10 =	vld.idx.msk [tilespmem:v3+s9+$0x0 ss:$0x1], $0xffff  }
0x18b: {  	v16 =	vld.idx.msk [tilespmem:v4+s28+$0x0 ss:$0x1], $0xffff  }
0x18c: {  	s26 =	sor.u32 s10, s26;
	v18 =	vld.idx.msk [tilespmem:v3+s28+$0x0 ss:$0x1], $0xffff;
	[tilespmem:v0+s23+$0x0 ss:$0x1] =	vst.idx.msk $0xffff, v5;
	v5 =	vadd.f32 v46, v13  }
0x18d: {  	v11 =	vadd.f32 v11, v14;
	v19 =	vld.idx.msk [tilespmem:v4+s26+$0x0 ss:$0x1], $0xffff  }
0x18e: {  	[tilespmem:v2+s4+$0x0 ss:$0x1] =	vst.idx.msk $0xffff, v5;
	v5 =	vadd.f32 v9, v8;
	v8 =	vld.idx.msk [tilespmem:v3+s26+$0x0 ss:$0x1], $0xffff  }
0x18f: {  	[tilespmem:v2+s21+$0x0 ss:$0x1] =	vst.idx.msk $0xffff, v11;
	v9 =	vadd.f32 v12, v15;
	v11 =	vld.idx.msk [tilespmem:v1+s4+$0x0 ss:$0x1], $0xffff  }
0x190: {  	s25 =	sor.u32 s22, s6;
	v12 =	vld.idx.msk [tilespmem:v1+s21+$0x0 ss:$0x1], $0xffff;
	v10 =	vadd.f32 v10, v17;
	[tilespmem:v0+s2+$0x0 ss:$0x1] =	vst.idx.msk $0xffff, v5  }
0x191: {  	[tilespmem:v2+s5+$0x0 ss:$0x1] =	vst.idx.msk $0xffff, v9;
	v5 =	vld.idx.msk [tilespmem:v4+s25+$0x0 ss:$0x1], $0xffff  }
0x192: {  	s29 =	simm.s32 $0x80;
	v9 =	vadd.f32 v18, v16;
	v18 =	vld.idx.msk [tilespmem:v1+s5+$0x0 ss:$0x1], $0xffff;
	[tilespmem:v2+s9+$0x0 ss:$0x1] =	vst.idx.msk $0xffff, v10  }
0x193: {  	s1 =	simm.s32 $0x400;
	s0 =	sand.u32 $0x60, s29;
	v10 =	vld.idx.msk [tilespmem:v1+s9+$0x0 ss:$0x1], $0xffff  }
0x194: {  	s29 =	sand.u32 $0x1C00, s1;
	s6 =	sor.u32 $0x10, s0;
	v47 =	vld.idx.msk [tilespmem:v3+s25+$0x0 ss:$0x1], $0xffff;
	[tilespmem:v2+s28+$0x0 ss:$0x1] =	vst.idx.msk $0xffff, v9  }
0x195: {  	s2 =	sor.u32 s6, s29;
	v21 =	vld.idx.msk [tilespmem:v1+s28+$0x0 ss:$0x1], $0xffff;
	[dreg:$0x6] =	wrdreg s6;
	v9 =	vadd.f32 v12, v14  }
0x196: {  	v12 =	vld.idx.msk [tilespmem:v4+s2+$0x0 ss:$0x1], $0xffff  }
0x197: {  	s30 =	sor.u32 $0x280, s12;
	v14 =	vld.idx.msk [tilespmem:v3+s2+$0x0 ss:$0x1], $0xffff;
	[tilespmem:v0+s21+$0x0 ss:$0x1] =	vst.idx.msk $0xffff, v9;
	v9 =	vadd.f32 v18, v15  }
0x198: {  	s6 =	sadd.s32 $0x1900, s7;
	v15 =	vld.idx.msk [tilespmem:v4+s30+$0x0 ss:$0x1], $0xffff;
	v10 =	vadd.f32 v10, v17  }
0x199: {  	v17 =	vld.idx.msk [tilespmem:v3+s30+$0x0 ss:$0x1], $0xffff;
	[tilespmem:v0+s5+$0x0 ss:$0x1] =	vst.idx.msk $0xffff, v9;
	s5 =	sor.u32 s20, s6  }
0x19a: {  	s11 =	sadd.s32 $0x1B80, s11;
	[tilespmem:v0+s9+$0x0 ss:$0x1] =	vst.idx.msk $0xffff, v10;
	v10 =	vld.idx.msk [tilespmem:v4+s5+$0x0 ss:$0x1], $0xffff  }
0x19b: {  	s21 =	sor.u32 s24, s11;
	v48 =	vld.idx.msk [tilespmem:v3+s5+$0x0 ss:$0x1], $0xffff  }
0x19c: {  	v9 =	vld.idx.msk [tilespmem:v4+s21+$0x0 ss:$0x1], $0xffff  }
0x19d: {  	v18 =	vld.idx.msk [tilespmem:v3+s21+$0x0 ss:$0x1], $0xffff;
	[dreg:$0x5] =	wrdreg s0  }
0x19e: {  	s23 =	sor.u32 s0, s29;
	v16 =	vadd.f32 v21, v16;
	[dreg:$0x7] =	wrdreg s29  }
0x19f: {  	v14 =	vadd.f32 v14, v12;
	v22 =	vld.idx.msk [tilespmem:v4+s23+$0x0 ss:$0x1], $0xffff  }
0x1a0: {  	v8 =	vadd.f32 v8, v19;
	s9 =	sor.u32 $0x280, s16;
	[tilespmem:v0+s28+$0x0 ss:$0x1] =	vst.idx.msk $0xffff, v16;
	v16 =	vld.idx.msk [tilespmem:v3+s23+$0x0 ss:$0x1], $0xffff  }
0x1a1: {  	v13 =	vadd.f32 v11, v13;
	[tilespmem:v2+s2+$0x0 ss:$0x1] =	vst.idx.msk $0xffff, v14;
	v23 =	vld.idx.msk [tilespmem:v4+s9+$0x0 ss:$0x1], $0xffff  }
0x1a2: {  	[tilespmem:v2+s26+$0x0 ss:$0x1] =	vst.idx.msk $0xffff, v8;
	v14 =	vld.idx.msk [tilespmem:v3+s9+$0x0 ss:$0x1], $0xffff;
	v17 =	vadd.f32 v17, v15  }
0x1a3: {  	[tilespmem:v0+s4+$0x0 ss:$0x1] =	vst.idx.msk $0xffff, v13;
	v8 =	vld.idx.msk [tilespmem:v1+s2+$0x0 ss:$0x1], $0xffff;
	v21 =	vadd.f32 v48, v10  }
0x1a4: {  	[tilespmem:v2+s30+$0x0 ss:$0x1] =	vst.idx.msk $0xffff, v17;
	v17 =	vld.idx.msk [tilespmem:v1+s26+$0x0 ss:$0x1], $0xffff;
	v18 =	vadd.f32 v18, v9  }
0x1a5: {  	v24 =	vld.idx.msk [tilespmem:v1+s30+$0x0 ss:$0x1], $0xffff;
	[tilespmem:v2+s5+$0x0 ss:$0x1] =	vst.idx.msk $0xffff, v21  }
0x1a6: {  	v16 =	vadd.f32 v16, v22;
	[tilespmem:v2+s21+$0x0 ss:$0x1] =	vst.idx.msk $0xffff, v18;
	v13 =	vld.idx.msk [tilespmem:v1+s5+$0x0 ss:$0x1], $0xffff  }
0x1a7: {  	s16 =	sor.u32 s13, s3;
	v11 =	vld.idx.msk [tilespmem:v1+s21+$0x0 ss:$0x1], $0xffff  }
0x1a8: {  	s29 =	simm.s32 $0x3;
	s4 =	simm.s32 $0x3;
	v14 =	vadd.f32 v14, v23;
	[tilespmem:v2+s23+$0x0 ss:$0x1] =	vst.idx.msk $0xffff, v16;
	v16 =	vld.idx.msk [tilespmem:v4+s16+$0x0 ss:$0x1], $0xffff  }
0x1a9: {  	s24 =	sand.u32 $0x3, s29;
	v8 =	vadd.f32 v8, v12;
	v18 =	vld.idx.msk [tilespmem:v1+s23+$0x0 ss:$0x1], $0xffff;
	[dreg:$0xa] =	wrdreg s4  }
0x1aa: {  	s0 =	sshll.u32 s24, $0x5;
	[tilespmem:v2+s9+$0x0 ss:$0x1] =	vst.idx.msk $0xffff, v14;
	v12 =	vld.idx.msk [tilespmem:v3+s16+$0x0 ss:$0x1], $0xffff  }
0x1ab: {  	s29 =	sor.u32 $0x80, s2;
	s0 =	sadd.s32 $0x300, s0;
	[tilespmem:v0+s2+$0x0 ss:$0x1] =	vst.idx.msk $0xffff, v8;
	v14 =	vadd.f32 v24, v15;
	v8 =	vld.idx.msk [tilespmem:v1+s9+$0x0 ss:$0x1], $0xffff  }
0x1ac: {  	s28 =	sadd.s32 $0x10, s0;
	v15 =	vld.idx.msk [tilespmem:v4+s29+$0x0 ss:$0x1], $0xffff  }
0x1ad: {  	[tilespmem:v0+s30+$0x0 ss:$0x1] =	vst.idx.msk $0xffff, v14;
	v14 =	vld.idx.msk [tilespmem:v3+s29+$0x0 ss:$0x1], $0xffff;
	v10 =	vadd.f32 v13, v10;
	s30 =	sor.u32 $0x300, s28  }
0x1ae: {  	s4 =	sadd.s32 $0x1980, s7;
	v13 =	vld.idx.msk [tilespmem:v4+s30+$0x0 ss:$0x1], $0xffff  }
0x1af: {  	s3 =	sor.u32 s20, s4;
	[tilespmem:v0+s5+$0x0 ss:$0x1] =	vst.idx.msk $0xffff, v10;
	v10 =	vadd.f32 v18, v22;
	v18 =	vld.idx.msk [tilespmem:v3+s30+$0x0 ss:$0x1], $0xffff  }
0x1b0: {  	v21 =	vld.idx.msk [tilespmem:v4+s3+$0x0 ss:$0x1], $0xffff  }
0x1b1: {  	s12 =	smov.u32 s31;
	s31 =	sor.u32 $0x80, s23;
	[tilespmem:v0+s23+$0x0 ss:$0x1] =	vst.idx.msk $0xffff, v10;
	v8 =	vadd.f32 v8, v23;
	v10 =	vld.idx.msk [tilespmem:v3+s3+$0x0 ss:$0x1], $0xffff  }
0x1b2: {  	v49 =	vld.idx.msk [tilespmem:v4+s31+$0x0 ss:$0x1], $0xffff  }
0x1b3: {  	v14 =	vadd.f32 v14, v15;
	[tilespmem:v0+s9+$0x0 ss:$0x1] =	vst.idx.msk $0xffff, v8;
	s9 =	sor.u32 $0x300, s0;
	v8 =	vld.idx.msk [tilespmem:v3+s31+$0x0 ss:$0x1], $0xffff  }
0x1b4: {  	v17 =	vadd.f32 v17, v19;
	v19 =	vld.idx.msk [tilespmem:v4+s9+$0x0 ss:$0x1], $0xffff  }
0x1b5: {  	[tilespmem:v2+s29+$0x0 ss:$0x1] =	vst.idx.msk $0xffff, v14;
	v14 =	vld.idx.msk [tilespmem:v3+s9+$0x0 ss:$0x1], $0xffff;
	v18 =	vadd.f32 v18, v13  }
0x1b6: {  	s6 =	sor.u32 s10, s6;
	[tilespmem:v0+s26+$0x0 ss:$0x1] =	vst.idx.msk $0xffff, v17;
	v17 =	vld.idx.msk [tilespmem:v1+s29+$0x0 ss:$0x1], $0xffff  }
0x1b7: {  	[tilespmem:v2+s30+$0x0 ss:$0x1] =	vst.idx.msk $0xffff, v18;
	v18 =	vld.idx.msk [tilespmem:v4+s6+$0x0 ss:$0x1], $0xffff;
	v10 =	vadd.f32 v10, v21  }
0x1b8: {  	v12 =	vadd.f32 v12, v16;
	v50 =	vld.idx.msk [tilespmem:v1+s30+$0x0 ss:$0x1], $0xffff  }
0x1b9: {  	v8 =	vadd.f32 v8, v49;
	[tilespmem:v2+s3+$0x0 ss:$0x1] =	vst.idx.msk $0xffff, v10;
	v10 =	vld.idx.msk [tilespmem:v3+s6+$0x0 ss:$0x1], $0xffff  }
0x1ba: {  	v20 =	vadd.f32 v47, v5;
	[tilespmem:v2+s16+$0x0 ss:$0x1] =	vst.idx.msk $0xffff, v12;
	v12 =	vld.idx.msk [tilespmem:v1+s3+$0x0 ss:$0x1], $0xffff  }
0x1bb: {  	[tilespmem:v2+s31+$0x0 ss:$0x1] =	vst.idx.msk $0xffff, v8;
	v8 =	vadd.f32 v14, v19;
	v14 =	vld.idx.msk [tilespmem:v1+s16+$0x0 ss:$0x1], $0xffff  }
0x1bc: {  	[tilespmem:v2+s25+$0x0 ss:$0x1] =	vst.idx.msk $0xffff, v20;
	v15 =	vadd.f32 v17, v15;
	v51 =	vld.idx.msk [tilespmem:v1+s31+$0x0 ss:$0x1], $0xffff  }
0x1bd: {  	[tilespmem:v2+s9+$0x0 ss:$0x1] =	vst.idx.msk $0xffff, v8;
	v8 =	vld.idx.msk [tilespmem:v1+s25+$0x0 ss:$0x1], $0xffff  }
0x1be: {  	s24 =	sor.u32 $0x100, s2;
	[tilespmem:v0+s29+$0x0 ss:$0x1] =	vst.idx.msk $0xffff, v15;
	v13 =	vadd.f32 v50, v13;
	v15 =	vld.idx.msk [tilespmem:v1+s9+$0x0 ss:$0x1], $0xffff  }
0x1bf: {  	v17 =	vld.idx.msk [tilespmem:v4+s24+$0x0 ss:$0x1], $0xffff  }
0x1c0: {  	s26 =	sor.u32 $0x380, s28;
	[tilespmem:v0+s30+$0x0 ss:$0x1] =	vst.idx.msk $0xffff, v13;
	v13 =	vld.idx.msk [tilespmem:v3+s24+$0x0 ss:$0x1], $0xffff;
	v12 =	vadd.f32 v12, v21  }
0x1c1: {  	s0 =	sadd.s32 $0x1A00, s7;
	v52 =	vld.idx.msk [tilespmem:v4+s26+$0x0 ss:$0x1], $0xffff  }
0x1c2: {  	s5 =	sor.u32 s20, s0;
	v53 =	vld.idx.msk [tilespmem:v3+s26+$0x0 ss:$0x1], $0xffff;
	[tilespmem:v0+s3+$0x0 ss:$0x1] =	vst.idx.msk $0xffff, v12;
	v12 =	vadd.f32 v51, v49  }
0x1c3: {  	v54 =	vld.idx.msk [tilespmem:v4+s5+$0x0 ss:$0x1], $0xffff  }
0x1c4: {  	s28 =	sor.u32 $0x100, s23;
	s29 =	simm.s32 $0x60;
	[tilespmem:v0+s31+$0x0 ss:$0x1] =	vst.idx.msk $0xffff, v12;
	v12 =	vadd.f32 v15, v19;
	v15 =	vld.idx.msk [tilespmem:v3+s5+$0x0 ss:$0x1], $0xffff  }
0x1c5: {  	s15 =	sor.u32 s15, s29;
	v19 =	vld.idx.msk [tilespmem:v4+s28+$0x0 ss:$0x1], $0xffff  }
0x1c6: {  	v13 =	vadd.f32 v13, v17;
	[tilespmem:v0+s9+$0x0 ss:$0x1] =	vst.idx.msk $0xffff, v12;
	s9 =	sor.u32 $0x380, s15;
	v12 =	vld.idx.msk [tilespmem:v3+s28+$0x0 ss:$0x1], $0xffff  }
0x1c7: {  	v10 =	vadd.f32 v10, v18;
	v55 =	vld.idx.msk [tilespmem:v4+s9+$0x0 ss:$0x1], $0xffff  }
0x1c8: {  	v20 =	vadd.f32 v53, v52;
	[tilespmem:v2+s24+$0x0 ss:$0x1] =	vst.idx.msk $0xffff, v13;
	v13 =	vld.idx.msk [tilespmem:v3+s9+$0x0 ss:$0x1], $0xffff  }
0x1c9: {  	[tilespmem:v2+s6+$0x0 ss:$0x1] =	vst.idx.msk $0xffff, v10;
	v10 =	vadd.f32 v14, v16;
	v14 =	vld.idx.msk [tilespmem:v1+s24+$0x0 ss:$0x1], $0xffff  }
0x1ca: {  	v16 =	vld.idx.msk [tilespmem:v1+s6+$0x0 ss:$0x1], $0xffff;
	[tilespmem:v2+s26+$0x0 ss:$0x1] =	vst.idx.msk $0xffff, v20;
	v15 =	vadd.f32 v15, v54  }
0x1cb: {  	[tilespmem:v0+s16+$0x0 ss:$0x1] =	vst.idx.msk $0xffff, v10;
	s16 =	sor.u32 s13, s18;
	v10 =	vld.idx.msk [tilespmem:v1+s26+$0x0 ss:$0x1], $0xffff;
	v12 =	vadd.f32 v12, v19  }
0x1cc: {  	[tilespmem:v2+s5+$0x0 ss:$0x1] =	vst.idx.msk $0xffff, v15;
	v15 =	vld.idx.msk [tilespmem:v4+s16+$0x0 ss:$0x1], $0xffff  }
0x1cd: {  	v5 =	vadd.f32 v8, v5;
	v8 =	vld.idx.msk [tilespmem:v1+s5+$0x0 ss:$0x1], $0xffff;
	[tilespmem:v2+s28+$0x0 ss:$0x1] =	vst.idx.msk $0xffff, v12;
	v12 =	vadd.f32 v13, v55  }
0x1ce: {  	v13 =	vld.idx.msk [tilespmem:v3+s16+$0x0 ss:$0x1], $0xffff;
	v14 =	vadd.f32 v14, v17  }
0x1cf: {  	s15 =	sld [smem:$0x7F6];
	v56 =	vld.idx.msk [tilespmem:v1+s28+$0x0 ss:$0x1], $0xffff;
	[tilespmem:v2+s9+$0x0 ss:$0x1] =	vst.idx.msk $0xffff, v12  }
0x1d0: {  	s18 =	sor.u32 $0x180, s2;
	v10 =	vadd.f32 v10, v52;
	[tilespmem:v0+s24+$0x0 ss:$0x1] =	vst.idx.msk $0xffff, v14;
	v12 =	vld.idx.msk [tilespmem:v1+s9+$0x0 ss:$0x1], $0xffff  }
0x1d1: {  	[tilespmem:v0+s25+$0x0 ss:$0x1] =	vst.idx.msk $0xffff, v5;
	s25 =	sadd.s32 $0x1800, s12;
	v14 =	vld.idx.msk [tilespmem:v4+s18+$0x0 ss:$0x1], $0xffff  }
0x1d2: {  	[tilespmem:v0+s26+$0x0 ss:$0x1] =	vst.idx.msk $0xffff, v10;
	v10 =	vld.idx.msk [tilespmem:v3+s18+$0x0 ss:$0x1], $0xffff;
	s26 =	sor.u32 s14, s25  }
0x1d3: {  	s3 =	sor.u32 s22, s15;
	v17 =	vld.idx.msk [tilespmem:v4+s26+$0x0 ss:$0x1], $0xffff  }
0x1d4: {  	v8 =	vadd.f32 v8, v54;
	v5 =	vld.idx.msk [tilespmem:v4+s3+$0x0 ss:$0x1], $0xffff  }
0x1d5: {  	s29 =	sadd.s32 $0x1A80, s7;
	v61 =	vld.idx.msk [tilespmem:v3+s3+$0x0 ss:$0x1], $0xffff  }
0x1d6: {  	[tilespmem:v0+s5+$0x0 ss:$0x1] =	vst.idx.msk $0xffff, v8;
	v8 =	vadd.f32 v56, v19;
	v19 =	vld.idx.msk [tilespmem:v3+s26+$0x0 ss:$0x1], $0xffff;
	s5 =	sor.u32 s20, s29  }
0x1d7: {  	v57 =	vld.idx.msk [tilespmem:v4+s5+$0x0 ss:$0x1], $0xffff  }
0x1d8: {  	s24 =	sor.u32 $0x180, s23;
	[tilespmem:v0+s28+$0x0 ss:$0x1] =	vst.idx.msk $0xffff, v8;
	v8 =	vadd.f32 v12, v55;
	v12 =	vld.idx.msk [tilespmem:v3+s5+$0x0 ss:$0x1], $0xffff  }
0x1d9: {  	s22 =	smov.u32 s17;
	v58 =	vld.idx.msk [tilespmem:v4+s24+$0x0 ss:$0x1], $0xffff  }
0x1da: {  	v59 =	vld.idx.msk [tilespmem:v3+s24+$0x0 ss:$0x1], $0xffff;
	[tilespmem:v0+s9+$0x0 ss:$0x1] =	vst.idx.msk $0xffff, v8;
	s9 =	sor.u32 s22, s25;
	v8 =	vadd.f32 v10, v14  }
0x1db: {  	v10 =	vadd.f32 v16, v18;
	v16 =	vld.idx.msk [tilespmem:v4+s9+$0x0 ss:$0x1], $0xffff  }
0x1dc: {  	v18 =	vld.idx.msk [tilespmem:v3+s9+$0x0 ss:$0x1], $0xffff;
	[tilespmem:v2+s18+$0x0 ss:$0x1] =	vst.idx.msk $0xffff, v8;
	v8 =	vadd.f32 v19, v17  }
0x1dd: {  	v6 =	vadd.f32 v7, v6;
	s28 =	sor.u32 s10, s4;
	[tilespmem:v0+s6+$0x0 ss:$0x1] =	vst.idx.msk $0xffff, v10;
	v10 =	vld.idx.msk [tilespmem:v1+s18+$0x0 ss:$0x1], $0xffff  }
0x1de: {  	v12 =	vadd.f32 v12, v57;
	v60 =	vld.idx.msk [tilespmem:v3+s28+$0x0 ss:$0x1], $0xffff;
	[tilespmem:v2+s26+$0x0 ss:$0x1] =	vst.idx.msk $0xffff, v8  }
0x1df: {  	[tilespmem:v0+s8+$0x0 ss:$0x1] =	vst.idx.msk $0xffff, v6;
	v13 =	vadd.f32 v13, v15;
	v19 =	vld.idx.msk [tilespmem:v1+s26+$0x0 ss:$0x1], $0xffff  }
0x1e0: {  	v8 =	vld.idx.msk [tilespmem:v4+s28+$0x0 ss:$0x1], $0xffff;
	v22 =	vadd.f32 v59, v58;
	[tilespmem:v2+s5+$0x0 ss:$0x1] =	vst.idx.msk $0xffff, v12  }
0x1e1: {  	[tilespmem:v2+s16+$0x0 ss:$0x1] =	vst.idx.msk $0xffff, v13;
	v13 =	vld.idx.msk [tilespmem:v1+s5+$0x0 ss:$0x1], $0xffff;
	v12 =	vadd.f32 v18, v16  }
0x1e2: {  	[tilespmem:v2+s24+$0x0 ss:$0x1] =	vst.idx.msk $0xffff, v22;
	v18 =	vld.idx.msk [tilespmem:v1+s16+$0x0 ss:$0x1], $0xffff;
	v10 =	vadd.f32 v10, v14  }
0x1e3: {  	v6 =	vadd.f32 v11, v9;
	v14 =	vld.idx.msk [tilespmem:v1+s24+$0x0 ss:$0x1], $0xffff;
	[tilespmem:v2+s9+$0x0 ss:$0x1] =	vst.idx.msk $0xffff, v12  }
0x1e4: {  	s25 =	sor.u32 $0x200, s2;
	v62 =	vld.idx.msk [tilespmem:v1+s9+$0x0 ss:$0x1], $0xffff;
	[tilespmem:v0+s18+$0x0 ss:$0x1] =	vst.idx.msk $0xffff, v10;
	v10 =	vadd.f32 v19, v17  }
0x1e5: {  	[tilespmem:v0+s21+$0x0 ss:$0x1] =	vst.idx.msk $0xffff, v6;
	s17 =	sadd.s32 $0x1880, s12;
	v11 =	vadd.f32 v60, v8;
	v12 =	vld.idx.msk [tilespmem:v4+s25+$0x0 ss:$0x1], $0xffff  }
0x1e6: {  	v13 =	vadd.f32 v13, v57;
	v17 =	vld.idx.msk [tilespmem:v3+s25+$0x0 ss:$0x1], $0xffff;
	[tilespmem:v0+s26+$0x0 ss:$0x1] =	vst.idx.msk $0xffff, v10;
	s26 =	sor.u32 s14, s17  }
0x1e7: {  	s6 =	sadd.s32 $0x1B00, s7;
	v6 =	vadd.f32 v18, v15;
	[tilespmem:v2+s28+$0x0 ss:$0x1] =	vst.idx.msk $0xffff, v11;
	v10 =	vld.idx.msk [tilespmem:v4+s26+$0x0 ss:$0x1], $0xffff  }
0x1e8: {  	s18 =	sor.u32 s20, s6;
	[tilespmem:v0+s5+$0x0 ss:$0x1] =	vst.idx.msk $0xffff, v13;
	v13 =	vadd.f32 v14, v58;
	v19 =	vld.idx.msk [tilespmem:v3+s26+$0x0 ss:$0x1], $0xffff  }
0x1e9: {  	[tilespmem:v0+s16+$0x0 ss:$0x1] =	vst.idx.msk $0xffff, v6;
	v7 =	vld.idx.msk [tilespmem:v4+s18+$0x0 ss:$0x1], $0xffff;
	v9 =	vadd.f32 v62, v16  }
0x1ea: {  	s15 =	sor.u32 $0x200, s23;
	v63 =	vld.idx.msk [tilespmem:v3+s18+$0x0 ss:$0x1], $0xffff;
	[tilespmem:v0+s24+$0x0 ss:$0x1] =	vst.idx.msk $0xffff, v13  }
0x1eb: {  	s21 =	sor.u32 s22, s17;
	s4 =	simm.s32 $0x1;
	v14 =	vld.idx.msk [tilespmem:v4+s15+$0x0 ss:$0x1], $0xffff;
	[tilespmem:v0+s9+$0x0 ss:$0x1] =	vst.idx.msk $0xffff, v9  }
0x1ec: {  	s4 =	simm.s32 @!p2 $0x0;
	s16 =	smov.u32 s3;
	v15 =	vld.idx.msk [tilespmem:v3+s15+$0x0 ss:$0x1], $0xffff;
	s24 =	rddreg [dreg:$0x1f]  }
0x1ed: {  	s5 =	simm.s32 $0x1;
	v9 =	vld.idx.msk [tilespmem:v4+s21+$0x0 ss:$0x1], $0xffff;
	s3 =	sadd.s32 s4, s24;
	s4 =	rddreg [dreg:$0x1d]  }
0x1ee: {  	s8 =	simm.s32 $0x1;
	s5 =	simm.s32 @!p3 $0x0;
	v13 =	vld.idx.msk [tilespmem:v3+s21+$0x0 ss:$0x1], $0xffff;
	[dreg:$0x1f] =	wrdreg s3  }
0x1ef: {  	s8 =	simm.s32 @!p4 $0x0;
	s3 =	sadd.s32 s5, s4;
	s5 =	rddreg [dreg:$0x1b]  }
0x1f0: {  	v6 =	vadd.f32 v17, v12;
	[dreg:$0x1d] =	wrdreg s3;
	s3 =	sadd.s32 s8, s5  }
0x1f1: {  	[dreg:$0x1b] =	wrdreg s3  }
0x1f2: {  	s30 =	smov.u32 s14;
	s14 =	sor.u32 s13, s11;
	v16 =	vadd.f32 v61, v5;
	[tilespmem:v2+s25+$0x0 ss:$0x1] =	vst.idx.msk $0xffff, v6  }
0x1f3: {  	v11 =	vld.idx.msk [tilespmem:v1+s28+$0x0 ss:$0x1], $0xffff;
	[dreg:$0x8] =	wrdreg s14  }
0x1f4: {  	s17 =	simm.s32 $0x80;
	s9 =	sor.u32 s13, s19;
	s19 =	simm.s32 $0x80;
	v6 =	vadd.f32 v19, v10;
	[tilespmem:v2+s16+$0x0 ss:$0x1] =	vst.idx.msk $0xffff, v16  }
0x1f5: {  	s24 =	sor.u32 s1, s19;
	v16 =	vld.idx.msk [tilespmem:v1+s25+$0x0 ss:$0x1], $0xffff;
	[dreg:$0x9] =	wrdreg s17  }
0x1f6: {  	s11 =	sor.u32 s10, s6;
	v18 =	vadd.f32 v63, v7;
	s31 =	sor.u32 $0x380, s24;
	s24 =	sor.u32 s10, s0;
	[tilespmem:v2+s26+$0x0 ss:$0x1] =	vst.idx.msk $0xffff, v6  }
0x1f7: {  	s14 =	sor.u32 s10, s29;
	s17 =	sor.u32 $0x280, s23;
	v6 =	vld.idx.msk [tilespmem:v4+s9+$0x0 ss:$0x1], $0xffff;
	[dreg:$0x4] =	wrdreg s10  }
0x1f8: {  	v17 =	vadd.f32 v15, v14;
	s23 =	smov.u32 s20;
	s20 =	smov.u32 s9;
	s10 =	simm.s32 $0x400;
	v15 =	vld.idx.msk [tilespmem:v1+s26+$0x0 ss:$0x1], $0xffff;
	[tilespmem:v2+s18+$0x0 ss:$0x1] =	vst.idx.msk $0xffff, v18  }
.LBB2_3:
0x1f9: {  	s0 =	rddreg [dreg:$0x9]  }
0x1fa: {  	s0 =	sadd.s32 $0x20, s0  }
0x1fb: {  	v18 =	vld.idx.msk [tilespmem:v1+s18+$0x0 ss:$0x1], $0xffff;
	s8 =	sadd.s32 $0x100, s1;
	[tilespmem:v2+s15+$0x0 ss:$0x1] =	vst.idx.msk $0xffff, v17;
	s5 =	sand.u32 $0x60, s0  }
0x1fc: {  	s9 =	sand.u32 $0x1C00, s8;
	v17 =	vld.idx.msk [tilespmem:v3+s20+$0x0 ss:$0x1], $0xffff;
	s13 =	sor.u32 $0x10, s5;
	v13 =	vadd.f32 v13, v9  }
0x1fd: {  	s29 =	smov.u32 s20;
	v19 =	vld.idx.msk [tilespmem:v1+s15+$0x0 ss:$0x1], $0xffff;
	v8 =	vadd.f32 v11, v8;
	s20 =	sor.u32 s13, s9  }
0x1fe: {  	v11 =	vadd.f32 v16, v12;
	[tilespmem:v2+s21+$0x0 ss:$0x1] =	vst.idx.msk $0xffff, v13;
	v13 =	vld.idx.msk [tilespmem:v4+s20+$0x0 ss:$0x1], $0xffff  }
0x1ff: {  	v12 =	vld.idx.msk [tilespmem:v1+s16+$0x0 ss:$0x1], $0xffff;
	[tilespmem:v0+s28+$0x0 ss:$0x1] =	vst.idx.msk $0xffff, v8  }
0x200: {  	v10 =	vadd.f32 v15, v10;
	v8 =	vld.idx.msk [tilespmem:v3+s20+$0x0 ss:$0x1], $0xffff;
	[tilespmem:v0+s25+$0x0 ss:$0x1] =	vst.idx.msk $0xffff, v11;
	s28 =	sor.u32 $0x280, s2  }
0x201: {  	s1 =	smov.u32 s10;
	s10 =	sadd.s32 $0x1900, s12;
	s7 =	sadd.s32 $0x1B80, s7;
	v7 =	vadd.f32 v18, v7;
	v11 =	vld.idx.msk [tilespmem:v4+s28+$0x0 ss:$0x1], $0xffff  }
0x202: {  	s2 =	smov.u32 s20;
	s20 =	rddreg [dreg:$0x4];
	v15 =	vld.idx.msk [tilespmem:v3+s28+$0x0 ss:$0x1], $0xffff;
	[tilespmem:v0+s26+$0x0 ss:$0x1] =	vst.idx.msk $0xffff, v10;
	s26 =	sor.u32 s30, s10;
	v10 =	vadd.f32 v17, v6  }
0x203: {  	s25 =	sor.u32 s22, s10;
	v14 =	vadd.f32 v19, v14;
	s10 =	sor.u32 s20, s7;
	s20 =	sor.u32 s23, s7;
	v16 =	vld.idx.msk [tilespmem:v4+s26+$0x0 ss:$0x1], $0xffff;
	[tilespmem:v0+s18+$0x0 ss:$0x1] =	vst.idx.msk $0xffff, v7  }
0x204: {  	v7 =	vld.idx.msk [tilespmem:v4+s20+$0x0 ss:$0x1], $0xffff;
	[tilespmem:v2+s29+$0x0 ss:$0x1] =	vst.idx.msk $0xffff, v10;
	v5 =	vadd.f32 v12, v5  }
0x205: {  	v10 =	vld.idx.msk [tilespmem:v3+s20+$0x0 ss:$0x1], $0xffff;
	[tilespmem:v0+s15+$0x0 ss:$0x1] =	vst.idx.msk $0xffff, v14  }
0x206: {  	s4 =	sor.u32 s5, s9;
	v12 =	vld.idx.msk [tilespmem:v3+s26+$0x0 ss:$0x1], $0xffff;
	[tilespmem:v0+s16+$0x0 ss:$0x1] =	vst.idx.msk $0xffff, v5  }
0x207: {  	v8 =	vadd.f32 v8, v13;
	v5 =	vld.idx.msk [tilespmem:v4+s4+$0x0 ss:$0x1], $0xffff  }
0x208: {  	v14 =	vld.idx.msk [tilespmem:v3+s4+$0x0 ss:$0x1], $0xffff  }
0x209: {  	[dreg:$0x9] =	wrdreg s0;
	v15 =	vadd.f32 v15, v11;
	[tilespmem:v2+s2+$0x0 ss:$0x1] =	vst.idx.msk $0xffff, v8;
	v17 =	vld.idx.msk [tilespmem:v4+s17+$0x0 ss:$0x1], $0xffff  }
0x20a: {  	s18 =	rddreg [dreg:$0x5];
	v18 =	vld.idx.msk [tilespmem:v1+s2+$0x0 ss:$0x1], $0xffff;
	v10 =	vadd.f32 v10, v7  }
0x20b: {  	s23 =	smov.u32 s22;
	s22 =	smov.u32 s18;
	s18 =	rddreg [dreg:$0x7];
	v8 =	vld.idx.msk [tilespmem:v3+s17+$0x0 ss:$0x1], $0xffff;
	[tilespmem:v2+s28+$0x0 ss:$0x1] =	vst.idx.msk $0xffff, v15;
	v12 =	vadd.f32 v12, v16  }
0x20c: {  	[dreg:$0xc] =	wrdreg s22;
	v19 =	vld.idx.msk [tilespmem:v1+s28+$0x0 ss:$0x1], $0xffff;
	[tilespmem:v2+s20+$0x0 ss:$0x1] =	vst.idx.msk $0xffff, v10  }
0x20d: {  	s15 =	smov.u32 s9;
	s9 =	smov.u32 s13;
	s13 =	rddreg [dreg:$0x8];
	v15 =	vld.idx.msk [tilespmem:v1+s21+$0x0 ss:$0x1], $0xffff;
	[tilespmem:v2+s26+$0x0 ss:$0x1] =	vst.idx.msk $0xffff, v12;
	v10 =	vadd.f32 v14, v5  }
0x20e: {  	p2 =	slt.u32 s0, $0x2E0;
	s22 =	smov.u32 s5;
	s5 =	rddreg [dreg:$0xa];
	v12 =	vld.idx.msk [tilespmem:v1+s20+$0x0 ss:$0x1], $0xffff  }
0x20f: {  	s0 =	sor.u32 s8, s0;
	s3 =	sor.u32 $0x200, s4;
	[dreg:$0x5] =	wrdreg s22;
	v14 =	vld.idx.msk [tilespmem:v1+s26+$0x0 ss:$0x1], $0xffff;
	v13 =	vadd.f32 v18, v13;
	[tilespmem:v2+s4+$0x0 ss:$0x1] =	vst.idx.msk $0xffff, v10  }
0x210: {  	[dreg:$0x7] =	wrdreg s15;
	s15 =	smov.u32 s3;
	s3 =	sadd.s32 $0x1, s5;
	v8 =	vadd.f32 v8, v17;
	v10 =	vld.idx.msk [tilespmem:v4+s24+$0x0 ss:$0x1], $0xffff  }
0x211: {  	s5 =	sor.u32 $0x80, s2;
	[dreg:$0xa] =	wrdreg s3;
	s3 =	sand.u32 $0x3, s3;
	[tilespmem:v0+s2+$0x0 ss:$0x1] =	vst.idx.msk $0xffff, v13;
	v20 =	vld.idx.msk [tilespmem:v1+s4+$0x0 ss:$0x1], $0xffff  }
0x212: {  	s22 =	smov.u32 s18;
	s18 =	rddreg [dreg:$0x6];
	s3 =	sshll.u32 s3, $0x5;
	[tilespmem:v2+s17+$0x0 ss:$0x1] =	vst.idx.msk $0xffff, v8;
	v8 =	vadd.f32 v15, v9;
	v15 =	vld.idx.msk [tilespmem:v4+s5+$0x0 ss:$0x1], $0xffff  }
0x213: {  	s7 =	smov.u32 s12;
	[dreg:$0x6] =	wrdreg s9;
	s3 =	sadd.s32 s3, s1;
	v11 =	vadd.f32 v19, v11;
	v9 =	vld.idx.msk [tilespmem:v3+s24+$0x0 ss:$0x1], $0xffff  }
0x214: {  	[dreg:$0xd] =	wrdreg s22;
	s22 =	smov.u32 s30;
	s9 =	sadd.s32 $0x10, s3;
	v13 =	vld.idx.msk [tilespmem:v1+s17+$0x0 ss:$0x1], $0xffff;
	[tilespmem:v0+s21+$0x0 ss:$0x1] =	vst.idx.msk $0xffff, v8;
	v7 =	vadd.f32 v12, v7  }
0x215: {  	s12 =	smov.u32 s18;
	s18 =	smov.u32 s10;
	v8 =	vld.idx.msk [tilespmem:v3+s5+$0x0 ss:$0x1], $0xffff;
	[tilespmem:v0+s28+$0x0 ss:$0x1] =	vst.idx.msk $0xffff, v11;
	s21 =	sor.u32 $0x300, s9;
	v11 =	vadd.f32 v14, v16  }
0x216: {  	s10 =	smov.u32 s8;
	s1 =	smov.u32 s8;
	s8 =	sadd.s32 $0x1980, s7;
	v12 =	vld.idx.msk [tilespmem:v4+s21+$0x0 ss:$0x1], $0xffff;
	[tilespmem:v0+s20+$0x0 ss:$0x1] =	vst.idx.msk $0xffff, v7  }
0x217: {  	s16 =	smov.u32 s13;
	s13 =	sor.u32 s22, s8;
	v5 =	vadd.f32 v20, v5;
	v7 =	vld.idx.msk [tilespmem:v3+s21+$0x0 ss:$0x1], $0xffff;
	[tilespmem:v0+s26+$0x0 ss:$0x1] =	vst.idx.msk $0xffff, v11  }
0x218: {  	s0 =	sor.u32 $0x380, s0;
	v11 =	vld.idx.msk [tilespmem:v4+s13+$0x0 ss:$0x1], $0xffff;
	v9 =	vadd.f32 v9, v10  }
0x219: {  	[dreg:$0xb] =	wrdreg s0;
	s0 =	sor.u32 $0x80, s4;
	[tilespmem:v0+s4+$0x0 ss:$0x1] =	vst.idx.msk $0xffff, v5;
	v5 =	vadd.f32 v13, v17;
	v13 =	vld.idx.msk [tilespmem:v3+s13+$0x0 ss:$0x1], $0xffff  }
0x21a: {  	v14 =	vld.idx.msk [tilespmem:v4+s0+$0x0 ss:$0x1], $0xffff;
	[tilespmem:v2+s24+$0x0 ss:$0x1] =	vst.idx.msk $0xffff, v9  }
0x21b: {  	[dreg:$0x8] =	wrdreg s18;
	s18 =	sor.u32 $0x300, s3;
	v8 =	vadd.f32 v8, v15;
	v9 =	vld.idx.msk [tilespmem:v3+s0+$0x0 ss:$0x1], $0xffff;
	[tilespmem:v0+s17+$0x0 ss:$0x1] =	vst.idx.msk $0xffff, v5  }
0x21c: {  	v5 =	vld.idx.msk [tilespmem:v4+s18+$0x0 ss:$0x1], $0xffff  }
0x21d: {  	[tilespmem:v2+s5+$0x0 ss:$0x1] =	vst.idx.msk $0xffff, v8;
	v8 =	vld.idx.msk [tilespmem:v3+s18+$0x0 ss:$0x1], $0xffff  }
0x21e: {  	v7 =	vadd.f32 v7, v12;
	v16 =	vld.idx.msk [tilespmem:v1+s5+$0x0 ss:$0x1], $0xffff  }
0x21f: {  	v18 =	vld.idx.msk [tilespmem:v3+s25+$0x0 ss:$0x1], $0xffff;
	v13 =	vadd.f32 v13, v11  }
0x220: {  	[tilespmem:v2+s21+$0x0 ss:$0x1] =	vst.idx.msk $0xffff, v7;
	v7 =	vld.idx.msk [tilespmem:v4+s25+$0x0 ss:$0x1], $0xffff;
	v9 =	vadd.f32 v9, v14  }
0x221: {  	v17 =	vld.idx.msk [tilespmem:v1+s21+$0x0 ss:$0x1], $0xffff;
	[tilespmem:v2+s13+$0x0 ss:$0x1] =	vst.idx.msk $0xffff, v13  }
0x222: {  	v13 =	vld.idx.msk [tilespmem:v1+s13+$0x0 ss:$0x1], $0xffff;
	v8 =	vadd.f32 v8, v5;
	[tilespmem:v2+s0+$0x0 ss:$0x1] =	vst.idx.msk $0xffff, v9  }
0x223: {  	v9 =	vld.idx.msk [tilespmem:v1+s24+$0x0 ss:$0x1], $0xffff  }
0x224: {  	v15 =	vadd.f32 v16, v15;
	v19 =	vld.idx.msk [tilespmem:v1+s0+$0x0 ss:$0x1], $0xffff;
	[tilespmem:v2+s18+$0x0 ss:$0x1] =	vst.idx.msk $0xffff, v8  }
0x225: {  	v8 =	vld.idx.msk [tilespmem:v1+s29+$0x0 ss:$0x1], $0xffff  }
0x226: {  	s26 =	sor.u32 $0x100, s2;
	[tilespmem:v0+s5+$0x0 ss:$0x1] =	vst.idx.msk $0xffff, v15;
	v15 =	vld.idx.msk [tilespmem:v1+s18+$0x0 ss:$0x1], $0xffff;
	v12 =	vadd.f32 v17, v12  }
0x227: {  	[dreg:$0xe] =	wrdreg s11;
	s11 =	sor.u32 $0x100, s4;
	v16 =	vld.idx.msk [tilespmem:v4+s26+$0x0 ss:$0x1], $0xffff;
	v17 =	vadd.f32 v18, v7  }
0x228: {  	s19 =	sor.u32 $0x180, s4;
	s6 =	sor.u32 $0x280, s4;
	s4 =	sor.u32 $0x380, s9;
	v18 =	vld.idx.msk [tilespmem:v3+s26+$0x0 ss:$0x1], $0xffff;
	[tilespmem:v0+s21+$0x0 ss:$0x1] =	vst.idx.msk $0xffff, v12;
	v11 =	vadd.f32 v13, v11  }
0x229: {  	s5 =	sadd.s32 $0x1A00, s7;
	[tilespmem:v2+s25+$0x0 ss:$0x1] =	vst.idx.msk $0xffff, v17;
	v12 =	vld.idx.msk [tilespmem:v4+s4+$0x0 ss:$0x1], $0xffff;
	v9 =	vadd.f32 v9, v10  }
0x22a: {  	s28 =	sor.u32 s23, s8;
	s8 =	sor.u32 s23, s5;
	s5 =	sor.u32 s22, s5;
	v13 =	vld.idx.msk [tilespmem:v3+s4+$0x0 ss:$0x1], $0xffff;
	v10 =	vadd.f32 v19, v14;
	[tilespmem:v0+s13+$0x0 ss:$0x1] =	vst.idx.msk $0xffff, v11  }
0x22b: {  	v11 =	vld.idx.msk [tilespmem:v4+s5+$0x0 ss:$0x1], $0xffff;
	v6 =	vadd.f32 v8, v6;
	[tilespmem:v0+s24+$0x0 ss:$0x1] =	vst.idx.msk $0xffff, v9  }
0x22c: {  	v5 =	vadd.f32 v15, v5;
	v8 =	vld.idx.msk [tilespmem:v3+s5+$0x0 ss:$0x1], $0xffff;
	[tilespmem:v0+s0+$0x0 ss:$0x1] =	vst.idx.msk $0xffff, v10  }
0x22d: {  	v9 =	vld.idx.msk [tilespmem:v4+s11+$0x0 ss:$0x1], $0xffff;
	[tilespmem:v0+s29+$0x0 ss:$0x1] =	vst.idx.msk $0xffff, v6  }
0x22e: {  	v10 =	vadd.f32 v18, v16;
	v6 =	vld.idx.msk [tilespmem:v3+s11+$0x0 ss:$0x1], $0xffff;
	[tilespmem:v0+s18+$0x0 ss:$0x1] =	vst.idx.msk $0xffff, v5  }
0x22f: {  	v14 =	vld.idx.msk [tilespmem:v4+s31+$0x0 ss:$0x1], $0xffff  }
0x230: {  	[tilespmem:v2+s26+$0x0 ss:$0x1] =	vst.idx.msk $0xffff, v10;
	v5 =	vld.idx.msk [tilespmem:v3+s31+$0x0 ss:$0x1], $0xffff  }
0x231: {  	v10 =	vadd.f32 v13, v12;
	v13 =	vld.idx.msk [tilespmem:v1+s26+$0x0 ss:$0x1], $0xffff  }
0x232: {  	v8 =	vadd.f32 v8, v11;
	v17 =	vld.idx.msk [tilespmem:v4+s14+$0x0 ss:$0x1], $0xffff  }
0x233: {  	[tilespmem:v2+s4+$0x0 ss:$0x1] =	vst.idx.msk $0xffff, v10;
	v10 =	vld.idx.msk [tilespmem:v1+s25+$0x0 ss:$0x1], $0xffff;
	v6 =	vadd.f32 v6, v9  }
0x234: {  	v15 =	vld.idx.msk [tilespmem:v1+s4+$0x0 ss:$0x1], $0xffff;
	[tilespmem:v2+s5+$0x0 ss:$0x1] =	vst.idx.msk $0xffff, v8  }
0x235: {  	v8 =	vld.idx.msk [tilespmem:v1+s5+$0x0 ss:$0x1], $0xffff;
	v5 =	vadd.f32 v5, v14;
	[tilespmem:v2+s11+$0x0 ss:$0x1] =	vst.idx.msk $0xffff, v6  }
0x236: {  	v6 =	vld.idx.msk [tilespmem:v3+s14+$0x0 ss:$0x1], $0xffff  }
0x237: {  	v13 =	vadd.f32 v13, v16;
	v18 =	vld.idx.msk [tilespmem:v1+s11+$0x0 ss:$0x1], $0xffff;
	[tilespmem:v2+s31+$0x0 ss:$0x1] =	vst.idx.msk $0xffff, v5  }
0x238: {  	v7 =	vadd.f32 v10, v7;
	v5 =	vld.idx.msk [tilespmem:v4+s16+$0x0 ss:$0x1], $0xffff  }
0x239: {  	s21 =	sor.u32 $0x180, s2;
	s18 =	rddreg [dreg:$0xd];
	[tilespmem:v0+s26+$0x0 ss:$0x1] =	vst.idx.msk $0xffff, v13;
	v12 =	vadd.f32 v15, v12;
	v10 =	vld.idx.msk [tilespmem:v1+s31+$0x0 ss:$0x1], $0xffff  }
0x23a: {  	s26 =	sadd.s32 $0x1800, s18;
	v13 =	vld.idx.msk [tilespmem:v4+s21+$0x0 ss:$0x1], $0xffff;
	[tilespmem:v0+s25+$0x0 ss:$0x1] =	vst.idx.msk $0xffff, v7  }
0x23b: {  	v7 =	vld.idx.msk [tilespmem:v3+s21+$0x0 ss:$0x1], $0xffff;
	s9 =	sor.u32 s12, s26;
	v8 =	vadd.f32 v8, v11;
	[tilespmem:v0+s4+$0x0 ss:$0x1] =	vst.idx.msk $0xffff, v12  }
0x23c: {  	s13 =	rddreg [dreg:$0xe];
	s29 =	sadd.s32 $0x1A80, s7;
	v11 =	vld.idx.msk [tilespmem:v4+s9+$0x0 ss:$0x1], $0xffff;
	v6 =	vadd.f32 v6, v17  }
0x23d: {  	s20 =	smov.u32 s13;
	s13 =	sor.u32 s22, s29;
	v12 =	vld.idx.msk [tilespmem:v3+s9+$0x0 ss:$0x1], $0xffff;
	[tilespmem:v0+s5+$0x0 ss:$0x1] =	vst.idx.msk $0xffff, v8;
	v9 =	vadd.f32 v18, v9  }
0x23e: {  	v15 =	vld.idx.msk [tilespmem:v4+s13+$0x0 ss:$0x1], $0xffff;
	[tilespmem:v2+s14+$0x0 ss:$0x1] =	vst.idx.msk $0xffff, v6  }
0x23f: {  	v6 =	vadd.f32 v10, v14;
	[tilespmem:v0+s11+$0x0 ss:$0x1] =	vst.idx.msk $0xffff, v9;
	v9 =	vld.idx.msk [tilespmem:v3+s13+$0x0 ss:$0x1], $0xffff  }
0x240: {  	s24 =	smov.u32 s8;
	s8 =	rddreg [dreg:$0xc];
	v14 =	vld.idx.msk [tilespmem:v4+s19+$0x0 ss:$0x1], $0xffff  }
0x241: {  	s0 =	sor.u32 s8, s26;
	v7 =	vadd.f32 v7, v13;
	v10 =	vld.idx.msk [tilespmem:v3+s19+$0x0 ss:$0x1], $0xffff;
	[tilespmem:v0+s31+$0x0 ss:$0x1] =	vst.idx.msk $0xffff, v6  }
0x242: {  	v6 =	vld.idx.msk [tilespmem:v4+s0+$0x0 ss:$0x1], $0xffff  }
0x243: {  	[tilespmem:v2+s21+$0x0 ss:$0x1] =	vst.idx.msk $0xffff, v7;
	v8 =	vadd.f32 v12, v11;
	v7 =	vld.idx.msk [tilespmem:v3+s0+$0x0 ss:$0x1], $0xffff  }
0x244: {  	v12 =	vld.idx.msk [tilespmem:v1+s21+$0x0 ss:$0x1], $0xffff  }
0x245: {  	[tilespmem:v2+s9+$0x0 ss:$0x1] =	vst.idx.msk $0xffff, v8;
	v8 =	vld.idx.msk [tilespmem:v4+s28+$0x0 ss:$0x1], $0xffff;
	v9 =	vadd.f32 v9, v15  }
0x246: {  	v18 =	vld.idx.msk [tilespmem:v3+s28+$0x0 ss:$0x1], $0xffff;
	v10 =	vadd.f32 v10, v14  }
0x247: {  	v16 =	vld.idx.msk [tilespmem:v1+s9+$0x0 ss:$0x1], $0xffff;
	[tilespmem:v2+s13+$0x0 ss:$0x1] =	vst.idx.msk $0xffff, v9  }
0x248: {  	v7 =	vadd.f32 v7, v6;
	v9 =	vld.idx.msk [tilespmem:v1+s13+$0x0 ss:$0x1], $0xffff;
	[tilespmem:v2+s19+$0x0 ss:$0x1] =	vst.idx.msk $0xffff, v10  }
0x249: {  	v19 =	vld.idx.msk [tilespmem:v1+s14+$0x0 ss:$0x1], $0xffff  }
0x24a: {  	v10 =	vadd.f32 v12, v13;
	v63 =	vld.idx.msk [tilespmem:v1+s19+$0x0 ss:$0x1], $0xffff;
	[tilespmem:v2+s0+$0x0 ss:$0x1] =	vst.idx.msk $0xffff, v7  }
0x24b: {  	s25 =	rddreg [dreg:$0xb];
	v13 =	vld.idx.msk [tilespmem:v3+s16+$0x0 ss:$0x1], $0xffff  }
0x24c: {  	s31 =	smov.u32 s25;
	s25 =	sor.u32 $0x200, s2;
	v7 =	vadd.f32 v16, v11;
	[tilespmem:v0+s21+$0x0 ss:$0x1] =	vst.idx.msk $0xffff, v10;
	v21 =	vld.idx.msk [tilespmem:v1+s0+$0x0 ss:$0x1], $0xffff  }
0x24d: {  	s26 =	sadd.s32 $0x1880, s18;
	s4 =	sor.u32 s23, s29;
	v11 =	vadd.f32 v18, v8;
	v12 =	vld.idx.msk [tilespmem:v4+s25+$0x0 ss:$0x1], $0xffff  }
0x24e: {  	s29 =	sadd.s32 $0x1B00, s7;
	s21 =	sor.u32 s8, s26;
	s26 =	sor.u32 s12, s26;
	v16 =	vld.idx.msk [tilespmem:v3+s25+$0x0 ss:$0x1], $0xffff;
	[tilespmem:v0+s9+$0x0 ss:$0x1] =	vst.idx.msk $0xffff, v7;
	v7 =	vadd.f32 v9, v15  }
0x24f: {  	[dreg:$0x4] =	wrdreg s23;
	s11 =	sor.u32 s23, s29;
	s23 =	smov.u32 s22;
	[tilespmem:v2+s28+$0x0 ss:$0x1] =	vst.idx.msk $0xffff, v11;
	v10 =	vld.idx.msk [tilespmem:v4+s26+$0x0 ss:$0x1], $0xffff;
	v9 =	vadd.f32 v19, v17  }
0x250: {  	s30 =	smov.u32 s12;
	s12 =	smov.u32 s18;
	s18 =	sor.u32 s23, s29;
	v15 =	vld.idx.msk [tilespmem:v3+s26+$0x0 ss:$0x1], $0xffff;
	v11 =	vadd.f32 v63, v14;
	[tilespmem:v0+s13+$0x0 ss:$0x1] =	vst.idx.msk $0xffff, v7  }
0x251: {  	v7 =	vld.idx.msk [tilespmem:v4+s18+$0x0 ss:$0x1], $0xffff;
	[tilespmem:v0+s14+$0x0 ss:$0x1] =	vst.idx.msk $0xffff, v9;
	v9 =	vadd.f32 v13, v5  }
0x252: {  	v6 =	vadd.f32 v21, v6;
	v17 =	vld.idx.msk [tilespmem:v3+s18+$0x0 ss:$0x1], $0xffff;
	[tilespmem:v0+s19+$0x0 ss:$0x1] =	vst.idx.msk $0xffff, v11  }
0x253: {  	v14 =	vld.idx.msk [tilespmem:v4+s15+$0x0 ss:$0x1], $0xffff;
	[tilespmem:v2+s16+$0x0 ss:$0x1] =	vst.idx.msk $0xffff, v9  }
0x254: {  	v18 =	vld.idx.msk [tilespmem:v3+s15+$0x0 ss:$0x1], $0xffff;
	[tilespmem:v0+s0+$0x0 ss:$0x1] =	vst.idx.msk $0xffff, v6  }
0x255: {  	v6 =	vadd.f32 v16, v12;
	v9 =	vld.idx.msk [tilespmem:v4+s21+$0x0 ss:$0x1], $0xffff  }
.Ltmp0:
0x256: {  	v13 =	vld.idx.msk [tilespmem:v3+s21+$0x0 ss:$0x1], $0xffff;
	(pc) =	sbr.rel @p2 .LBB2_3-.Ltmp0, $4  }
0x257: {  	v11 =	vld.idx.msk [tilespmem:v1+s28+$0x0 ss:$0x1], $0xffff;
	[tilespmem:v2+s25+$0x0 ss:$0x1] =	vst.idx.msk $0xffff, v6;
	v6 =	vadd.f32 v15, v10  }
0x258: {  	v19 =	vadd.f32 v17, v7;
	v16 =	vld.idx.msk [tilespmem:v1+s25+$0x0 ss:$0x1], $0xffff  }
0x259: {  	[tilespmem:v2+s26+$0x0 ss:$0x1] =	vst.idx.msk $0xffff, v6;
	v6 =	vld.idx.msk [tilespmem:v4+s20+$0x0 ss:$0x1], $0xffff  }
0x25a: {  	s17 =	smov.u32 s6;
	s22 =	smov.u32 s8;
	s14 =	smov.u32 s4;
	v17 =	vadd.f32 v18, v14;
	v15 =	vld.idx.msk [tilespmem:v1+s26+$0x0 ss:$0x1], $0xffff;
	[tilespmem:v2+s18+$0x0 ss:$0x1] =	vst.idx.msk $0xffff, v19  }
0x25b: {  	_ =	sdelay $0x3  }
0x25c: {  	[tilespmem:v2+s15+$0x0 ss:$0x1] =	vst.idx.msk $0xffff, v17  }
0x25d: {  	v17 =	vld.idx.msk [tilespmem:v1+s15+$0x0 ss:$0x1], $0xffff;
	_ =	sdelay $0x2  }
0x25e: {  	v12 =	vadd.f32 v16, v12;
	_ =	sdelay $0x1  }
0x25f: {  	s0 =	sor.u32 $0x280, s2;
	[tilespmem:v0+s25+$0x0 ss:$0x1] =	vst.idx.msk $0xffff, v12;
	v14 =	vadd.f32 v17, v14  }
0x260: {  	v12 =	vld.idx.msk [tilespmem:v4+s0+$0x0 ss:$0x1], $0xffff  }
0x261: {  	v42 =	vld.idx.msk [tilespmem:v3+s0+$0x0 ss:$0x1], $0xffff;
	[tilespmem:v0+s15+$0x0 ss:$0x1] =	vst.idx.msk $0xffff, v14  }
0x262: {  	v14 =	vld.idx.msk [tilespmem:v4+s17+$0x0 ss:$0x1], $0xffff  }
0x263: {  	v43 =	vld.idx.msk [tilespmem:v3+s17+$0x0 ss:$0x1], $0xffff;
	_ =	sdelay $0x2  }
0x264: {  	v16 =	vadd.f32 v42, v12;
	_ =	sdelay $0x1  }
0x265: {  	[tilespmem:v2+s0+$0x0 ss:$0x1] =	vst.idx.msk $0xffff, v16;
	v17 =	vadd.f32 v43, v14  }
0x266: {  	v16 =	vld.idx.msk [tilespmem:v1+s0+$0x0 ss:$0x1], $0xffff  }
0x267: {  	s1 =	rddreg [dreg:$0xa];
	[tilespmem:v2+s17+$0x0 ss:$0x1] =	vst.idx.msk $0xffff, v17  }
0x268: {  	s1 =	sadd.s32 $0x1, s1;
	v17 =	vld.idx.msk [tilespmem:v1+s17+$0x0 ss:$0x1], $0xffff  }
0x269: {  	s1 =	sand.u32 $0x3, s1  }
0x26a: {  	s1 =	sshll.u32 s1, $0x5  }
0x26b: {  	s1 =	sadd.s32 s1, s10;
	v12 =	vadd.f32 v16, v12  }
0x26c: {  	s10 =	sadd.s32 $0x10, s1  }
0x26d: {  	s13 =	sor.u32 $0x300, s10;
	[tilespmem:v0+s0+$0x0 ss:$0x1] =	vst.idx.msk $0xffff, v12;
	v14 =	vadd.f32 v17, v14  }
0x26e: {  	v12 =	vld.idx.msk [tilespmem:v4+s13+$0x0 ss:$0x1], $0xffff  }
0x26f: {  	s1 =	sor.u32 $0x300, s1;
	v44 =	vld.idx.msk [tilespmem:v3+s13+$0x0 ss:$0x1], $0xffff;
	[tilespmem:v0+s17+$0x0 ss:$0x1] =	vst.idx.msk $0xffff, v14  }
0x270: {  	v14 =	vld.idx.msk [tilespmem:v4+s1+$0x0 ss:$0x1], $0xffff  }
0x271: {  	v45 =	vld.idx.msk [tilespmem:v3+s1+$0x0 ss:$0x1], $0xffff;
	_ =	sdelay $0x2  }
0x272: {  	v16 =	vadd.f32 v44, v12;
	_ =	sdelay $0x1  }
0x273: {  	[tilespmem:v2+s13+$0x0 ss:$0x1] =	vst.idx.msk $0xffff, v16;
	v17 =	vadd.f32 v45, v14  }
0x274: {  	v16 =	vld.idx.msk [tilespmem:v1+s13+$0x0 ss:$0x1], $0xffff  }
0x275: {  	[tilespmem:v2+s1+$0x0 ss:$0x1] =	vst.idx.msk $0xffff, v17  }
0x276: {  	v17 =	vld.idx.msk [tilespmem:v1+s1+$0x0 ss:$0x1], $0xffff;
	_ =	sdelay $0x2  }
0x277: {  	v12 =	vadd.f32 v16, v12;
	_ =	sdelay $0x1  }
0x278: {  	s15 =	sor.u32 $0x380, s10;
	[tilespmem:v0+s13+$0x0 ss:$0x1] =	vst.idx.msk $0xffff, v12;
	v14 =	vadd.f32 v17, v14  }
0x279: {  	v12 =	vld.idx.msk [tilespmem:v4+s15+$0x0 ss:$0x1], $0xffff  }
0x27a: {  	v46 =	vld.idx.msk [tilespmem:v3+s15+$0x0 ss:$0x1], $0xffff;
	[tilespmem:v0+s1+$0x0 ss:$0x1] =	vst.idx.msk $0xffff, v14  }
0x27b: {  	v14 =	vld.idx.msk [tilespmem:v4+s31+$0x0 ss:$0x1], $0xffff  }
0x27c: {  	v47 =	vld.idx.msk [tilespmem:v3+s31+$0x0 ss:$0x1], $0xffff;
	_ =	sdelay $0x2  }
0x27d: {  	v16 =	vadd.f32 v46, v12;
	_ =	sdelay $0x1  }
0x27e: {  	[tilespmem:v2+s15+$0x0 ss:$0x1] =	vst.idx.msk $0xffff, v16;
	v17 =	vadd.f32 v47, v14  }
0x27f: {  	v16 =	vld.idx.msk [tilespmem:v1+s15+$0x0 ss:$0x1], $0xffff  }
0x280: {  	[tilespmem:v2+s31+$0x0 ss:$0x1] =	vst.idx.msk $0xffff, v17  }
0x281: {  	v17 =	vld.idx.msk [tilespmem:v1+s31+$0x0 ss:$0x1], $0xffff;
	_ =	sdelay $0x2  }
0x282: {  	v12 =	vadd.f32 v16, v12;
	_ =	sdelay $0x1  }
0x283: {  	s13 =	rddreg [dreg:$0x7];
	[tilespmem:v0+s15+$0x0 ss:$0x1] =	vst.idx.msk $0xffff, v12;
	v14 =	vadd.f32 v17, v14  }
0x284: {  	s17 =	sadd.s32 $0x1800, s13;
	s10 =	rddreg [dreg:$0x6]  }
0x285: {  	s19 =	sor.u32 s10, s17;
	[tilespmem:v0+s31+$0x0 ss:$0x1] =	vst.idx.msk $0xffff, v14  }
0x286: {  	v12 =	vld.idx.msk [tilespmem:v4+s19+$0x0 ss:$0x1], $0xffff;
	s9 =	rddreg [dreg:$0x5]  }
0x287: {  	v48 =	vld.idx.msk [tilespmem:v3+s19+$0x0 ss:$0x1], $0xffff;
	s1 =	sor.u32 s9, s17  }
0x288: {  	v14 =	vld.idx.msk [tilespmem:v4+s1+$0x0 ss:$0x1], $0xffff  }
0x289: {  	v49 =	vld.idx.msk [tilespmem:v3+s1+$0x0 ss:$0x1], $0xffff;
	_ =	sdelay $0x2  }
0x28a: {  	v16 =	vadd.f32 v48, v12;
	_ =	sdelay $0x1  }
0x28b: {  	[tilespmem:v2+s19+$0x0 ss:$0x1] =	vst.idx.msk $0xffff, v16;
	v17 =	vadd.f32 v49, v14  }
0x28c: {  	v16 =	vld.idx.msk [tilespmem:v1+s19+$0x0 ss:$0x1], $0xffff  }
0x28d: {  	[tilespmem:v2+s1+$0x0 ss:$0x1] =	vst.idx.msk $0xffff, v17  }
0x28e: {  	v17 =	vld.idx.msk [tilespmem:v1+s1+$0x0 ss:$0x1], $0xffff;
	_ =	sdelay $0x2  }
0x28f: {  	v12 =	vadd.f32 v16, v12  }
0x290: {  	s25 =	sadd.s32 $0x1880, s13  }
0x291: {  	s29 =	sor.u32 s10, s25;
	[tilespmem:v0+s19+$0x0 ss:$0x1] =	vst.idx.msk $0xffff, v12;
	v14 =	vadd.f32 v17, v14  }
0x292: {  	v12 =	vld.idx.msk [tilespmem:v4+s29+$0x0 ss:$0x1], $0xffff  }
0x293: {  	s31 =	sor.u32 s9, s25;
	v50 =	vld.idx.msk [tilespmem:v3+s29+$0x0 ss:$0x1], $0xffff;
	[tilespmem:v0+s1+$0x0 ss:$0x1] =	vst.idx.msk $0xffff, v14  }
0x294: {  	v10 =	vadd.f32 v15, v10;
	v14 =	vld.idx.msk [tilespmem:v4+s31+$0x0 ss:$0x1], $0xffff  }
0x295: {  	s5 =	sadd.s32 $0x1900, s12;
	v51 =	vld.idx.msk [tilespmem:v3+s31+$0x0 ss:$0x1], $0xffff  }
0x296: {  	v13 =	vadd.f32 v13, v9;
	s3 =	sor.u32 s30, s5;
	[tilespmem:v0+s26+$0x0 ss:$0x1] =	vst.idx.msk $0xffff, v10  }
0x297: {  	v52 =	vld.idx.msk [tilespmem:v4+s3+$0x0 ss:$0x1], $0xffff  }
0x298: {  	[tilespmem:v2+s21+$0x0 ss:$0x1] =	vst.idx.msk $0xffff, v13;
	v53 =	vld.idx.msk [tilespmem:v3+s3+$0x0 ss:$0x1], $0xffff;
	v16 =	vadd.f32 v50, v12  }
0x299: {  	v13 =	vld.idx.msk [tilespmem:v1+s21+$0x0 ss:$0x1], $0xffff  }
0x29a: {  	[tilespmem:v2+s29+$0x0 ss:$0x1] =	vst.idx.msk $0xffff, v16;
	v10 =	vadd.f32 v51, v14  }
0x29b: {  	v16 =	vld.idx.msk [tilespmem:v1+s29+$0x0 ss:$0x1], $0xffff  }
0x29c: {  	[tilespmem:v2+s31+$0x0 ss:$0x1] =	vst.idx.msk $0xffff, v10  }
0x29d: {  	v17 =	vadd.f32 v53, v52;
	v10 =	vld.idx.msk [tilespmem:v1+s31+$0x0 ss:$0x1], $0xffff  }
0x29e: {  	v55 =	vadd.f32 v13, v9  }
0x29f: {  	[tilespmem:v2+s3+$0x0 ss:$0x1] =	vst.idx.msk $0xffff, v17  }
0x2a0: {  	s2 =	sor.u32 s22, s5;
	[tilespmem:v0+s21+$0x0 ss:$0x1] =	vst.idx.msk $0xffff, v55;
	v54 =	vld.idx.msk [tilespmem:v1+s3+$0x0 ss:$0x1], $0xffff;
	v12 =	vadd.f32 v16, v12  }
0x2a1: {  	s4 =	sadd.s32 $0x1900, s13;
	v57 =	vld.idx.msk [tilespmem:v4+s2+$0x0 ss:$0x1], $0xffff  }
0x2a2: {  	s6 =	sor.u32 s10, s4;
	v59 =	vld.idx.msk [tilespmem:v3+s2+$0x0 ss:$0x1], $0xffff;
	[tilespmem:v0+s29+$0x0 ss:$0x1] =	vst.idx.msk $0xffff, v12;
	v10 =	vadd.f32 v10, v14  }
0x2a3: {  	v12 =	vld.idx.msk [tilespmem:v4+s6+$0x0 ss:$0x1], $0xffff  }
0x2a4: {  	s8 =	sor.u32 s9, s4;
	v56 =	vld.idx.msk [tilespmem:v3+s6+$0x0 ss:$0x1], $0xffff;
	[tilespmem:v0+s31+$0x0 ss:$0x1] =	vst.idx.msk $0xffff, v10  }
0x2a5: {  	v58 =	vadd.f32 v54, v52;
	v60 =	vld.idx.msk [tilespmem:v4+s8+$0x0 ss:$0x1], $0xffff  }
0x2a6: {  	s15 =	sadd.s32 $0x1980, s12;
	v61 =	vld.idx.msk [tilespmem:v3+s8+$0x0 ss:$0x1], $0xffff  }
0x2a7: {  	s17 =	sor.u32 s30, s15;
	[tilespmem:v0+s3+$0x0 ss:$0x1] =	vst.idx.msk $0xffff, v58;
	v14 =	vadd.f32 v59, v57  }
0x2a8: {  	v62 =	vld.idx.msk [tilespmem:v4+s17+$0x0 ss:$0x1], $0xffff  }
0x2a9: {  	v17 =	vld.idx.msk [tilespmem:v3+s17+$0x0 ss:$0x1], $0xffff;
	[tilespmem:v2+s2+$0x0 ss:$0x1] =	vst.idx.msk $0xffff, v14;
	v9 =	vadd.f32 v56, v12  }
0x2aa: {  	v63 =	vld.idx.msk [tilespmem:v1+s2+$0x0 ss:$0x1], $0xffff  }
0x2ab: {  	[tilespmem:v2+s6+$0x0 ss:$0x1] =	vst.idx.msk $0xffff, v9;
	v10 =	vadd.f32 v61, v60  }
0x2ac: {  	v8 =	vadd.f32 v11, v8;
	v9 =	vld.idx.msk [tilespmem:v1+s6+$0x0 ss:$0x1], $0xffff  }
0x2ad: {  	[tilespmem:v2+s8+$0x0 ss:$0x1] =	vst.idx.msk $0xffff, v10  }
0x2ae: {  	[tilespmem:v0+s28+$0x0 ss:$0x1] =	vst.idx.msk $0xffff, v8;
	v18 =	vadd.f32 v17, v62;
	v19 =	vld.idx.msk [tilespmem:v1+s8+$0x0 ss:$0x1], $0xffff  }
0x2af: {  	v20 =	vld.idx.msk [tilespmem:v4+s24+$0x0 ss:$0x1], $0xffff;
	v11 =	vadd.f32 v63, v57  }
0x2b0: {  	v22 =	vld.idx.msk [tilespmem:v3+s24+$0x0 ss:$0x1], $0xffff;
	[tilespmem:v2+s17+$0x0 ss:$0x1] =	vst.idx.msk $0xffff, v18  }
0x2b1: {  	s21 =	sor.u32 s22, s15;
	v21 =	vld.idx.msk [tilespmem:v1+s17+$0x0 ss:$0x1], $0xffff;
	[tilespmem:v0+s2+$0x0 ss:$0x1] =	vst.idx.msk $0xffff, v11;
	v9 =	vadd.f32 v9, v12  }
0x2b2: {  	s5 =	sadd.s32 $0x1980, s13;
	v25 =	vld.idx.msk [tilespmem:v4+s21+$0x0 ss:$0x1], $0xffff  }
0x2b3: {  	s19 =	sor.u32 s10, s5;
	v27 =	vld.idx.msk [tilespmem:v3+s21+$0x0 ss:$0x1], $0xffff;
	[tilespmem:v0+s6+$0x0 ss:$0x1] =	vst.idx.msk $0xffff, v9;
	v8 =	vadd.f32 v19, v60  }
0x2b4: {  	v23 =	vld.idx.msk [tilespmem:v4+s19+$0x0 ss:$0x1], $0xffff  }
0x2b5: {  	s25 =	sor.u32 s9, s5;
	v29 =	vadd.f32 v22, v20;
	v24 =	vld.idx.msk [tilespmem:v3+s19+$0x0 ss:$0x1], $0xffff;
	[tilespmem:v0+s8+$0x0 ss:$0x1] =	vst.idx.msk $0xffff, v8  }
0x2b6: {  	v26 =	vadd.f32 v21, v62;
	v28 =	vld.idx.msk [tilespmem:v4+s25+$0x0 ss:$0x1], $0xffff  }
0x2b7: {  	s26 =	sadd.s32 $0x1A00, s12;
	[tilespmem:v2+s24+$0x0 ss:$0x1] =	vst.idx.msk $0xffff, v29;
	v30 =	vld.idx.msk [tilespmem:v3+s25+$0x0 ss:$0x1], $0xffff  }
0x2b8: {  	s28 =	sor.u32 s30, s26;
	v33 =	vld.idx.msk [tilespmem:v1+s24+$0x0 ss:$0x1], $0xffff;
	[tilespmem:v0+s17+$0x0 ss:$0x1] =	vst.idx.msk $0xffff, v26;
	v12 =	vadd.f32 v27, v25  }
0x2b9: {  	v31 =	vld.idx.msk [tilespmem:v4+s28+$0x0 ss:$0x1], $0xffff  }
0x2ba: {  	v32 =	vld.idx.msk [tilespmem:v3+s28+$0x0 ss:$0x1], $0xffff;
	[tilespmem:v2+s21+$0x0 ss:$0x1] =	vst.idx.msk $0xffff, v12;
	v11 =	vadd.f32 v24, v23  }
0x2bb: {  	v12 =	vld.idx.msk [tilespmem:v1+s21+$0x0 ss:$0x1], $0xffff  }
0x2bc: {  	[tilespmem:v2+s19+$0x0 ss:$0x1] =	vst.idx.msk $0xffff, v11;
	v9 =	vadd.f32 v30, v28  }
0x2bd: {  	v34 =	vadd.f32 v33, v20;
	v11 =	vld.idx.msk [tilespmem:v1+s19+$0x0 ss:$0x1], $0xffff  }
0x2be: {  	[tilespmem:v2+s25+$0x0 ss:$0x1] =	vst.idx.msk $0xffff, v9  }
0x2bf: {  	[tilespmem:v0+s24+$0x0 ss:$0x1] =	vst.idx.msk $0xffff, v34;
	v8 =	vadd.f32 v32, v31;
	v35 =	vld.idx.msk [tilespmem:v1+s25+$0x0 ss:$0x1], $0xffff  }
0x2c0: {  	v38 =	vld.idx.msk [tilespmem:v4+s14+$0x0 ss:$0x1], $0xffff;
	v39 =	vadd.f32 v12, v25  }
0x2c1: {  	v48 =	vld.idx.msk [tilespmem:v3+s14+$0x0 ss:$0x1], $0xffff;
	[tilespmem:v2+s28+$0x0 ss:$0x1] =	vst.idx.msk $0xffff, v8  }
0x2c2: {  	s4 =	sor.u32 s22, s26;
	v37 =	vld.idx.msk [tilespmem:v1+s28+$0x0 ss:$0x1], $0xffff;
	[tilespmem:v0+s21+$0x0 ss:$0x1] =	vst.idx.msk $0xffff, v39;
	v36 =	vadd.f32 v11, v23  }
0x2c3: {  	s29 =	sadd.s32 $0x1A00, s13;
	v42 =	vld.idx.msk [tilespmem:v4+s4+$0x0 ss:$0x1], $0xffff  }
0x2c4: {  	s31 =	sor.u32 s10, s29;
	v43 =	vld.idx.msk [tilespmem:v3+s4+$0x0 ss:$0x1], $0xffff;
	[tilespmem:v0+s19+$0x0 ss:$0x1] =	vst.idx.msk $0xffff, v36;
	v10 =	vadd.f32 v35, v28  }
0x2c5: {  	v40 =	vld.idx.msk [tilespmem:v4+s31+$0x0 ss:$0x1], $0xffff  }
0x2c6: {  	s5 =	sor.u32 s9, s29;
	v41 =	vld.idx.msk [tilespmem:v3+s31+$0x0 ss:$0x1], $0xffff;
	[tilespmem:v0+s25+$0x0 ss:$0x1] =	vst.idx.msk $0xffff, v10  }
0x2c7: {  	v9 =	vadd.f32 v37, v31;
	v44 =	vld.idx.msk [tilespmem:v4+s5+$0x0 ss:$0x1], $0xffff  }
0x2c8: {  	s8 =	sadd.s32 $0x1A80, s12;
	v45 =	vld.idx.msk [tilespmem:v3+s5+$0x0 ss:$0x1], $0xffff  }
0x2c9: {  	s15 =	sor.u32 s30, s8;
	[tilespmem:v0+s28+$0x0 ss:$0x1] =	vst.idx.msk $0xffff, v9;
	v10 =	vadd.f32 v43, v42  }
0x2ca: {  	v46 =	vld.idx.msk [tilespmem:v4+s15+$0x0 ss:$0x1], $0xffff  }
0x2cb: {  	v47 =	vld.idx.msk [tilespmem:v3+s15+$0x0 ss:$0x1], $0xffff;
	v11 =	vadd.f32 v41, v40;
	[tilespmem:v2+s4+$0x0 ss:$0x1] =	vst.idx.msk $0xffff, v10  }
0x2cc: {  	v49 =	vadd.f32 v48, v38;
	v10 =	vld.idx.msk [tilespmem:v1+s4+$0x0 ss:$0x1], $0xffff  }
0x2cd: {  	[tilespmem:v2+s31+$0x0 ss:$0x1] =	vst.idx.msk $0xffff, v11;
	v9 =	vadd.f32 v45, v44  }
0x2ce: {  	[tilespmem:v2+s14+$0x0 ss:$0x1] =	vst.idx.msk $0xffff, v49;
	v11 =	vld.idx.msk [tilespmem:v1+s31+$0x0 ss:$0x1], $0xffff  }
0x2cf: {  	v52 =	vld.idx.msk [tilespmem:v1+s14+$0x0 ss:$0x1], $0xffff;
	[tilespmem:v2+s5+$0x0 ss:$0x1] =	vst.idx.msk $0xffff, v9  }
0x2d0: {  	v16 =	vadd.f32 v47, v46;
	v50 =	vld.idx.msk [tilespmem:v1+s5+$0x0 ss:$0x1], $0xffff  }
0x2d1: {  	v18 =	vld.idx.msk [tilespmem:v1+s18+$0x0 ss:$0x1], $0xffff;
	v10 =	vadd.f32 v10, v42  }
0x2d2: {  	v19 =	vld.idx.msk [tilespmem:v3+s20+$0x0 ss:$0x1], $0xffff;
	[tilespmem:v2+s15+$0x0 ss:$0x1] =	vst.idx.msk $0xffff, v16  }
0x2d3: {  	s19 =	sor.u32 s22, s8;
	v51 =	vld.idx.msk [tilespmem:v1+s15+$0x0 ss:$0x1], $0xffff;
	v11 =	vadd.f32 v11, v40;
	[tilespmem:v0+s4+$0x0 ss:$0x1] =	vst.idx.msk $0xffff, v10  }
0x2d4: {  	s17 =	sadd.s32 $0x1A80, s13;
	v56 =	vld.idx.msk [tilespmem:v4+s19+$0x0 ss:$0x1], $0xffff  }
0x2d5: {  	s6 =	sor.u32 s10, s17;
	[tilespmem:v0+s31+$0x0 ss:$0x1] =	vst.idx.msk $0xffff, v11;
	v57 =	vld.idx.msk [tilespmem:v3+s19+$0x0 ss:$0x1], $0xffff;
	v55 =	vadd.f32 v50, v44  }
0x2d6: {  	v53 =	vld.idx.msk [tilespmem:v4+s6+$0x0 ss:$0x1], $0xffff  }
0x2d7: {  	v61 =	vadd.f32 v19, v6;
	s21 =	sor.u32 s9, s17;
	v54 =	vld.idx.msk [tilespmem:v3+s6+$0x0 ss:$0x1], $0xffff;
	[tilespmem:v0+s5+$0x0 ss:$0x1] =	vst.idx.msk $0xffff, v55  }
0x2d8: {  	v9 =	vadd.f32 v51, v46;
	v58 =	vld.idx.msk [tilespmem:v4+s21+$0x0 ss:$0x1], $0xffff  }
0x2d9: {  	s24 =	sadd.s32 $0x1B00, s12;
	[tilespmem:v2+s20+$0x0 ss:$0x1] =	vst.idx.msk $0xffff, v61;
	v59 =	vld.idx.msk [tilespmem:v3+s21+$0x0 ss:$0x1], $0xffff  }
0x2da: {  	v20 =	vld.idx.msk [tilespmem:v1+s20+$0x0 ss:$0x1], $0xffff;
	s25 =	sor.u32 s30, s24;
	[tilespmem:v0+s15+$0x0 ss:$0x1] =	vst.idx.msk $0xffff, v9;
	v13 =	vadd.f32 v57, v56  }
0x2db: {  	v63 =	vadd.f32 v52, v38;
	v16 =	vld.idx.msk [tilespmem:v4+s25+$0x0 ss:$0x1], $0xffff  }
0x2dc: {  	v60 =	vld.idx.msk [tilespmem:v3+s25+$0x0 ss:$0x1], $0xffff;
	v10 =	vadd.f32 v54, v53;
	[tilespmem:v2+s19+$0x0 ss:$0x1] =	vst.idx.msk $0xffff, v13  }
0x2dd: {  	[tilespmem:v0+s14+$0x0 ss:$0x1] =	vst.idx.msk $0xffff, v63;
	v19 =	vld.idx.msk [tilespmem:v1+s19+$0x0 ss:$0x1], $0xffff  }
0x2de: {  	v25 =	vld.idx.msk [tilespmem:v3+s11+$0x0 ss:$0x1], $0xffff;
	[tilespmem:v2+s6+$0x0 ss:$0x1] =	vst.idx.msk $0xffff, v10;
	v9 =	vadd.f32 v59, v58  }
0x2df: {  	v7 =	vadd.f32 v18, v7;
	v10 =	vld.idx.msk [tilespmem:v1+s6+$0x0 ss:$0x1], $0xffff  }
0x2e0: {  	s26 =	sadd.s32 $0x1B80, s7;
	v23 =	vld.idx.msk [tilespmem:v4+s11+$0x0 ss:$0x1], $0xffff;
	[tilespmem:v2+s21+$0x0 ss:$0x1] =	vst.idx.msk $0xffff, v9  }
0x2e1: {  	[tilespmem:v0+s18+$0x0 ss:$0x1] =	vst.idx.msk $0xffff, v7;
	s28 =	sor.u32 s23, s26;
	v21 =	vadd.f32 v60, v16;
	v22 =	vld.idx.msk [tilespmem:v1+s21+$0x0 ss:$0x1], $0xffff  }
0x2e2: {  	v62 =	vld.idx.msk [tilespmem:v4+s28+$0x0 ss:$0x1], $0xffff;
	v8 =	vadd.f32 v19, v56  }
0x2e3: {  	v33 =	vld.idx.msk [tilespmem:v3+s28+$0x0 ss:$0x1], $0xffff;
	[tilespmem:v2+s25+$0x0 ss:$0x1] =	vst.idx.msk $0xffff, v21  }
0x2e4: {  	s14 =	sor.u32 s22, s24;
	v24 =	vld.idx.msk [tilespmem:v1+s25+$0x0 ss:$0x1], $0xffff;
	v10 =	vadd.f32 v10, v53;
	[tilespmem:v0+s19+$0x0 ss:$0x1] =	vst.idx.msk $0xffff, v8  }
0x2e5: {  	s29 =	sadd.s32 $0x1B00, s13;
	v28 =	vld.idx.msk [tilespmem:v4+s14+$0x0 ss:$0x1], $0xffff  }
0x2e6: {  	s31 =	sor.u32 s10, s29;
	[tilespmem:v0+s6+$0x0 ss:$0x1] =	vst.idx.msk $0xffff, v10;
	v29 =	vld.idx.msk [tilespmem:v3+s14+$0x0 ss:$0x1], $0xffff;
	v7 =	vadd.f32 v22, v58  }
0x2e7: {  	v26 =	vld.idx.msk [tilespmem:v4+s31+$0x0 ss:$0x1], $0xffff  }
0x2e8: {  	v31 =	vadd.f32 v20, v6;
	s15 =	sor.u32 s9, s29;
	v27 =	vld.idx.msk [tilespmem:v3+s31+$0x0 ss:$0x1], $0xffff;
	[tilespmem:v0+s21+$0x0 ss:$0x1] =	vst.idx.msk $0xffff, v7  }
0x2e9: {  	v10 =	vadd.f32 v25, v23;
	v30 =	vld.idx.msk [tilespmem:v4+s15+$0x0 ss:$0x1], $0xffff  }
0x2ea: {  	[tilespmem:v0+s20+$0x0 ss:$0x1] =	vst.idx.msk $0xffff, v31;
	v32 =	vld.idx.msk [tilespmem:v3+s15+$0x0 ss:$0x1], $0xffff  }
0x2eb: {  	v53 =	vld.idx.msk [tilespmem:v1+s16+$0x0 ss:$0x1], $0xffff;
	[tilespmem:v2+s11+$0x0 ss:$0x1] =	vst.idx.msk $0xffff, v10;
	v7 =	vadd.f32 v29, v28  }
0x2ec: {  	v34 =	vld.idx.msk [tilespmem:v1+s11+$0x0 ss:$0x1], $0xffff;
	s8 =	rddreg [dreg:$0x8]  }
0x2ed: {  	v8 =	vadd.f32 v27, v26;
	v35 =	vld.idx.msk [tilespmem:v4+s8+$0x0 ss:$0x1], $0xffff;
	[tilespmem:v2+s14+$0x0 ss:$0x1] =	vst.idx.msk $0xffff, v7  }
0x2ee: {  	v36 =	vadd.f32 v24, v16;
	v40 =	vld.idx.msk [tilespmem:v1+s14+$0x0 ss:$0x1], $0xffff  }
0x2ef: {  	s17 =	sadd.s32 $0x1B80, s12;
	v38 =	vld.idx.msk [tilespmem:v3+s8+$0x0 ss:$0x1], $0xffff;
	[tilespmem:v2+s31+$0x0 ss:$0x1] =	vst.idx.msk $0xffff, v8;
	v39 =	vadd.f32 v32, v30  }
0x2f0: {  	s18 =	sor.u32 s30, s17;
	[tilespmem:v0+s25+$0x0 ss:$0x1] =	vst.idx.msk $0xffff, v36;
	v37 =	vld.idx.msk [tilespmem:v1+s31+$0x0 ss:$0x1], $0xffff  }
0x2f1: {  	v41 =	vld.idx.msk [tilespmem:v4+s18+$0x0 ss:$0x1], $0xffff;
	v6 =	vadd.f32 v34, v23;
	[tilespmem:v2+s15+$0x0 ss:$0x1] =	vst.idx.msk $0xffff, v39  }
0x2f2: {  	v42 =	vld.idx.msk [tilespmem:v3+s18+$0x0 ss:$0x1], $0xffff;
	s19 =	rddreg [dreg:$0x4]  }
0x2f3: {  	v8 =	vadd.f32 v40, v28;
	v7 =	vld.idx.msk [tilespmem:v1+s15+$0x0 ss:$0x1], $0xffff;
	[tilespmem:v0+s11+$0x0 ss:$0x1] =	vst.idx.msk $0xffff, v6;
	s5 =	sor.u32 s19, s26  }
0x2f4: {  	v44 =	vld.idx.msk [tilespmem:v4+s5+$0x0 ss:$0x1], $0xffff  }
0x2f5: {  	s4 =	sor.u32 s22, s17;
	v43 =	vadd.f32 v37, v26;
	[tilespmem:v0+s14+$0x0 ss:$0x1] =	vst.idx.msk $0xffff, v8;
	v45 =	vld.idx.msk [tilespmem:v3+s5+$0x0 ss:$0x1], $0xffff  }
0x2f6: {  	s20 =	sadd.s32 $0x1B80, s13;
	v48 =	vld.idx.msk [tilespmem:v4+s4+$0x0 ss:$0x1], $0xffff  }
0x2f7: {  	v50 =	vadd.f32 v33, v62;
	s21 =	sor.u32 s10, s20;
	[tilespmem:v0+s31+$0x0 ss:$0x1] =	vst.idx.msk $0xffff, v43;
	v49 =	vld.idx.msk [tilespmem:v3+s4+$0x0 ss:$0x1], $0xffff  }
0x2f8: {  	v46 =	vld.idx.msk [tilespmem:v4+s21+$0x0 ss:$0x1], $0xffff;
	v7 =	vadd.f32 v7, v30  }
0x2f9: {  	[tilespmem:v2+s28+$0x0 ss:$0x1] =	vst.idx.msk $0xffff, v50;
	v47 =	vld.idx.msk [tilespmem:v3+s21+$0x0 ss:$0x1], $0xffff  }
0x2fa: {  	s22 =	sor.u32 s9, s20;
	v16 =	vadd.f32 v38, v35;
	v15 =	vld.idx.msk [tilespmem:v1+s28+$0x0 ss:$0x1], $0xffff;
	[tilespmem:v0+s15+$0x0 ss:$0x1] =	vst.idx.msk $0xffff, v7  }
0x2fb: {  	v6 =	vadd.f32 v42, v41;
	v51 =	vld.idx.msk [tilespmem:v4+s22+$0x0 ss:$0x1], $0xffff  }
0x2fc: {  	[tilespmem:v2+s8+$0x0 ss:$0x1] =	vst.idx.msk $0xffff, v16;
	v9 =	vadd.f32 v45, v44;
	v52 =	vld.idx.msk [tilespmem:v3+s22+$0x0 ss:$0x1], $0xffff  }
0x2fd: {  	v16 =	vld.idx.msk [tilespmem:v1+s8+$0x0 ss:$0x1], $0xffff;
	[tilespmem:v2+s18+$0x0 ss:$0x1] =	vst.idx.msk $0xffff, v6;
	v7 =	vadd.f32 v49, v48  }
0x2fe: {  	v55 =	vld.idx.msk [tilespmem:v1+s18+$0x0 ss:$0x1], $0xffff;
	v54 =	vadd.f32 v47, v46;
	[tilespmem:v2+s5+$0x0 ss:$0x1] =	vst.idx.msk $0xffff, v9  }
0x2ff: {  	v5 =	vadd.f32 v53, v5;
	[tilespmem:v2+s4+$0x0 ss:$0x1] =	vst.idx.msk $0xffff, v7;
	v9 =	vld.idx.msk [tilespmem:v1+s5+$0x0 ss:$0x1], $0xffff  }
0x300: {  	v56 =	vadd.f32 v15, v62;
	[tilespmem:v2+s21+$0x0 ss:$0x1] =	vst.idx.msk $0xffff, v54;
	v57 =	vld.idx.msk [tilespmem:v1+s4+$0x0 ss:$0x1], $0xffff  }
0x301: {  	[tilespmem:v0+s16+$0x0 ss:$0x1] =	vst.idx.msk $0xffff, v5;
	v6 =	vld.idx.msk [tilespmem:v1+s21+$0x0 ss:$0x1], $0xffff;
	v3 =	vadd.f32 v52, v51  }
0x302: {  	v58 =	vadd.f32 v16, v35;
	[tilespmem:v0+s28+$0x0 ss:$0x1] =	vst.idx.msk $0xffff, v56  }
0x303: {  	v60 =	vadd.f32 v55, v41;
	[tilespmem:v2+s22+$0x0 ss:$0x1] =	vst.idx.msk $0xffff, v3  }
0x304: {  	[tilespmem:v0+s8+$0x0 ss:$0x1] =	vst.idx.msk $0xffff, v58;
	v61 =	vadd.f32 v9, v44;
	v59 =	vld.idx.msk [tilespmem:v1+s22+$0x0 ss:$0x1], $0xffff  }
0x305: {  	[tilespmem:v0+s18+$0x0 ss:$0x1] =	vst.idx.msk $0xffff, v60;
	v63 =	vadd.f32 v57, v48  }
0x306: {  	v62 =	vadd.f32 v6, v46;
	[tilespmem:v0+s5+$0x0 ss:$0x1] =	vst.idx.msk $0xffff, v61  }
0x307: {  	[tilespmem:v0+s4+$0x0 ss:$0x1] =	vst.idx.msk $0xffff, v63  }
0x308: {  	[tilespmem:v0+s21+$0x0 ss:$0x1] =	vst.idx.msk $0xffff, v62  }
0x309: {  	s17 =	sld [smem:$0x7F8];
	v1 =	vadd.f32 v59, v51;
	_ =	sdelay $0x1  }
0x30a: {  	[tilespmem:v0+s22+$0x0 ss:$0x1] =	vst.idx.msk $0xffff, v1  }
0x30b: {  	p2 =	seq.s32 s17, $0x1F;
	_ =	strace $0x9000004F  }
0x30c: {  	p1 =	por p2, p1;
	s4 =	sld [smem:$0x7FD]  }
0x30d: {  	_ =	strace @p1 $0x80000050  }
0x30e: {  	s1 =	sld [smem:$0x7F2]  }
0x30f: {  	s5 =	sld [smem:$0x7F3];
	s0 =	smul.u32 @p1 $0x600, s4  }
0x310: {  	s2 =	simm.s32 @p1 $0x0;
	s3 =	rddreg [dreg:$0x2]  }
0x311: {  	s23 =	sld [smem:$0x7FB];
	s1 =	sadd.s32 @p1 $0x7, s1;
	s0 =	sadd.s32 @p1 s3, s0  }
0x312: {  	[hbm4b:s0+s2] =	stream.linear.scatter @p1 [tilespmem:s5], [sflag:s1], $0x3000, $0x200038;
	[tilespmem:$0x1E000] =	vst v63  }
0x313: {  	s5 =	sld [smem:$0x7F9];
	_ =	sdelay $0x2  }
0x314: {  	p3 =	sne.s32 s5, s23  }
0x315: {  	_ =	strace @p1 $0x90000050;
	p3 =	por p2, p3  }
0x316: {  	_ =	strace @p3 $0x80000051  }
0x317: {  	s0 =	smul.u32 @p3 $0x600, s5;
	s1 =	sld [smem:$0x7F4]  }
0x318: {  	s24 =	sld [smem:$0x7F7]  }
0x319: {  	s0 =	sadd.s32 @p3 s3, s0;
	s3 =	sld [smem:$0x7F5]  }
0x31a: {  	p6 =	sne.s32 s17, $0x0  }
0x31b: {  	s2 =	simm.s32 @p3 $0x0;
	s1 =	sadd.s32 @p3 $0x9, s1;
	p4 =	sne.s32 s4, s24  }
0x31c: {  	[hbm4b:s0+s2] =	stream.linear.scatter @p3 [tilespmem:s3], [sflag:s1], $0x3000, $0x200038;
	[tilespmem:$0x1E000] =	vst v63  }
0x31d: {  	p4 =	por !p6, !p4;
	_ =	strace @p3 $0x90000051  }
0x31e: {  	p5 =	por !p4, !p4;
	s3 =	rddreg [dreg:$0x17]  }
0x31f: {  	_ =	strace @p5 $0x80000052;
	s0 =	sand.u32 @p5 $0x1, s3  }
0x320: {  	s25 =	sld [smem:$0x7FA];
	s0 =	sadd.s32 @p5 $0x7, s0  }
0x321: {  	_ =	swait.ge @p5 [sflag:s0], $0x3000  }
0x322: {  	[sflag:s0] =	ssyncset.done @p5 $0x0  }
0x323: {  	p4 =	sne.s32 s5, s25;
	[sflag:s0] =	ssyncadd.s32 @p5 $0xFFFFD000  }
0x324: {  	p4 =	por !p6, !p4;
	_ =	strace @p5 $0x90000052  }
0x325: {  	p4 =	por !p4, !p4;
	s2 =	rddreg [dreg:$0x15]  }
0x326: {  	s0 =	sand.u32 @p4 $0x1, s2  }
0x327: {  	_ =	strace @p4 $0x80000053;
	s0 =	sadd.s32 @p4 $0x9, s0  }
0x328: {  	s17 =	sadd.s32 $0x1, s17;
	s1 =	simm.s32 $0x1;
	_ =	swait.ge @p4 [sflag:s0], $0x3000  }
0x329: {  	p0 =	por p2, p0;
	s1 =	simm.s32 @!p5 $0x0;
	[sflag:s0] =	ssyncset.done @p4 $0x0  }
0x32a: {  	s26 =	rddreg [dreg:$0x19];
	[sflag:s0] =	ssyncadd.s32 @p4 $0xFFFFD000;
	s0 =	simm.s32 $0x1  }
0x32b: {  	s3 =	sadd.s32 s1, s3;
	s28 =	rddreg [dreg:$0x1e];
	s0 =	simm.s32 @!p1 $0x0  }
0x32c: {  	s13 =	sadd.s32 s0, s26;
	s16 =	sadd.s32 s0, s28;
	s0 =	simm.s32 $0x1  }
0x32d: {  	s1 =	simm.s32 $0x1;
	s0 =	simm.s32 @!p0 $0x0;
	p0 =	sne.s32 s17, $0x20  }
.Ltmp1:
0x32e: {  	s1 =	simm.s32 @!p4 $0x0;
	s29 =	rddreg [dreg:$0x18];
	(pc) =	sbr.rel @p0 .LBB2_2-.Ltmp1, $4  }
0x32f: {  	s2 =	sadd.s32 s1, s2;
	s1 =	simm.s32 $0x1;
	s30 =	rddreg [dreg:$0x1c]  }
0x330: {  	s1 =	simm.s32 @!p3 $0x0;
	s31 =	rddreg [dreg:$0x1a];
	_ =	strace @p4 $0x90000053  }
0x331: {  	s12 =	sadd.s32 s1, s29;
	s15 =	sadd.s32 s1, s30;
	s1 =	rddreg [dreg:$0x16]  }
0x332: {  	s14 =	sadd.s32 s0, s31;
	s0 =	sld [smem:$0x7FC]  }
0x333: {  	s0 =	sand.u32 $0x1, s3  }
0x334: {  	_ =	strace $0x80000054;
	s0 =	sadd.s32 $0x7, s0  }
0x335: {  	_ =	swait.ge [sflag:s0], $0x3000  }
0x336: {  	s1 =	sand.u32 $0x1, s2;
	[sflag:s0] =	ssyncset.done $0x0  }
0x337: {  	s29 =	sadd.s32 $0x9, s1;
	[sflag:s0] =	ssyncadd.s32 $0xFFFFD000  }
0x338: {  	_ =	swait.ge [sflag:s29], $0x3000  }
0x339: {  	s30 =	rddreg [dreg:$0x14]  }
0x33a: {  	s31 =	rddreg [dreg:$0x13];
	s1 =	sadd.s32 $0x1, s30  }
0x33b: {  	p0 =	sne.s32 s1, s31  }
.Ltmp2:
0x33c: {  	_ = 	snop;
	(pc) =	sbr.rel @p0 .LBB2_1-.Ltmp2, $4  }
0x33d: {  	_ = 	snop  }
0x33e: {  	[sflag:s29] =	ssyncset.done $0x0  }
0x33f: {  	[sflag:s29] =	ssyncadd.s32 $0xFFFFD000  }
0x340: {  	_ =	strace $0x90000054  }
0x341: {  	_ =	sfence.sel $0x180000  }
0x342: {  	[bflag:$0x0] =	sbarrier.arrive $0xFFFF  }
0x343: {  	_ =	strace $0x90000047  }
0x344: {  	s0 =	stileid.u32;
	[bflag:$0x2] =	sbarrier.arrive $0xFFFF  }
0x345: {  	p0 =	sne.s32 s0, $0x0;
	s0 =	rddreg [dreg:$0x3]  }
0x346: {  	s0 =	sadd.s32 @!p0 $0x100000, s0  }
0x347: {  	[sflag:s0] =	ssyncadd.tile.s32 @!p0 $0x1;
	_ =	shalt  }
.Lfunc_end2:
_tile_overlayer_lowered:
.L_overlay_start_2:
0x348: {  	(tag) =	ssettag $0x2  }
0x349: {  	s0 =	rddreg [dreg:$0x0];
	s2 =	stileid.u32  }
0x34a: {  	s1 =	rddreg [dreg:$0x1];
	p0 =	sne.s32 s2, $0x0  }
0x34b: {  	s3 =	rddreg [dreg:$0x2];
	[bflag:$0x3] =	sbarrier.arrive $0xFFFF;
	s2 =	simm.s32 @!p0 $0x1C01  }
0x34c: {  	[timem:s3], [sflag:s2] =	dma.local @!p0 [hbm:s0], s1  }
0x34d: {  	s0 =	simm.s32 @!p0 $0x1  }
0x34e: {  	_ =	swait.ge @!p0 [sflag:s0], s1  }
0x34f: {  	s1 =	ssub.s32 @!p0 $0x0, s1;
	[sflag:s0] =	ssyncset.done @!p0 $0x0  }
0x350: {  	[sflag:s0] =	ssyncadd.s32 @!p0 s1  }
0x351: {  	[bflag:$0x3] =	sbarrier.arrive $0xFFFF  }
0x352: {  	_ =	shalt  }

</sc_bundles>
